<compile_context>
chip_gen: v7x
topology: tpu7x:2x2x1
jax: 0.10.2.dev20260603
libtpu: 0.0.44.dev20260713+nightly
codegen_flags: <defaults>
</compile_context>

<pallas_src>
import functools

import jax
import jax.numpy as jnp
from jax import lax
from jax.experimental import pallas as pl
from jax.experimental.pallas import tpu as pltpu
from jax.experimental.pallas import tpu_sc as plsc

N = 50000
E = 800000
DIN = 100
H = 64
G = 512

HH = H // 2
NS = 16
EPT = E // NS
IB = 125
NI = 2
CH = NI * IB
NCHUNK = EPT // CH
WCH = 1000
NZC = N // WCH

BLK = 2000
NBLK = N // BLK


def _sc_edge_agg(p2, src3, dst3):
    mesh = plsc.VectorSubcoreMesh(core_axis_name="c", subcore_axis_name="s")

    @functools.partial(
        pl.kernel,
        out_type=jax.ShapeDtypeStruct((2, N, HH), jnp.float32),
        mesh=mesh,
        scratch_types=[
            pltpu.VMEM((NI, IB), jnp.int32),
            pltpu.VMEM((NI, IB), jnp.int32),
            pltpu.VMEM((NI, IB), jnp.int32),
            pltpu.VMEM((NI, IB), jnp.int32),
            pltpu.VMEM((CH, HH), jnp.float32),
            pltpu.VMEM((CH, HH), jnp.float32),
            pltpu.VMEM_SHARED((N, HH), jnp.float32),
            pltpu.SemaphoreType.DMA,
            pltpu.SemaphoreType.DMA,
            pltpu.SemaphoreType.DMA,
            pltpu.SemaphoreType.DMA,
        ],
        compiler_params=pltpu.CompilerParams(use_tc_tiling_on_sc=False),
    )
    def k(p_hbm, src_hbm, dst_hbm, out_hbm, sidx0, didx0, sidx1, didx1,
          rows0, rows1, acc, semI0, semI1, semG0, semG1):
        c = lax.axis_index("c")
        s = lax.axis_index("s")

        @pl.loop(0, CH)
        def _(r):
            @pl.loop(0, HH, step=16)
            def _(cc):
                rows0[r, pl.ds(cc, 16)] = jnp.zeros((16,), jnp.float32)

        @pl.loop(0, (NZC + NS - 1) // NS)
        def _(j):
            kk = s + j * NS

            @pl.when(kk < NZC)
            def _():
                for q in range(WCH // CH):
                    pltpu.sync_copy(rows0, acc.at[pl.ds(kk * WCH + q * CH, CH)])

        plsc.subcore_barrier()

        e0 = s * NCHUNK

        def fire_idx(i, sb, db, sem):
            pltpu.async_copy(src_hbm.at[e0 + i], sb, sem)
            pltpu.async_copy(dst_hbm.at[e0 + i], db, sem)

        def wait_idx(sb, db, sem):
            pltpu.make_async_copy(src_hbm.at[0], sb, sem).wait()
            pltpu.make_async_copy(dst_hbm.at[0], db, sem).wait()

        def fire_gather(sb, rows_b, sem):
            for j in range(NI):
                pltpu.async_copy(p_hbm.at[c].at[sb.at[j]],
                                 rows_b.at[pl.ds(j * IB, IB)], sem)

        def wait_gather(sb, rows_b, sem):
            for j in range(NI):
                pltpu.make_async_copy(p_hbm.at[c].at[sb.at[j]],
                                      rows_b.at[pl.ds(j * IB, IB)], sem).wait()

        def scatter(db, rows_b):
            for j in range(NI):
                pltpu.sync_copy(rows_b.at[pl.ds(j * IB, IB)],
                                acc.at[db.at[j]], add=True)

        fire_idx(0, sidx0, didx0, semI0)
        fire_idx(1, sidx1, didx1, semI1)
        wait_idx(sidx0, didx0, semI0)
        fire_gather(sidx0, rows0, semG0)

        @pl.loop(0, NCHUNK // 2)
        def _(t):
            a = 2 * t
            wait_idx(sidx1, didx1, semI1)
            fire_gather(sidx1, rows1, semG1)
            wait_gather(sidx0, rows0, semG0)
            scatter(didx0, rows0)

            @pl.when(a + 2 < NCHUNK)
            def _():
                fire_idx(a + 2, sidx0, didx0, semI0)

            wait_gather(sidx1, rows1, semG1)

            @pl.when(a + 2 < NCHUNK)
            def _():
                wait_idx(sidx0, didx0, semI0)
                fire_gather(sidx0, rows0, semG0)

            scatter(didx1, rows1)

            @pl.when(a + 3 < NCHUNK)
            def _():
                fire_idx(a + 3, sidx1, didx1, semI1)

        plsc.subcore_barrier()

        @pl.loop(0, (NZC + NS - 1) // NS)
        def _(j):
            k = s + j * NS

            @pl.when(k < NZC)
            def _():
                pltpu.sync_copy(acc.at[pl.ds(k * WCH, WCH)],
                                out_hbm.at[c].at[pl.ds(k * WCH, WCH)])

    return k(p2, src3, dst3)


def _dense_first(x, w_rel, w_root, b):
    def body(x_ref, wr_ref, wo_ref, b_ref, p_ref, r_ref):
        xb = x_ref[...]
        p = jnp.dot(xb, wr_ref[...], preferred_element_type=jnp.float32)
        r = jnp.dot(xb, wo_ref[...], preferred_element_type=jnp.float32)
        p_ref[0, :, :] = p[:, :HH]
        p_ref[1, :, :] = p[:, HH:]
        r_ref[...] = r + b_ref[...]

    d = x.shape[1]
    return pl.pallas_call(
        body,
        grid=(NBLK,),
        in_specs=[
            pl.BlockSpec((BLK, d), lambda i: (i, 0)),
            pl.BlockSpec((d, H), lambda i: (0, 0)),
            pl.BlockSpec((d, H), lambda i: (0, 0)),
            pl.BlockSpec((1, H), lambda i: (0, 0)),
        ],
        out_specs=[
            pl.BlockSpec((2, BLK, HH), lambda i: (0, i, 0)),
            pl.BlockSpec((BLK, H), lambda i: (i, 0)),
        ],
        out_shape=[
            jax.ShapeDtypeStruct((2, N, HH), jnp.float32),
            jax.ShapeDtypeStruct((N, H), jnp.float32),
        ],
    )(x, w_rel, w_root, b)


def _dense_mid(agg, r, w_rel, w_root, b):
    def body(agg_ref, r_ref, wr_ref, wo_ref, b_ref, p_ref, rout_ref):
        h = jnp.concatenate([agg_ref[0, :, :], agg_ref[1, :, :]], axis=1)
        h = jnp.maximum(h + r_ref[...], 0.0)
        p = jnp.dot(h, wr_ref[...], preferred_element_type=jnp.float32)
        rn = jnp.dot(h, wo_ref[...], preferred_element_type=jnp.float32)
        p_ref[0, :, :] = p[:, :HH]
        p_ref[1, :, :] = p[:, HH:]
        rout_ref[...] = rn + b_ref[...]

    return pl.pallas_call(
        body,
        grid=(NBLK,),
        in_specs=[
            pl.BlockSpec((2, BLK, HH), lambda i: (0, i, 0)),
            pl.BlockSpec((BLK, H), lambda i: (i, 0)),
            pl.BlockSpec((H, H), lambda i: (0, 0)),
            pl.BlockSpec((H, H), lambda i: (0, 0)),
            pl.BlockSpec((1, H), lambda i: (0, 0)),
        ],
        out_specs=[
            pl.BlockSpec((2, BLK, HH), lambda i: (0, i, 0)),
            pl.BlockSpec((BLK, H), lambda i: (i, 0)),
        ],
        out_shape=[
            jax.ShapeDtypeStruct((2, N, HH), jnp.float32),
            jax.ShapeDtypeStruct((N, H), jnp.float32),
        ],
    )(agg, r, w_rel, w_root, b)


def _pool_head(agg, r, batch3, w_lin, b_lin):
    def body(agg_ref, r_ref, batch_ref, wl_ref, bl_ref, out_ref, sums, counts):
        i = pl.program_id(0)

        @pl.when(i == 0)
        def _():
            sums[...] = jnp.zeros_like(sums)
            counts[...] = jnp.zeros_like(counts)

        h = jnp.concatenate([agg_ref[0, :, :], agg_ref[1, :, :]], axis=1)
        h = h + r_ref[...]
        bids = batch_ref[0, 0, :]
        onehot = (bids[None, :] ==
                  lax.broadcasted_iota(jnp.int32, (G, 1), 0)).astype(jnp.float32)
        sums[...] += jnp.dot(onehot, h, preferred_element_type=jnp.float32)
        counts[...] += jnp.sum(onehot, axis=1, keepdims=True)

        @pl.when(i == pl.num_programs(0) - 1)
        def _():
            pooled = sums[...] / jnp.maximum(counts[...], 1.0)
            out_ref[...] = (jnp.dot(pooled, wl_ref[...],
                                    preferred_element_type=jnp.float32)
                            + bl_ref[...])

    return pl.pallas_call(
        body,
        grid=(NBLK,),
        in_specs=[
            pl.BlockSpec((2, BLK, HH), lambda i: (0, i, 0)),
            pl.BlockSpec((BLK, H), lambda i: (i, 0)),
            pl.BlockSpec((1, 1, BLK), lambda i: (i, 0, 0)),
            pl.BlockSpec((H, 2), lambda i: (0, 0)),
            pl.BlockSpec((1, 2), lambda i: (0, 0)),
        ],
        out_specs=pl.BlockSpec((G, 2), lambda i: (0, 0)),
        out_shape=jax.ShapeDtypeStruct((G, 2), jnp.float32),
        scratch_shapes=[
            pltpu.VMEM((G, H), jnp.float32),
            pltpu.VMEM((G, 1), jnp.float32),
        ],
    )(agg, r, batch3, w_lin, b_lin)


def kernel(x, edge_index, batch, W1_rel, W1_root, b1, W2_rel, W2_root, b2,
           W3_rel, W3_root, b3, W_lin, b_lin):
    src3 = edge_index[0].reshape(E // CH, NI, IB)
    dst3 = edge_index[1].reshape(E // CH, NI, IB)
    batch3 = batch.reshape(NBLK, 1, BLK)

    p1, r1 = _dense_first(x, W1_rel, W1_root, b1.reshape(1, H))
    agg1 = _sc_edge_agg(p1, src3, dst3)
    p2, r2 = _dense_mid(agg1, r1, W2_rel, W2_root, b2.reshape(1, H))
    agg2 = _sc_edge_agg(p2, src3, dst3)
    p3, r3 = _dense_mid(agg2, r2, W3_rel, W3_root, b3.reshape(1, H))
    agg3 = _sc_edge_agg(p3, src3, dst3)
    return _pool_head(agg3, r3, batch3, W_lin, b_lin.reshape(1, 2))

# --- scband reference (transcript-rebuilt; emitter-appended) ---
"""Pipeline reference for scband-gnn-80075370267323 (READ-ONLY COPY).

The authoritative reference and input builder live on the scoring server;
editing this copy changes nothing except your own understanding.
"""

import jax, jax.numpy as jnp
import numpy as np

N = 50000
E = 800000
DIN = 100
H = 64
G = 512


def setup_inputs(seed: int = 0) -> dict:
    key = jax.random.key(seed)
    ks = jax.random.split(key, 16)
    x = jax.random.normal(ks[0], (N, DIN), dtype=jnp.float32)
    edge_index = jax.random.randint(ks[1], (2, E), 0, N, dtype=jnp.int32)
    batch = jnp.sort(jax.random.randint(ks[2], (N,), 0, G, dtype=jnp.int32))

    def lin(k, fan_in, fan_out):
        return jax.random.normal(k, (fan_in, fan_out), dtype=jnp.float32) / jnp.sqrt(float(fan_in))

    params = {
        'W1_rel': lin(ks[3], DIN, H), 'W1_root': lin(ks[4], DIN, H), 'b1': jnp.zeros((H,), jnp.float32),
        'W2_rel': lin(ks[5], H, H),   'W2_root': lin(ks[6], H, H),   'b2': jnp.zeros((H,), jnp.float32),
        'W3_rel': lin(ks[7], H, H),   'W3_root': lin(ks[8], H, H),   'b3': jnp.zeros((H,), jnp.float32),
        'W_lin': lin(ks[9], H, 2),    'b_lin': jnp.zeros((2,), jnp.float32),
    }
    return {'x': x, 'edge_index': edge_index, 'batch': batch, **params}


def _graph_conv(x, src, dst, W_rel, W_root, b):
    # PyG GraphConv: out_i = W_root x_i + W_rel * sum_{j in N(i)} x_j + b
    msg = jnp.take(x, src, axis=0)
    agg = jax.ops.segment_sum(msg, dst, num_segments=N)
    return agg @ W_rel + x @ W_root + b


def reference(x, edge_index, batch, W1_rel, W1_root, b1, W2_rel, W2_root, b2, W3_rel, W3_root, b3, W_lin, b_lin):
    src = edge_index[0]
    dst = edge_index[1]
    h = jax.nn.relu(_graph_conv(x, src, dst, W1_rel, W1_root, b1))
    h = jax.nn.relu(_graph_conv(h, src, dst, W2_rel, W2_root, b2))
    h = _graph_conv(h, src, dst, W3_rel, W3_root, b3)
    # global_mean_pool over graphs
    sums = jax.ops.segment_sum(h, batch, num_segments=G)
    counts = jax.ops.segment_sum(jnp.ones((N, 1), jnp.float32), batch, num_segments=G)
    pooled = sums / jnp.maximum(counts, 1.0)
    # dropout treated as identity (inference semantics for determinism)
    out = pooled @ W_lin + b_lin
    return out

if __name__ == "__main__":
    import jax
    _d = setup_inputs()
    print(jax.jit(kernel)(*tuple(_d.values())))

</pallas_src>

<mosaic_0001>
#map = affine_map<(d0, d1) -> (0, 0, 0)>
module attributes {stable_mosaic.version = 14 : i64} {
  func.func @k(%arg0: i32, %arg1: i32, %arg2: memref<2x50000x32xf32, #tpu.memory_space<hbm>>, %arg3: memref<3200x2x125xi32, #tpu.memory_space<hbm>>, %arg4: memref<3200x2x125xi32, #tpu.memory_space<hbm>>, %arg5: memref<2x50000x32xf32, #tpu.memory_space<hbm>>, %arg6: memref<2x125xi32, #tpu.memory_space<vmem>>, %arg7: memref<2x125xi32, #tpu.memory_space<vmem>>, %arg8: memref<2x125xi32, #tpu.memory_space<vmem>>, %arg9: memref<2x125xi32, #tpu.memory_space<vmem>>, %arg10: memref<250x32xf32, #tpu.memory_space<vmem>>, %arg11: memref<250x32xf32, #tpu.memory_space<vmem>>, %arg12: memref<50000x32xf32, #tpu.memory_space<vmem_shared>>, %arg13: memref<!tpu.dma_semaphore, #tpu.memory_space<semaphore_mem>>, %arg14: memref<!tpu.dma_semaphore, #tpu.memory_space<semaphore_mem>>, %arg15: memref<!tpu.dma_semaphore, #tpu.memory_space<semaphore_mem>>, %arg16: memref<!tpu.dma_semaphore, #tpu.memory_space<semaphore_mem>>) attributes {dimension_semantics = [#tpu.dimension_semantics<core_parallel>, #tpu.dimension_semantics<subcore_parallel>], iteration_bounds = array<i64: 2, 16>, scalar_prefetch = 0 : i64, scratch_operands = 11 : i64, tpu.core_type = #tpu.core_type<sc_vector_subcore>, window_params = [{transform_indices = #map}, {transform_indices = #map}, {transform_indices = #map}, {transform_indices = #map}]} {
    %scan3A = arith.constant 0 : i32
    %scan3A_0 = arith.constant 250 : i32
    %scan3A_1 = arith.addi %scan3A, %scan3A_0 : i32
    %scan3A_2 = arith.constant 1 : i32
    scf.for %scan3A_104 = %scan3A to %scan3A_1 step %scan3A_2  : i32 {
      %mul3A_105 = arith.constant 1 : i32
      %mul3A_106 = arith.muli %scan3A_104, %mul3A_105 : i32
      %add3A_107 = arith.constant 0 : i32
      %add3A_108 = arith.addi %add3A_107, %mul3A_106 : i32
      %scan3A_109 = arith.constant 0 : i32
      %scan3A_110 = arith.constant 2 : i32
      %scan3A_111 = arith.addi %scan3A_109, %scan3A_110 : i32
      %scan3A_112 = arith.constant 1 : i32
      scf.for %scan3A_114 = %scan3A_109 to %scan3A_111 step %scan3A_112  : i32 {
        %mul3A_115 = arith.constant 16 : i32
        %mul3A_116 = arith.muli %scan3A_114, %mul3A_115 : i32
        %add3A_117 = arith.constant 0 : i32
        %add3A_118 = arith.addi %add3A_117, %mul3A_116 : i32
        %broadcast_in_dim3A = arith.constant 0.000000e+00 : f32
        %broadcast_in_dim3A_119 = vector.broadcast %broadcast_in_dim3A : f32 to vector<16xf32>
        %swap3A = arith.index_cast %add3A_108 : i32 to index
        %swap3A_120 = arith.index_cast %add3A_118 : i32 to index
        %swap3A_121 = tpu.vector_load %arg10[%swap3A, %swap3A_120] {strides = array<i32>} : memref<250x32xf32, #tpu.memory_space<vmem>>, vector<1x16xf32>,
        %swap3A_122 = vector.shape_cast %swap3A_121 : vector<1x16xf32> to vector<16xf32>
        %swap3A_123 = vector.shape_cast %broadcast_in_dim3A_119 : vector<16xf32> to vector<1x16xf32>
        tpu.vector_store %arg10[%swap3A, %swap3A_120], %swap3A_123 {strides = array<i32>} : memref<250x32xf32, #tpu.memory_space<vmem>>, vector<1x16xf32>,
      }
      %scan3A_113 = arith.constant 2 : i32
    }
    %scan3A_3 = arith.constant 250 : i32
    %scan3A_4 = arith.constant 0 : i32
    %scan3A_5 = arith.constant 4 : i32
    %scan3A_6 = arith.addi %scan3A_4, %scan3A_5 : i32
    %scan3A_7 = arith.constant 1 : i32
    scf.for %scan3A_104 = %scan3A_4 to %scan3A_6 step %scan3A_7  : i32 {
      %mul3A_105 = arith.constant 1 : i32
      %mul3A_106 = arith.muli %scan3A_104, %mul3A_105 : i32
      %add3A_107 = arith.constant 0 : i32
      %add3A_108 = arith.addi %add3A_107, %mul3A_106 : i32
      %mul3A_109 = arith.constant 16 : i32
      %mul3A_110 = arith.muli %add3A_108, %mul3A_109 : i32
      %add3A_111 = arith.addi %arg1, %mul3A_110 : i32
      %lt3A = arith.constant 50 : i32
      %lt3A_112 = arith.cmpi slt, %add3A_111, %lt3A : i32
      %convert_element_type3A = arith.extui %lt3A_112 : i1 to i32
      %cond3A = arith.constant 0 : i32
      %cond3A_113 = arith.cmpi ne, %convert_element_type3A, %cond3A : i32
      scf.if %cond3A_113 {
        %mul3A_114 = arith.constant 1000 : i32
        %mul3A_115 = arith.muli %add3A_111, %mul3A_114 : i32
        %add3A_116 = arith.constant 0 : i32
        %add3A_117 = arith.addi %mul3A_115, %add3A_116 : i32
        "tpu.region"() ({
          %run_scoped3A = tpu.sem_alloc : memref<!tpu.dma_semaphore, #tpu.memory_space<semaphore_mem>>
          %dma_start3A_130 = arith.constant 0 : i32
          %dma_start3A_131 = tpu.memref_slice %arg12[%add3A_117, %dma_start3A_130] : memref<50000x32xf32, #tpu.memory_space<vmem_shared>> -> memref<250x32xf32, #tpu.memory_space<vmem_shared>>
          %dma_start3A_132 = arith.constant 0 : i32
          %dma_start3A_133 = tpu.memref_slice %arg12[%add3A_117, %dma_start3A_132] : memref<50000x32xf32, #tpu.memory_space<vmem_shared>> -> memref<250x32xf32, #tpu.memory_space<vmem_shared>>
          tpu.enqueue_dma source(%arg10 : memref<250x32xf32, #tpu.memory_space<vmem>>) target(%dma_start3A_133 : memref<250x32xf32, #tpu.memory_space<vmem_shared>>) target_semaphore(%run_scoped3A : memref<!tpu.dma_semaphore, #tpu.memory_space<semaphore_mem>>)
          %dma_wait3A_134 = arith.constant 0 : i32
          %dma_wait3A_135 = tpu.memref_slice %arg12[%add3A_117, %dma_wait3A_134] : memref<50000x32xf32, #tpu.memory_space<vmem_shared>> -> memref<250x32xf32, #tpu.memory_space<vmem_shared>>
          %dma_wait3A_136 = arith.constant 0 : i32
          %dma_wait3A_137 = tpu.memref_slice %arg12[%add3A_117, %dma_wait3A_136] : memref<50000x32xf32, #tpu.memory_space<vmem_shared>> -> memref<250x32xf32, #tpu.memory_space<vmem_shared>>
          tpu.wait_dma2 semaphore(%run_scoped3A : memref<!tpu.dma_semaphore, #tpu.memory_space<semaphore_mem>>) src(%arg10 : memref<250x32xf32, #tpu.memory_space<vmem>>) dst(%dma_wait3A_137 : memref<250x32xf32, #tpu.memory_space<vmem_shared>>)
          tpu.yield
        }) : () -> ()
        %mul3A_118 = arith.constant 1000 : i32
        %mul3A_119 = arith.muli %add3A_111, %mul3A_118 : i32
        %add3A_120 = arith.constant 250 : i32
        %add3A_121 = arith.addi %mul3A_119, %add3A_120 : i32
        "tpu.region"() ({
          %run_scoped3A = tpu.sem_alloc : memref<!tpu.dma_semaphore, #tpu.memory_space<semaphore_mem>>
          %dma_start3A_130 = arith.constant 0 : i32
          %dma_start3A_131 = tpu.memref_slice %arg12[%add3A_121, %dma_start3A_130] : memref<50000x32xf32, #tpu.memory_space<vmem_shared>> -> memref<250x32xf32, #tpu.memory_space<vmem_shared>>
          %dma_start3A_132 = arith.constant 0 : i32
          %dma_start3A_133 = tpu.memref_slice %arg12[%add3A_121, %dma_start3A_132] : memref<50000x32xf32, #tpu.memory_space<vmem_shared>> -> memref<250x32xf32, #tpu.memory_space<vmem_shared>>
          tpu.enqueue_dma source(%arg10 : memref<250x32xf32, #tpu.memory_space<vmem>>) target(%dma_start3A_133 : memref<250x32xf32, #tpu.memory_space<vmem_shared>>) target_semaphore(%run_scoped3A : memref<!tpu.dma_semaphore, #tpu.memory_space<semaphore_mem>>)
          %dma_wait3A_134 = arith.constant 0 : i32
          %dma_wait3A_135 = tpu.memref_slice %arg12[%add3A_121, %dma_wait3A_134] : memref<50000x32xf32, #tpu.memory_space<vmem_shared>> -> memref<250x32xf32, #tpu.memory_space<vmem_shared>>
          %dma_wait3A_136 = arith.constant 0 : i32
          %dma_wait3A_137 = tpu.memref_slice %arg12[%add3A_121, %dma_wait3A_136] : memref<50000x32xf32, #tpu.memory_space<vmem_shared>> -> memref<250x32xf32, #tpu.memory_space<vmem_shared>>
          tpu.wait_dma2 semaphore(%run_scoped3A : memref<!tpu.dma_semaphore, #tpu.memory_space<semaphore_mem>>) src(%arg10 : memref<250x32xf32, #tpu.memory_space<vmem>>) dst(%dma_wait3A_137 : memref<250x32xf32, #tpu.memory_space<vmem_shared>>)
          tpu.yield
        }) : () -> ()
        %mul3A_122 = arith.constant 1000 : i32
        %mul3A_123 = arith.muli %add3A_111, %mul3A_122 : i32
        %add3A_124 = arith.constant 500 : i32
        %add3A_125 = arith.addi %mul3A_123, %add3A_124 : i32
        "tpu.region"() ({
          %run_scoped3A = tpu.sem_alloc : memref<!tpu.dma_semaphore, #tpu.memory_space<semaphore_mem>>
          %dma_start3A_130 = arith.constant 0 : i32
          %dma_start3A_131 = tpu.memref_slice %arg12[%add3A_125, %dma_start3A_130] : memref<50000x32xf32, #tpu.memory_space<vmem_shared>> -> memref<250x32xf32, #tpu.memory_space<vmem_shared>>
          %dma_start3A_132 = arith.constant 0 : i32
          %dma_start3A_133 = tpu.memref_slice %arg12[%add3A_125, %dma_start3A_132] : memref<50000x32xf32, #tpu.memory_space<vmem_shared>> -> memref<250x32xf32, #tpu.memory_space<vmem_shared>>
          tpu.enqueue_dma source(%arg10 : memref<250x32xf32, #tpu.memory_space<vmem>>) target(%dma_start3A_133 : memref<250x32xf32, #tpu.memory_space<vmem_shared>>) target_semaphore(%run_scoped3A : memref<!tpu.dma_semaphore, #tpu.memory_space<semaphore_mem>>)
          %dma_wait3A_134 = arith.constant 0 : i32
          %dma_wait3A_135 = tpu.memref_slice %arg12[%add3A_125, %dma_wait3A_134] : memref<50000x32xf32, #tpu.memory_space<vmem_shared>> -> memref<250x32xf32, #tpu.memory_space<vmem_shared>>
          %dma_wait3A_136 = arith.constant 0 : i32
          %dma_wait3A_137 = tpu.memref_slice %arg12[%add3A_125, %dma_wait3A_136] : memref<50000x32xf32, #tpu.memory_space<vmem_shared>> -> memref<250x32xf32, #tpu.memory_space<vmem_shared>>
          tpu.wait_dma2 semaphore(%run_scoped3A : memref<!tpu.dma_semaphore, #tpu.memory_space<semaphore_mem>>) src(%arg10 : memref<250x32xf32, #tpu.memory_space<vmem>>) dst(%dma_wait3A_137 : memref<250x32xf32, #tpu.memory_space<vmem_shared>>)
          tpu.yield
        }) : () -> ()
        %mul3A_126 = arith.constant 1000 : i32
        %mul3A_127 = arith.muli %add3A_111, %mul3A_126 : i32
        %add3A_128 = arith.constant 750 : i32
        %add3A_129 = arith.addi %mul3A_127, %add3A_128 : i32
        "tpu.region"() ({
          %run_scoped3A = tpu.sem_alloc : memref<!tpu.dma_semaphore, #tpu.memory_space<semaphore_mem>>
          %dma_start3A_130 = arith.constant 0 : i32
          %dma_start3A_131 = tpu.memref_slice %arg12[%add3A_129, %dma_start3A_130] : memref<50000x32xf32, #tpu.memory_space<vmem_shared>> -> memref<250x32xf32, #tpu.memory_space<vmem_shared>>
          %dma_start3A_132 = arith.constant 0 : i32
          %dma_start3A_133 = tpu.memref_slice %arg12[%add3A_129, %dma_start3A_132] : memref<50000x32xf32, #tpu.memory_space<vmem_shared>> -> memref<250x32xf32, #tpu.memory_space<vmem_shared>>
          tpu.enqueue_dma source(%arg10 : memref<250x32xf32, #tpu.memory_space<vmem>>) target(%dma_start3A_133 : memref<250x32xf32, #tpu.memory_space<vmem_shared>>) target_semaphore(%run_scoped3A : memref<!tpu.dma_semaphore, #tpu.memory_space<semaphore_mem>>)
          %dma_wait3A_134 = arith.constant 0 : i32
          %dma_wait3A_135 = tpu.memref_slice %arg12[%add3A_129, %dma_wait3A_134] : memref<50000x32xf32, #tpu.memory_space<vmem_shared>> -> memref<250x32xf32, #tpu.memory_space<vmem_shared>>
          %dma_wait3A_136 = arith.constant 0 : i32
          %dma_wait3A_137 = tpu.memref_slice %arg12[%add3A_129, %dma_wait3A_136] : memref<50000x32xf32, #tpu.memory_space<vmem_shared>> -> memref<250x32xf32, #tpu.memory_space<vmem_shared>>
          tpu.wait_dma2 semaphore(%run_scoped3A : memref<!tpu.dma_semaphore, #tpu.memory_space<semaphore_mem>>) src(%arg10 : memref<250x32xf32, #tpu.memory_space<vmem>>) dst(%dma_wait3A_137 : memref<250x32xf32, #tpu.memory_space<vmem_shared>>)
          tpu.yield
        }) : () -> ()
      } else {
      }
    }
    %scan3A_8 = arith.constant 4 : i32
    %barrier3A = arith.constant 0 : index
    tpu.barrier barrier_id(%barrier3A)
    %mul3A = arith.constant 200 : i32
    %mul3A_9 = arith.muli %arg1, %mul3A : i32
    %add3A = arith.constant 0 : i32
    %add3A_10 = arith.addi %mul3A_9, %add3A : i32
    %dma_start3A = arith.constant 0 : i32
    %dma_start3A_11 = arith.constant 0 : i32
    %dma_start3A_12 = tpu.memref_slice %arg3[%add3A_10, %dma_start3A, %dma_start3A_11] : memref<3200x2x125xi32, #tpu.memory_space<hbm>> -> memref<1x2x125xi32, #tpu.memory_space<hbm>>
    %dma_start3A_13 = tpu.memref_squeeze %dma_start3A_12 : memref<1x2x125xi32, #tpu.memory_space<hbm>> -> memref<2x125xi32, #tpu.memory_space<hbm>>
    %dma_start3A_14 = arith.constant 0 : i32
    %dma_start3A_15 = arith.constant 0 : i32
    %dma_start3A_16 = tpu.memref_slice %arg3[%add3A_10, %dma_start3A_14, %dma_start3A_15] : memref<3200x2x125xi32, #tpu.memory_space<hbm>> -> memref<1x2x125xi32, #tpu.memory_space<hbm>>
    %dma_start3A_17 = tpu.memref_squeeze %dma_start3A_16 : memref<1x2x125xi32, #tpu.memory_space<hbm>> -> memref<2x125xi32, #tpu.memory_space<hbm>>
    tpu.enqueue_dma source(%dma_start3A_17 : memref<2x125xi32, #tpu.memory_space<hbm>>) target(%arg6 : memref<2x125xi32, #tpu.memory_space<vmem>>) target_semaphore(%arg13 : memref<!tpu.dma_semaphore, #tpu.memory_space<semaphore_mem>>)
    %add3A_18 = arith.constant 0 : i32
    %add3A_19 = arith.addi %mul3A_9, %add3A_18 : i32
    %dma_start3A_20 = arith.constant 0 : i32
    %dma_start3A_21 = arith.constant 0 : i32
    %dma_start3A_22 = tpu.memref_slice %arg4[%add3A_19, %dma_start3A_20, %dma_start3A_21] : memref<3200x2x125xi32, #tpu.memory_space<hbm>> -> memref<1x2x125xi32, #tpu.memory_space<hbm>>
    %dma_start3A_23 = tpu.memref_squeeze %dma_start3A_22 : memref<1x2x125xi32, #tpu.memory_space<hbm>> -> memref<2x125xi32, #tpu.memory_space<hbm>>
    %dma_start3A_24 = arith.constant 0 : i32
    %dma_start3A_25 = arith.constant 0 : i32
    %dma_start3A_26 = tpu.memref_slice %arg4[%add3A_19, %dma_start3A_24, %dma_start3A_25] : memref<3200x2x125xi32, #tpu.memory_space<hbm>> -> memref<1x2x125xi32, #tpu.memory_space<hbm>>
    %dma_start3A_27 = tpu.memref_squeeze %dma_start3A_26 : memref<1x2x125xi32, #tpu.memory_space<hbm>> -> memref<2x125xi32, #tpu.memory_space<hbm>>
    tpu.enqueue_dma source(%dma_start3A_27 : memref<2x125xi32, #tpu.memory_space<hbm>>) target(%arg7 : memref<2x125xi32, #tpu.memory_space<vmem>>) target_semaphore(%arg13 : memref<!tpu.dma_semaphore, #tpu.memory_space<semaphore_mem>>)
    %add3A_28 = arith.constant 1 : i32
    %add3A_29 = arith.addi %mul3A_9, %add3A_28 : i32
    %dma_start3A_30 = arith.constant 0 : i32
    %dma_start3A_31 = arith.constant 0 : i32
    %dma_start3A_32 = tpu.memref_slice %arg3[%add3A_29, %dma_start3A_30, %dma_start3A_31] : memref<3200x2x125xi32, #tpu.memory_space<hbm>> -> memref<1x2x125xi32, #tpu.memory_space<hbm>>
    %dma_start3A_33 = tpu.memref_squeeze %dma_start3A_32 : memref<1x2x125xi32, #tpu.memory_space<hbm>> -> memref<2x125xi32, #tpu.memory_space<hbm>>
    %dma_start3A_34 = arith.constant 0 : i32
    %dma_start3A_35 = arith.constant 0 : i32
    %dma_start3A_36 = tpu.memref_slice %arg3[%add3A_29, %dma_start3A_34, %dma_start3A_35] : memref<3200x2x125xi32, #tpu.memory_space<hbm>> -> memref<1x2x125xi32, #tpu.memory_space<hbm>>
    %dma_start3A_37 = tpu.memref_squeeze %dma_start3A_36 : memref<1x2x125xi32, #tpu.memory_space<hbm>> -> memref<2x125xi32, #tpu.memory_space<hbm>>
    tpu.enqueue_dma source(%dma_start3A_37 : memref<2x125xi32, #tpu.memory_space<hbm>>) target(%arg8 : memref<2x125xi32, #tpu.memory_space<vmem>>) target_semaphore(%arg14 : memref<!tpu.dma_semaphore, #tpu.memory_space<semaphore_mem>>)
    %add3A_38 = arith.constant 1 : i32
    %add3A_39 = arith.addi %mul3A_9, %add3A_38 : i32
    %dma_start3A_40 = arith.constant 0 : i32
    %dma_start3A_41 = arith.constant 0 : i32
    %dma_start3A_42 = tpu.memref_slice %arg4[%add3A_39, %dma_start3A_40, %dma_start3A_41] : memref<3200x2x125xi32, #tpu.memory_space<hbm>> -> memref<1x2x125xi32, #tpu.memory_space<hbm>>
    %dma_start3A_43 = tpu.memref_squeeze %dma_start3A_42 : memref<1x2x125xi32, #tpu.memory_space<hbm>> -> memref<2x125xi32, #tpu.memory_space<hbm>>
    %dma_start3A_44 = arith.constant 0 : i32
    %dma_start3A_45 = arith.constant 0 : i32
    %dma_start3A_46 = tpu.memref_slice %arg4[%add3A_39, %dma_start3A_44, %dma_start3A_45] : memref<3200x2x125xi32, #tpu.memory_space<hbm>> -> memref<1x2x125xi32, #tpu.memory_space<hbm>>
    %dma_start3A_47 = tpu.memref_squeeze %dma_start3A_46 : memref<1x2x125xi32, #tpu.memory_space<hbm>> -> memref<2x125xi32, #tpu.memory_space<hbm>>
    tpu.enqueue_dma source(%dma_start3A_47 : memref<2x125xi32, #tpu.memory_space<hbm>>) target(%arg9 : memref<2x125xi32, #tpu.memory_space<vmem>>) target_semaphore(%arg14 : memref<!tpu.dma_semaphore, #tpu.memory_space<semaphore_mem>>)
    %dma_wait3A = arith.constant 0 : i32
    %dma_wait3A_48 = arith.constant 0 : i32
    %dma_wait3A_49 = arith.constant 0 : i32
    %dma_wait3A_50 = tpu.memref_slice %arg3[%dma_wait3A, %dma_wait3A_48, %dma_wait3A_49] : memref<3200x2x125xi32, #tpu.memory_space<hbm>> -> memref<1x2x125xi32, #tpu.memory_space<hbm>>
    %dma_wait3A_51 = tpu.memref_squeeze %dma_wait3A_50 : memref<1x2x125xi32, #tpu.memory_space<hbm>> -> memref<2x125xi32, #tpu.memory_space<hbm>>
    %dma_wait3A_52 = arith.constant 0 : i32
    %dma_wait3A_53 = arith.constant 0 : i32
    %dma_wait3A_54 = tpu.memref_slice %arg3[%dma_wait3A, %dma_wait3A_52, %dma_wait3A_53] : memref<3200x2x125xi32, #tpu.memory_space<hbm>> -> memref<1x2x125xi32, #tpu.memory_space<hbm>>
    %dma_wait3A_55 = tpu.memref_squeeze %dma_wait3A_54 : memref<1x2x125xi32, #tpu.memory_space<hbm>> -> memref<2x125xi32, #tpu.memory_space<hbm>>
    tpu.wait_dma2 semaphore(%arg13 : memref<!tpu.dma_semaphore, #tpu.memory_space<semaphore_mem>>) src(%dma_wait3A_55 : memref<2x125xi32, #tpu.memory_space<hbm>>) dst(%arg6 : memref<2x125xi32, #tpu.memory_space<vmem>>)
    %dma_wait3A_56 = arith.constant 0 : i32
    %dma_wait3A_57 = arith.constant 0 : i32
    %dma_wait3A_58 = arith.constant 0 : i32
    %dma_wait3A_59 = tpu.memref_slice %arg4[%dma_wait3A_56, %dma_wait3A_57, %dma_wait3A_58] : memref<3200x2x125xi32, #tpu.memory_space<hbm>> -> memref<1x2x125xi32, #tpu.memory_space<hbm>>
    %dma_wait3A_60 = tpu.memref_squeeze %dma_wait3A_59 : memref<1x2x125xi32, #tpu.memory_space<hbm>> -> memref<2x125xi32, #tpu.memory_space<hbm>>
    %dma_wait3A_61 = arith.constant 0 : i32
    %dma_wait3A_62 = arith.constant 0 : i32
    %dma_wait3A_63 = tpu.memref_slice %arg4[%dma_wait3A_56, %dma_wait3A_61, %dma_wait3A_62] : memref<3200x2x125xi32, #tpu.memory_space<hbm>> -> memref<1x2x125xi32, #tpu.memory_space<hbm>>
    %dma_wait3A_64 = tpu.memref_squeeze %dma_wait3A_63 : memref<1x2x125xi32, #tpu.memory_space<hbm>> -> memref<2x125xi32, #tpu.memory_space<hbm>>
    tpu.wait_dma2 semaphore(%arg13 : memref<!tpu.dma_semaphore, #tpu.memory_space<semaphore_mem>>) src(%dma_wait3A_64 : memref<2x125xi32, #tpu.memory_space<hbm>>) dst(%arg7 : memref<2x125xi32, #tpu.memory_space<vmem>>)
    %dma_start3A_65 = arith.constant 0 : i32
    %dma_start3A_66 = arith.constant 0 : i32
    %dma_start3A_67 = arith.constant 0 : i32
    %dma_start3A_68 = tpu.memref_slice %arg10[%dma_start3A_66, %dma_start3A_67] : memref<250x32xf32, #tpu.memory_space<vmem>> -> memref<125x32xf32, #tpu.memory_space<vmem>>
    %dma_start3A_69 = arith.constant 0 : i32
    %dma_start3A_70 = tpu.memref_slice %arg6[%dma_start3A_65, %dma_start3A_69] : memref<2x125xi32, #tpu.memory_space<vmem>> -> memref<1x125xi32, #tpu.memory_space<vmem>>
    %dma_start3A_71 = tpu.memref_squeeze %dma_start3A_70 : memref<1x125xi32, #tpu.memory_space<vmem>> -> memref<125xi32, #tpu.memory_space<vmem>>
    %dma_start3A_72 = arith.constant 0 : i32
    %dma_start3A_73 = arith.constant 0 : i32
    %dma_start3A_74 = tpu.memref_slice %arg2[%arg0, %dma_start3A_72, %dma_start3A_73] : memref<2x50000x32xf32, #tpu.memory_space<hbm>> -> memref<1x50000x32xf32, #tpu.memory_space<hbm>>
    %dma_start3A_75 = tpu.memref_squeeze %dma_start3A_74 : memref<1x50000x32xf32, #tpu.memory_space<hbm>> -> memref<50000x32xf32, #tpu.memory_space<hbm>>
    %dma_start3A_76 = arith.constant 0 : i32
    %dma_start3A_77 = arith.constant 0 : i32
    %dma_start3A_78 = tpu.memref_slice %dma_start3A_75[%dma_start3A_76, %dma_start3A_77] : memref<50000x32xf32, #tpu.memory_space<hbm>> -> memref<50000x32xf32, #tpu.memory_space<hbm>>
    tpu.enqueue_indirect_dma source(%dma_start3A_78 : memref<50000x32xf32, #tpu.memory_space<hbm>>) target(%dma_start3A_68 : memref<125x32xf32, #tpu.memory_space<vmem>>) offsets(%dma_start3A_71 : memref<125xi32, #tpu.memory_space<vmem>>) semaphore(%arg15 : memref<!tpu.dma_semaphore, #tpu.memory_space<semaphore_mem>>)
    %dma_start3A_79 = arith.constant 1 : i32
    %dma_start3A_80 = arith.constant 125 : i32
    %dma_start3A_81 = arith.constant 0 : i32
    %dma_start3A_82 = tpu.memref_slice %arg10[%dma_start3A_80, %dma_start3A_81] : memref<250x32xf32, #tpu.memory_space<vmem>> -> memref<125x32xf32, #tpu.memory_space<vmem>>
    %dma_start3A_83 = arith.constant 0 : i32
    %dma_start3A_84 = tpu.memref_slice %arg6[%dma_start3A_79, %dma_start3A_83] : memref<2x125xi32, #tpu.memory_space<vmem>> -> memref<1x125xi32, #tpu.memory_space<vmem>>
    %dma_start3A_85 = tpu.memref_squeeze %dma_start3A_84 : memref<1x125xi32, #tpu.memory_space<vmem>> -> memref<125xi32, #tpu.memory_space<vmem>>
    %dma_start3A_86 = arith.constant 0 : i32
    %dma_start3A_87 = arith.constant 0 : i32
    %dma_start3A_88 = tpu.memref_slice %arg2[%arg0, %dma_start3A_86, %dma_start3A_87] : memref<2x50000x32xf32, #tpu.memory_space<hbm>> -> memref<1x50000x32xf32, #tpu.memory_space<hbm>>
    %dma_start3A_89 = tpu.memref_squeeze %dma_start3A_88 : memref<1x50000x32xf32, #tpu.memory_space<hbm>> -> memref<50000x32xf32, #tpu.memory_space<hbm>>
    %dma_start3A_90 = arith.constant 0 : i32
    %dma_start3A_91 = arith.constant 0 : i32
    %dma_start3A_92 = tpu.memref_slice %dma_start3A_89[%dma_start3A_90, %dma_start3A_91] : memref<50000x32xf32, #tpu.memory_space<hbm>> -> memref<50000x32xf32, #tpu.memory_space<hbm>>
    tpu.enqueue_indirect_dma source(%dma_start3A_92 : memref<50000x32xf32, #tpu.memory_space<hbm>>) target(%dma_start3A_82 : memref<125x32xf32, #tpu.memory_space<vmem>>) offsets(%dma_start3A_85 : memref<125xi32, #tpu.memory_space<vmem>>) semaphore(%arg15 : memref<!tpu.dma_semaphore, #tpu.memory_space<semaphore_mem>>)
    %scan3A_93 = arith.constant 0 : i32
    %scan3A_94 = arith.constant 100 : i32
    %scan3A_95 = arith.addi %scan3A_93, %scan3A_94 : i32
    %scan3A_96 = arith.constant 1 : i32
    scf.for %scan3A_104 = %scan3A_93 to %scan3A_95 step %scan3A_96  : i32 {
      %mul3A_105 = arith.constant 1 : i32
      %mul3A_106 = arith.muli %scan3A_104, %mul3A_105 : i32
      %add3A_107 = arith.constant 0 : i32
      %add3A_108 = arith.addi %add3A_107, %mul3A_106 : i32
      %mul3A_109 = arith.constant 2 : i32
      %mul3A_110 = arith.muli %mul3A_109, %add3A_108 : i32
      %dma_wait3A_111 = arith.constant 0 : i32
      %dma_wait3A_112 = arith.constant 0 : i32
      %dma_wait3A_113 = arith.constant 0 : i32
      %dma_wait3A_114 = tpu.memref_slice %arg3[%dma_wait3A_111, %dma_wait3A_112, %dma_wait3A_113] : memref<3200x2x125xi32, #tpu.memory_space<hbm>> -> memref<1x2x125xi32, #tpu.memory_space<hbm>>
      %dma_wait3A_115 = tpu.memref_squeeze %dma_wait3A_114 : memref<1x2x125xi32, #tpu.memory_space<hbm>> -> memref<2x125xi32, #tpu.memory_space<hbm>>
      %dma_wait3A_116 = arith.constant 0 : i32
      %dma_wait3A_117 = arith.constant 0 : i32
      %dma_wait3A_118 = tpu.memref_slice %arg3[%dma_wait3A_111, %dma_wait3A_116, %dma_wait3A_117] : memref<3200x2x125xi32, #tpu.memory_space<hbm>> -> memref<1x2x125xi32, #tpu.memory_space<hbm>>
      %dma_wait3A_119 = tpu.memref_squeeze %dma_wait3A_118 : memref<1x2x125xi32, #tpu.memory_space<hbm>> -> memref<2x125xi32, #tpu.memory_space<hbm>>
      tpu.wait_dma2 semaphore(%arg14 : memref<!tpu.dma_semaphore, #tpu.memory_space<semaphore_mem>>) src(%dma_wait3A_119 : memref<2x125xi32, #tpu.memory_space<hbm>>) dst(%arg8 : memref<2x125xi32, #tpu.memory_space<vmem>>)
      %dma_wait3A_120 = arith.constant 0 : i32
      %dma_wait3A_121 = arith.constant 0 : i32
      %dma_wait3A_122 = arith.constant 0 : i32
      %dma_wait3A_123 = tpu.memref_slice %arg4[%dma_wait3A_120, %dma_wait3A_121, %dma_wait3A_122] : memref<3200x2x125xi32, #tpu.memory_space<hbm>> -> memref<1x2x125xi32, #tpu.memory_space<hbm>>
      %dma_wait3A_124 = tpu.memref_squeeze %dma_wait3A_123 : memref<1x2x125xi32, #tpu.memory_space<hbm>> -> memref<2x125xi32, #tpu.memory_space<hbm>>
      %dma_wait3A_125 = arith.constant 0 : i32
      %dma_wait3A_126 = arith.constant 0 : i32
      %dma_wait3A_127 = tpu.memref_slice %arg4[%dma_wait3A_120, %dma_wait3A_125, %dma_wait3A_126] : memref<3200x2x125xi32, #tpu.memory_space<hbm>> -> memref<1x2x125xi32, #tpu.memory_space<hbm>>
      %dma_wait3A_128 = tpu.memref_squeeze %dma_wait3A_127 : memref<1x2x125xi32, #tpu.memory_space<hbm>> -> memref<2x125xi32, #tpu.memory_space<hbm>>
      tpu.wait_dma2 semaphore(%arg14 : memref<!tpu.dma_semaphore, #tpu.memory_space<semaphore_mem>>) src(%dma_wait3A_128 : memref<2x125xi32, #tpu.memory_space<hbm>>) dst(%arg9 : memref<2x125xi32, #tpu.memory_space<vmem>>)
      %dma_start3A_129 = arith.constant 0 : i32
      %dma_start3A_130 = arith.constant 0 : i32
      %dma_start3A_131 = arith.constant 0 : i32
      %dma_start3A_132 = tpu.memref_slice %arg11[%dma_start3A_130, %dma_start3A_131] : memref<250x32xf32, #tpu.memory_space<vmem>> -> memref<125x32xf32, #tpu.memory_space<vmem>>
      %dma_start3A_133 = arith.constant 0 : i32
      %dma_start3A_134 = tpu.memref_slice %arg8[%dma_start3A_129, %dma_start3A_133] : memref<2x125xi32, #tpu.memory_space<vmem>> -> memref<1x125xi32, #tpu.memory_space<vmem>>
      %dma_start3A_135 = tpu.memref_squeeze %dma_start3A_134 : memref<1x125xi32, #tpu.memory_space<vmem>> -> memref<125xi32, #tpu.memory_space<vmem>>
      %dma_start3A_136 = arith.constant 0 : i32
      %dma_start3A_137 = arith.constant 0 : i32
      %dma_start3A_138 = tpu.memref_slice %arg2[%arg0, %dma_start3A_136, %dma_start3A_137] : memref<2x50000x32xf32, #tpu.memory_space<hbm>> -> memref<1x50000x32xf32, #tpu.memory_space<hbm>>
      %dma_start3A_139 = tpu.memref_squeeze %dma_start3A_138 : memref<1x50000x32xf32, #tpu.memory_space<hbm>> -> memref<50000x32xf32, #tpu.memory_space<hbm>>
      %dma_start3A_140 = arith.constant 0 : i32
      %dma_start3A_141 = arith.constant 0 : i32
      %dma_start3A_142 = tpu.memref_slice %dma_start3A_139[%dma_start3A_140, %dma_start3A_141] : memref<50000x32xf32, #tpu.memory_space<hbm>> -> memref<50000x32xf32, #tpu.memory_space<hbm>>
      tpu.enqueue_indirect_dma source(%dma_start3A_142 : memref<50000x32xf32, #tpu.memory_space<hbm>>) target(%dma_start3A_132 : memref<125x32xf32, #tpu.memory_space<vmem>>) offsets(%dma_start3A_135 : memref<125xi32, #tpu.memory_space<vmem>>) semaphore(%arg16 : memref<!tpu.dma_semaphore, #tpu.memory_space<semaphore_mem>>)
      %dma_start3A_143 = arith.constant 1 : i32
      %dma_start3A_144 = arith.constant 125 : i32
      %dma_start3A_145 = arith.constant 0 : i32
      %dma_start3A_146 = tpu.memref_slice %arg11[%dma_start3A_144, %dma_start3A_145] : memref<250x32xf32, #tpu.memory_space<vmem>> -> memref<125x32xf32, #tpu.memory_space<vmem>>
      %dma_start3A_147 = arith.constant 0 : i32
      %dma_start3A_148 = tpu.memref_slice %arg8[%dma_start3A_143, %dma_start3A_147] : memref<2x125xi32, #tpu.memory_space<vmem>> -> memref<1x125xi32, #tpu.memory_space<vmem>>
      %dma_start3A_149 = tpu.memref_squeeze %dma_start3A_148 : memref<1x125xi32, #tpu.memory_space<vmem>> -> memref<125xi32, #tpu.memory_space<vmem>>
      %dma_start3A_150 = arith.constant 0 : i32
      %dma_start3A_151 = arith.constant 0 : i32
      %dma_start3A_152 = tpu.memref_slice %arg2[%arg0, %dma_start3A_150, %dma_start3A_151] : memref<2x50000x32xf32, #tpu.memory_space<hbm>> -> memref<1x50000x32xf32, #tpu.memory_space<hbm>>
      %dma_start3A_153 = tpu.memref_squeeze %dma_start3A_152 : memref<1x50000x32xf32, #tpu.memory_space<hbm>> -> memref<50000x32xf32, #tpu.memory_space<hbm>>
      %dma_start3A_154 = arith.constant 0 : i32
      %dma_start3A_155 = arith.constant 0 : i32
      %dma_start3A_156 = tpu.memref_slice %dma_start3A_153[%dma_start3A_154, %dma_start3A_155] : memref<50000x32xf32, #tpu.memory_space<hbm>> -> memref<50000x32xf32, #tpu.memory_space<hbm>>
      tpu.enqueue_indirect_dma source(%dma_start3A_156 : memref<50000x32xf32, #tpu.memory_space<hbm>>) target(%dma_start3A_146 : memref<125x32xf32, #tpu.memory_space<vmem>>) offsets(%dma_start3A_149 : memref<125xi32, #tpu.memory_space<vmem>>) semaphore(%arg16 : memref<!tpu.dma_semaphore, #tpu.memory_space<semaphore_mem>>)
      %dma_wait3A_157 = arith.constant 0 : i32
      %dma_wait3A_158 = arith.constant 0 : i32
      %dma_wait3A_159 = arith.constant 0 : i32
      %dma_wait3A_160 = tpu.memref_slice %arg10[%dma_wait3A_158, %dma_wait3A_159] : memref<250x32xf32, #tpu.memory_space<vmem>> -> memref<125x32xf32, #tpu.memory_space<vmem>>
      %dma_wait3A_161 = arith.constant 0 : i32
      %dma_wait3A_162 = tpu.memref_slice %arg6[%dma_wait3A_157, %dma_wait3A_161] : memref<2x125xi32, #tpu.memory_space<vmem>> -> memref<1x125xi32, #tpu.memory_space<vmem>>
      %dma_wait3A_163 = tpu.memref_squeeze %dma_wait3A_162 : memref<1x125xi32, #tpu.memory_space<vmem>> -> memref<125xi32, #tpu.memory_space<vmem>>
      %dma_wait3A_164 = arith.constant 0 : i32
      %dma_wait3A_165 = arith.constant 0 : i32
      %dma_wait3A_166 = tpu.memref_slice %arg2[%arg0, %dma_wait3A_164, %dma_wait3A_165] : memref<2x50000x32xf32, #tpu.memory_space<hbm>> -> memref<1x50000x32xf32, #tpu.memory_space<hbm>>
      %dma_wait3A_167 = tpu.memref_squeeze %dma_wait3A_166 : memref<1x50000x32xf32, #tpu.memory_space<hbm>> -> memref<50000x32xf32, #tpu.memory_space<hbm>>
      %dma_wait3A_168 = arith.constant 0 : i32
      %dma_wait3A_169 = arith.constant 0 : i32
      %dma_wait3A_170 = tpu.memref_slice %dma_wait3A_167[%dma_wait3A_168, %dma_wait3A_169] : memref<50000x32xf32, #tpu.memory_space<hbm>> -> memref<50000x32xf32, #tpu.memory_space<hbm>>
      tpu.wait_indirect_dma semaphore(%arg15 : memref<!tpu.dma_semaphore, #tpu.memory_space<semaphore_mem>>) src(%dma_wait3A_170 : memref<50000x32xf32, #tpu.memory_space<hbm>>) dst(%dma_wait3A_160 : memref<125x32xf32, #tpu.memory_space<vmem>>)
      %dma_wait3A_171 = arith.constant 1 : i32
      %dma_wait3A_172 = arith.constant 125 : i32
      %dma_wait3A_173 = arith.constant 0 : i32
      %dma_wait3A_174 = tpu.memref_slice %arg10[%dma_wait3A_172, %dma_wait3A_173] : memref<250x32xf32, #tpu.memory_space<vmem>> -> memref<125x32xf32, #tpu.memory_space<vmem>>
      %dma_wait3A_175 = arith.constant 0 : i32
      %dma_wait3A_176 = tpu.memref_slice %arg6[%dma_wait3A_171, %dma_wait3A_175] : memref<2x125xi32, #tpu.memory_space<vmem>> -> memref<1x125xi32, #tpu.memory_space<vmem>>
      %dma_wait3A_177 = tpu.memref_squeeze %dma_wait3A_176 : memref<1x125xi32, #tpu.memory_space<vmem>> -> memref<125xi32, #tpu.memory_space<vmem>>
      %dma_wait3A_178 = arith.constant 0 : i32
      %dma_wait3A_179 = arith.constant 0 : i32
      %dma_wait3A_180 = tpu.memref_slice %arg2[%arg0, %dma_wait3A_178, %dma_wait3A_179] : memref<2x50000x32xf32, #tpu.memory_space<hbm>> -> memref<1x50000x32xf32, #tpu.memory_space<hbm>>
      %dma_wait3A_181 = tpu.memref_squeeze %dma_wait3A_180 : memref<1x50000x32xf32, #tpu.memory_space<hbm>> -> memref<50000x32xf32, #tpu.memory_space<hbm>>
      %dma_wait3A_182 = arith.constant 0 : i32
      %dma_wait3A_183 = arith.constant 0 : i32
      %dma_wait3A_184 = tpu.memref_slice %dma_wait3A_181[%dma_wait3A_182, %dma_wait3A_183] : memref<50000x32xf32, #tpu.memory_space<hbm>> -> memref<50000x32xf32, #tpu.memory_space<hbm>>
      tpu.wait_indirect_dma semaphore(%arg15 : memref<!tpu.dma_semaphore, #tpu.memory_space<semaphore_mem>>) src(%dma_wait3A_184 : memref<50000x32xf32, #tpu.memory_space<hbm>>) dst(%dma_wait3A_174 : memref<125x32xf32, #tpu.memory_space<vmem>>)
      %run_scoped3A = arith.constant 0 : i32
      "tpu.region"() ({
        %run_scoped3A_234 = tpu.sem_alloc : memref<!tpu.dma_semaphore, #tpu.memory_space<semaphore_mem>>
        %dma_start3A_235 = arith.constant 0 : i32
        %dma_start3A_236 = arith.constant 0 : i32
        %dma_start3A_237 = tpu.memref_slice %arg10[%dma_start3A_235, %dma_start3A_236] : memref<250x32xf32, #tpu.memory_space<vmem>> -> memref<125x32xf32, #tpu.memory_space<vmem>>
        %dma_start3A_238 = arith.constant 0 : i32
        %dma_start3A_239 = tpu.memref_slice %arg7[%run_scoped3A, %dma_start3A_238] : memref<2x125xi32, #tpu.memory_space<vmem>> -> memref<1x125xi32, #tpu.memory_space<vmem>>
        %dma_start3A_240 = tpu.memref_squeeze %dma_start3A_239 : memref<1x125xi32, #tpu.memory_space<vmem>> -> memref<125xi32, #tpu.memory_space<vmem>>
        %dma_start3A_241 = arith.constant 0 : i32
        %dma_start3A_242 = arith.constant 0 : i32
        %dma_start3A_243 = tpu.memref_slice %arg12[%dma_start3A_241, %dma_start3A_242] : memref<50000x32xf32, #tpu.memory_space<vmem_shared>> -> memref<50000x32xf32, #tpu.memory_space<vmem_shared>>
        tpu.enqueue_indirect_dma source(%dma_start3A_237 : memref<125x32xf32, #tpu.memory_space<vmem>>) target(%dma_start3A_243 : memref<50000x32xf32, #tpu.memory_space<vmem_shared>>) offsets(%dma_start3A_240 : memref<125xi32, #tpu.memory_space<vmem>>) semaphore(%run_scoped3A_234 : memref<!tpu.dma_semaphore, #tpu.memory_space<semaphore_mem>>) {add = true}
        %dma_wait3A_244 = arith.constant 0 : i32
        %dma_wait3A_245 = arith.constant 0 : i32
        %dma_wait3A_246 = tpu.memref_slice %arg10[%dma_wait3A_244, %dma_wait3A_245] : memref<250x32xf32, #tpu.memory_space<vmem>> -> memref<125x32xf32, #tpu.memory_space<vmem>>
        %dma_wait3A_247 = arith.constant 0 : i32
        %dma_wait3A_248 = tpu.memref_slice %arg7[%run_scoped3A, %dma_wait3A_247] : memref<2x125xi32, #tpu.memory_space<vmem>> -> memref<1x125xi32, #tpu.memory_space<vmem>>
        %dma_wait3A_249 = tpu.memref_squeeze %dma_wait3A_248 : memref<1x125xi32, #tpu.memory_space<vmem>> -> memref<125xi32, #tpu.memory_space<vmem>>
        %dma_wait3A_250 = arith.constant 0 : i32
        %dma_wait3A_251 = arith.constant 0 : i32
        %dma_wait3A_252 = tpu.memref_slice %arg12[%dma_wait3A_250, %dma_wait3A_251] : memref<50000x32xf32, #tpu.memory_space<vmem_shared>> -> memref<50000x32xf32, #tpu.memory_space<vmem_shared>>
        tpu.wait_indirect_dma semaphore(%run_scoped3A_234 : memref<!tpu.dma_semaphore, #tpu.memory_space<semaphore_mem>>) src(%dma_wait3A_246 : memref<125x32xf32, #tpu.memory_space<vmem>>) dst(%dma_wait3A_252 : memref<50000x32xf32, #tpu.memory_space<vmem_shared>>)
        tpu.yield
      }) : () -> ()
      %run_scoped3A_185 = arith.constant 1 : i32
      "tpu.region"() ({
        %run_scoped3A_234 = tpu.sem_alloc : memref<!tpu.dma_semaphore, #tpu.memory_space<semaphore_mem>>
        %dma_start3A_235 = arith.constant 125 : i32
        %dma_start3A_236 = arith.constant 0 : i32
        %dma_start3A_237 = tpu.memref_slice %arg10[%dma_start3A_235, %dma_start3A_236] : memref<250x32xf32, #tpu.memory_space<vmem>> -> memref<125x32xf32, #tpu.memory_space<vmem>>
        %dma_start3A_238 = arith.constant 0 : i32
        %dma_start3A_239 = tpu.memref_slice %arg7[%run_scoped3A_185, %dma_start3A_238] : memref<2x125xi32, #tpu.memory_space<vmem>> -> memref<1x125xi32, #tpu.memory_space<vmem>>
        %dma_start3A_240 = tpu.memref_squeeze %dma_start3A_239 : memref<1x125xi32, #tpu.memory_space<vmem>> -> memref<125xi32, #tpu.memory_space<vmem>>
        %dma_start3A_241 = arith.constant 0 : i32
        %dma_start3A_242 = arith.constant 0 : i32
        %dma_start3A_243 = tpu.memref_slice %arg12[%dma_start3A_241, %dma_start3A_242] : memref<50000x32xf32, #tpu.memory_space<vmem_shared>> -> memref<50000x32xf32, #tpu.memory_space<vmem_shared>>
        tpu.enqueue_indirect_dma source(%dma_start3A_237 : memref<125x32xf32, #tpu.memory_space<vmem>>) target(%dma_start3A_243 : memref<50000x32xf32, #tpu.memory_space<vmem_shared>>) offsets(%dma_start3A_240 : memref<125xi32, #tpu.memory_space<vmem>>) semaphore(%run_scoped3A_234 : memref<!tpu.dma_semaphore, #tpu.memory_space<semaphore_mem>>) {add = true}
        %dma_wait3A_244 = arith.constant 125 : i32
        %dma_wait3A_245 = arith.constant 0 : i32
        %dma_wait3A_246 = tpu.memref_slice %arg10[%dma_wait3A_244, %dma_wait3A_245] : memref<250x32xf32, #tpu.memory_space<vmem>> -> memref<125x32xf32, #tpu.memory_space<vmem>>
        %dma_wait3A_247 = arith.constant 0 : i32
        %dma_wait3A_248 = tpu.memref_slice %arg7[%run_scoped3A_185, %dma_wait3A_247] : memref<2x125xi32, #tpu.memory_space<vmem>> -> memref<1x125xi32, #tpu.memory_space<vmem>>
        %dma_wait3A_249 = tpu.memref_squeeze %dma_wait3A_248 : memref<1x125xi32, #tpu.memory_space<vmem>> -> memref<125xi32, #tpu.memory_space<vmem>>
        %dma_wait3A_250 = arith.constant 0 : i32
        %dma_wait3A_251 = arith.constant 0 : i32
        %dma_wait3A_252 = tpu.memref_slice %arg12[%dma_wait3A_250, %dma_wait3A_251] : memref<50000x32xf32, #tpu.memory_space<vmem_shared>> -> memref<50000x32xf32, #tpu.memory_space<vmem_shared>>
        tpu.wait_indirect_dma semaphore(%run_scoped3A_234 : memref<!tpu.dma_semaphore, #tpu.memory_space<semaphore_mem>>) src(%dma_wait3A_246 : memref<125x32xf32, #tpu.memory_space<vmem>>) dst(%dma_wait3A_252 : memref<50000x32xf32, #tpu.memory_space<vmem_shared>>)
        tpu.yield
      }) : () -> ()
      %add3A_186 = arith.constant 2 : i32
      %add3A_187 = arith.addi %mul3A_110, %add3A_186 : i32
      %lt3A = arith.constant 200 : i32
      %lt3A_188 = arith.cmpi slt, %add3A_187, %lt3A : i32
      %convert_element_type3A = arith.extui %lt3A_188 : i1 to i32
      %cond3A = arith.constant 0 : i32
      %cond3A_189 = arith.cmpi ne, %convert_element_type3A, %cond3A : i32
      scf.if %cond3A_189 {
        %add3A_234 = arith.constant 2 : i32
        %add3A_235 = arith.addi %mul3A_110, %add3A_234 : i32
        %add3A_236 = arith.addi %mul3A_9, %add3A_235 : i32
        %dma_start3A_237 = arith.constant 0 : i32
        %dma_start3A_238 = arith.constant 0 : i32
        %dma_start3A_239 = tpu.memref_slice %arg3[%add3A_236, %dma_start3A_237, %dma_start3A_238] : memref<3200x2x125xi32, #tpu.memory_space<hbm>> -> memref<1x2x125xi32, #tpu.memory_space<hbm>>
        %dma_start3A_240 = tpu.memref_squeeze %dma_start3A_239 : memref<1x2x125xi32, #tpu.memory_space<hbm>> -> memref<2x125xi32, #tpu.memory_space<hbm>>
        %dma_start3A_241 = arith.constant 0 : i32
        %dma_start3A_242 = arith.constant 0 : i32
        %dma_start3A_243 = tpu.memref_slice %arg3[%add3A_236, %dma_start3A_241, %dma_start3A_242] : memref<3200x2x125xi32, #tpu.memory_space<hbm>> -> memref<1x2x125xi32, #tpu.memory_space<hbm>>
        %dma_start3A_244 = tpu.memref_squeeze %dma_start3A_243 : memref<1x2x125xi32, #tpu.memory_space<hbm>> -> memref<2x125xi32, #tpu.memory_space<hbm>>
        tpu.enqueue_dma source(%dma_start3A_244 : memref<2x125xi32, #tpu.memory_space<hbm>>) target(%arg6 : memref<2x125xi32, #tpu.memory_space<vmem>>) target_semaphore(%arg13 : memref<!tpu.dma_semaphore, #tpu.memory_space<semaphore_mem>>)
        %add3A_245 = arith.addi %mul3A_9, %add3A_235 : i32
        %dma_start3A_246 = arith.constant 0 : i32
        %dma_start3A_247 = arith.constant 0 : i32
        %dma_start3A_248 = tpu.memref_slice %arg4[%add3A_245, %dma_start3A_246, %dma_start3A_247] : memref<3200x2x125xi32, #tpu.memory_space<hbm>> -> memref<1x2x125xi32, #tpu.memory_space<hbm>>
        %dma_start3A_249 = tpu.memref_squeeze %dma_start3A_248 : memref<1x2x125xi32, #tpu.memory_space<hbm>> -> memref<2x125xi32, #tpu.memory_space<hbm>>
        %dma_start3A_250 = arith.constant 0 : i32
        %dma_start3A_251 = arith.constant 0 : i32
        %dma_start3A_252 = tpu.memref_slice %arg4[%add3A_245, %dma_start3A_250, %dma_start3A_251] : memref<3200x2x125xi32, #tpu.memory_space<hbm>> -> memref<1x2x125xi32, #tpu.memory_space<hbm>>
        %dma_start3A_253 = tpu.memref_squeeze %dma_start3A_252 : memref<1x2x125xi32, #tpu.memory_space<hbm>> -> memref<2x125xi32, #tpu.memory_space<hbm>>
        tpu.enqueue_dma source(%dma_start3A_253 : memref<2x125xi32, #tpu.memory_space<hbm>>) target(%arg7 : memref<2x125xi32, #tpu.memory_space<vmem>>) target_semaphore(%arg13 : memref<!tpu.dma_semaphore, #tpu.memory_space<semaphore_mem>>)
      } else {
      }
      %dma_wait3A_190 = arith.constant 0 : i32
      %dma_wait3A_191 = arith.constant 0 : i32
      %dma_wait3A_192 = arith.constant 0 : i32
      %dma_wait3A_193 = tpu.memref_slice %arg11[%dma_wait3A_191, %dma_wait3A_192] : memref<250x32xf32, #tpu.memory_space<vmem>> -> memref<125x32xf32, #tpu.memory_space<vmem>>
      %dma_wait3A_194 = arith.constant 0 : i32
      %dma_wait3A_195 = tpu.memref_slice %arg8[%dma_wait3A_190, %dma_wait3A_194] : memref<2x125xi32, #tpu.memory_space<vmem>> -> memref<1x125xi32, #tpu.memory_space<vmem>>
      %dma_wait3A_196 = tpu.memref_squeeze %dma_wait3A_195 : memref<1x125xi32, #tpu.memory_space<vmem>> -> memref<125xi32, #tpu.memory_space<vmem>>
      %dma_wait3A_197 = arith.constant 0 : i32
      %dma_wait3A_198 = arith.constant 0 : i32
      %dma_wait3A_199 = tpu.memref_slice %arg2[%arg0, %dma_wait3A_197, %dma_wait3A_198] : memref<2x50000x32xf32, #tpu.memory_space<hbm>> -> memref<1x50000x32xf32, #tpu.memory_space<hbm>>
      %dma_wait3A_200 = tpu.memref_squeeze %dma_wait3A_199 : memref<1x50000x32xf32, #tpu.memory_space<hbm>> -> memref<50000x32xf32, #tpu.memory_space<hbm>>
      %dma_wait3A_201 = arith.constant 0 : i32
      %dma_wait3A_202 = arith.constant 0 : i32
      %dma_wait3A_203 = tpu.memref_slice %dma_wait3A_200[%dma_wait3A_201, %dma_wait3A_202] : memref<50000x32xf32, #tpu.memory_space<hbm>> -> memref<50000x32xf32, #tpu.memory_space<hbm>>
      tpu.wait_indirect_dma semaphore(%arg16 : memref<!tpu.dma_semaphore, #tpu.memory_space<semaphore_mem>>) src(%dma_wait3A_203 : memref<50000x32xf32, #tpu.memory_space<hbm>>) dst(%dma_wait3A_193 : memref<125x32xf32, #tpu.memory_space<vmem>>)
      %dma_wait3A_204 = arith.constant 1 : i32
      %dma_wait3A_205 = arith.constant 125 : i32
      %dma_wait3A_206 = arith.constant 0 : i32
      %dma_wait3A_207 = tpu.memref_slice %arg11[%dma_wait3A_205, %dma_wait3A_206] : memref<250x32xf32, #tpu.memory_space<vmem>> -> memref<125x32xf32, #tpu.memory_space<vmem>>
      %dma_wait3A_208 = arith.constant 0 : i32
      %dma_wait3A_209 = tpu.memref_slice %arg8[%dma_wait3A_204, %dma_wait3A_208] : memref<2x125xi32, #tpu.memory_space<vmem>> -> memref<1x125xi32, #tpu.memory_space<vmem>>
      %dma_wait3A_210 = tpu.memref_squeeze %dma_wait3A_209 : memref<1x125xi32, #tpu.memory_space<vmem>> -> memref<125xi32, #tpu.memory_space<vmem>>
      %dma_wait3A_211 = arith.constant 0 : i32
      %dma_wait3A_212 = arith.constant 0 : i32
      %dma_wait3A_213 = tpu.memref_slice %arg2[%arg0, %dma_wait3A_211, %dma_wait3A_212] : memref<2x50000x32xf32, #tpu.memory_space<hbm>> -> memref<1x50000x32xf32, #tpu.memory_space<hbm>>
      %dma_wait3A_214 = tpu.memref_squeeze %dma_wait3A_213 : memref<1x50000x32xf32, #tpu.memory_space<hbm>> -> memref<50000x32xf32, #tpu.memory_space<hbm>>
      %dma_wait3A_215 = arith.constant 0 : i32
      %dma_wait3A_216 = arith.constant 0 : i32
      %dma_wait3A_217 = tpu.memref_slice %dma_wait3A_214[%dma_wait3A_215, %dma_wait3A_216] : memref<50000x32xf32, #tpu.memory_space<hbm>> -> memref<50000x32xf32, #tpu.memory_space<hbm>>
      tpu.wait_indirect_dma semaphore(%arg16 : memref<!tpu.dma_semaphore, #tpu.memory_space<semaphore_mem>>) src(%dma_wait3A_217 : memref<50000x32xf32, #tpu.memory_space<hbm>>) dst(%dma_wait3A_207 : memref<125x32xf32, #tpu.memory_space<vmem>>)
      %add3A_218 = arith.constant 2 : i32
      %add3A_219 = arith.addi %mul3A_110, %add3A_218 : i32
      %lt3A_220 = arith.constant 200 : i32
      %lt3A_221 = arith.cmpi slt, %add3A_219, %lt3A_220 : i32
      %convert_element_type3A_222 = arith.extui %lt3A_221 : i1 to i32
      %cond3A_223 = arith.constant 0 : i32
      %cond3A_224 = arith.cmpi ne, %convert_element_type3A_222, %cond3A_223 : i32
      scf.if %cond3A_224 {
        %dma_wait3A_234 = arith.constant 0 : i32
        %dma_wait3A_235 = arith.constant 0 : i32
        %dma_wait3A_236 = arith.constant 0 : i32
        %dma_wait3A_237 = tpu.memref_slice %arg3[%dma_wait3A_234, %dma_wait3A_235, %dma_wait3A_236] : memref<3200x2x125xi32, #tpu.memory_space<hbm>> -> memref<1x2x125xi32, #tpu.memory_space<hbm>>
        %dma_wait3A_238 = tpu.memref_squeeze %dma_wait3A_237 : memref<1x2x125xi32, #tpu.memory_space<hbm>> -> memref<2x125xi32, #tpu.memory_space<hbm>>
        %dma_wait3A_239 = arith.constant 0 : i32
        %dma_wait3A_240 = arith.constant 0 : i32
        %dma_wait3A_241 = tpu.memref_slice %arg3[%dma_wait3A_234, %dma_wait3A_239, %dma_wait3A_240] : memref<3200x2x125xi32, #tpu.memory_space<hbm>> -> memref<1x2x125xi32, #tpu.memory_space<hbm>>
        %dma_wait3A_242 = tpu.memref_squeeze %dma_wait3A_241 : memref<1x2x125xi32, #tpu.memory_space<hbm>> -> memref<2x125xi32, #tpu.memory_space<hbm>>
        tpu.wait_dma2 semaphore(%arg13 : memref<!tpu.dma_semaphore, #tpu.memory_space<semaphore_mem>>) src(%dma_wait3A_242 : memref<2x125xi32, #tpu.memory_space<hbm>>) dst(%arg6 : memref<2x125xi32, #tpu.memory_space<vmem>>)
        %dma_wait3A_243 = arith.constant 0 : i32
        %dma_wait3A_244 = arith.constant 0 : i32
        %dma_wait3A_245 = arith.constant 0 : i32
        %dma_wait3A_246 = tpu.memref_slice %arg4[%dma_wait3A_243, %dma_wait3A_244, %dma_wait3A_245] : memref<3200x2x125xi32, #tpu.memory_space<hbm>> -> memref<1x2x125xi32, #tpu.memory_space<hbm>>
        %dma_wait3A_247 = tpu.memref_squeeze %dma_wait3A_246 : memref<1x2x125xi32, #tpu.memory_space<hbm>> -> memref<2x125xi32, #tpu.memory_space<hbm>>
        %dma_wait3A_248 = arith.constant 0 : i32
        %dma_wait3A_249 = arith.constant 0 : i32
        %dma_wait3A_250 = tpu.memref_slice %arg4[%dma_wait3A_243, %dma_wait3A_248, %dma_wait3A_249] : memref<3200x2x125xi32, #tpu.memory_space<hbm>> -> memref<1x2x125xi32, #tpu.memory_space<hbm>>
        %dma_wait3A_251 = tpu.memref_squeeze %dma_wait3A_250 : memref<1x2x125xi32, #tpu.memory_space<hbm>> -> memref<2x125xi32, #tpu.memory_space<hbm>>
        tpu.wait_dma2 semaphore(%arg13 : memref<!tpu.dma_semaphore, #tpu.memory_space<semaphore_mem>>) src(%dma_wait3A_251 : memref<2x125xi32, #tpu.memory_space<hbm>>) dst(%arg7 : memref<2x125xi32, #tpu.memory_space<vmem>>)
        %dma_start3A_252 = arith.constant 0 : i32
        %dma_start3A_253 = arith.constant 0 : i32
        %dma_start3A_254 = arith.constant 0 : i32
        %dma_start3A_255 = tpu.memref_slice %arg10[%dma_start3A_253, %dma_start3A_254] : memref<250x32xf32, #tpu.memory_space<vmem>> -> memref<125x32xf32, #tpu.memory_space<vmem>>
        %dma_start3A_256 = arith.constant 0 : i32
        %dma_start3A_257 = tpu.memref_slice %arg6[%dma_start3A_252, %dma_start3A_256] : memref<2x125xi32, #tpu.memory_space<vmem>> -> memref<1x125xi32, #tpu.memory_space<vmem>>
        %dma_start3A_258 = tpu.memref_squeeze %dma_start3A_257 : memref<1x125xi32, #tpu.memory_space<vmem>> -> memref<125xi32, #tpu.memory_space<vmem>>
        %dma_start3A_259 = arith.constant 0 : i32
        %dma_start3A_260 = arith.constant 0 : i32
        %dma_start3A_261 = tpu.memref_slice %arg2[%arg0, %dma_start3A_259, %dma_start3A_260] : memref<2x50000x32xf32, #tpu.memory_space<hbm>> -> memref<1x50000x32xf32, #tpu.memory_space<hbm>>
        %dma_start3A_262 = tpu.memref_squeeze %dma_start3A_261 : memref<1x50000x32xf32, #tpu.memory_space<hbm>> -> memref<50000x32xf32, #tpu.memory_space<hbm>>
        %dma_start3A_263 = arith.constant 0 : i32
        %dma_start3A_264 = arith.constant 0 : i32
        %dma_start3A_265 = tpu.memref_slice %dma_start3A_262[%dma_start3A_263, %dma_start3A_264] : memref<50000x32xf32, #tpu.memory_space<hbm>> -> memref<50000x32xf32, #tpu.memory_space<hbm>>
        tpu.enqueue_indirect_dma source(%dma_start3A_265 : memref<50000x32xf32, #tpu.memory_space<hbm>>) target(%dma_start3A_255 : memref<125x32xf32, #tpu.memory_space<vmem>>) offsets(%dma_start3A_258 : memref<125xi32, #tpu.memory_space<vmem>>) semaphore(%arg15 : memref<!tpu.dma_semaphore, #tpu.memory_space<semaphore_mem>>)
        %dma_start3A_266 = arith.constant 1 : i32
        %dma_start3A_267 = arith.constant 125 : i32
        %dma_start3A_268 = arith.constant 0 : i32
        %dma_start3A_269 = tpu.memref_slice %arg10[%dma_start3A_267, %dma_start3A_268] : memref<250x32xf32, #tpu.memory_space<vmem>> -> memref<125x32xf32, #tpu.memory_space<vmem>>
        %dma_start3A_270 = arith.constant 0 : i32
        %dma_start3A_271 = tpu.memref_slice %arg6[%dma_start3A_266, %dma_start3A_270] : memref<2x125xi32, #tpu.memory_space<vmem>> -> memref<1x125xi32, #tpu.memory_space<vmem>>
        %dma_start3A_272 = tpu.memref_squeeze %dma_start3A_271 : memref<1x125xi32, #tpu.memory_space<vmem>> -> memref<125xi32, #tpu.memory_space<vmem>>
        %dma_start3A_273 = arith.constant 0 : i32
        %dma_start3A_274 = arith.constant 0 : i32
        %dma_start3A_275 = tpu.memref_slice %arg2[%arg0, %dma_start3A_273, %dma_start3A_274] : memref<2x50000x32xf32, #tpu.memory_space<hbm>> -> memref<1x50000x32xf32, #tpu.memory_space<hbm>>
        %dma_start3A_276 = tpu.memref_squeeze %dma_start3A_275 : memref<1x50000x32xf32, #tpu.memory_space<hbm>> -> memref<50000x32xf32, #tpu.memory_space<hbm>>
        %dma_start3A_277 = arith.constant 0 : i32
        %dma_start3A_278 = arith.constant 0 : i32
        %dma_start3A_279 = tpu.memref_slice %dma_start3A_276[%dma_start3A_277, %dma_start3A_278] : memref<50000x32xf32, #tpu.memory_space<hbm>> -> memref<50000x32xf32, #tpu.memory_space<hbm>>
        tpu.enqueue_indirect_dma source(%dma_start3A_279 : memref<50000x32xf32, #tpu.memory_space<hbm>>) target(%dma_start3A_269 : memref<125x32xf32, #tpu.memory_space<vmem>>) offsets(%dma_start3A_272 : memref<125xi32, #tpu.memory_space<vmem>>) semaphore(%arg15 : memref<!tpu.dma_semaphore, #tpu.memory_space<semaphore_mem>>)
      } else {
      }
      %run_scoped3A_225 = arith.constant 0 : i32
      "tpu.region"() ({
        %run_scoped3A_234 = tpu.sem_alloc : memref<!tpu.dma_semaphore, #tpu.memory_space<semaphore_mem>>
        %dma_start3A_235 = arith.constant 0 : i32
        %dma_start3A_236 = arith.constant 0 : i32
        %dma_start3A_237 = tpu.memref_slice %arg11[%dma_start3A_235, %dma_start3A_236] : memref<250x32xf32, #tpu.memory_space<vmem>> -> memref<125x32xf32, #tpu.memory_space<vmem>>
        %dma_start3A_238 = arith.constant 0 : i32
        %dma_start3A_239 = tpu.memref_slice %arg9[%run_scoped3A_225, %dma_start3A_238] : memref<2x125xi32, #tpu.memory_space<vmem>> -> memref<1x125xi32, #tpu.memory_space<vmem>>
        %dma_start3A_240 = tpu.memref_squeeze %dma_start3A_239 : memref<1x125xi32, #tpu.memory_space<vmem>> -> memref<125xi32, #tpu.memory_space<vmem>>
        %dma_start3A_241 = arith.constant 0 : i32
        %dma_start3A_242 = arith.constant 0 : i32
        %dma_start3A_243 = tpu.memref_slice %arg12[%dma_start3A_241, %dma_start3A_242] : memref<50000x32xf32, #tpu.memory_space<vmem_shared>> -> memref<50000x32xf32, #tpu.memory_space<vmem_shared>>
        tpu.enqueue_indirect_dma source(%dma_start3A_237 : memref<125x32xf32, #tpu.memory_space<vmem>>) target(%dma_start3A_243 : memref<50000x32xf32, #tpu.memory_space<vmem_shared>>) offsets(%dma_start3A_240 : memref<125xi32, #tpu.memory_space<vmem>>) semaphore(%run_scoped3A_234 : memref<!tpu.dma_semaphore, #tpu.memory_space<semaphore_mem>>) {add = true}
        %dma_wait3A_244 = arith.constant 0 : i32
        %dma_wait3A_245 = arith.constant 0 : i32
        %dma_wait3A_246 = tpu.memref_slice %arg11[%dma_wait3A_244, %dma_wait3A_245] : memref<250x32xf32, #tpu.memory_space<vmem>> -> memref<125x32xf32, #tpu.memory_space<vmem>>
        %dma_wait3A_247 = arith.constant 0 : i32
        %dma_wait3A_248 = tpu.memref_slice %arg9[%run_scoped3A_225, %dma_wait3A_247] : memref<2x125xi32, #tpu.memory_space<vmem>> -> memref<1x125xi32, #tpu.memory_space<vmem>>
        %dma_wait3A_249 = tpu.memref_squeeze %dma_wait3A_248 : memref<1x125xi32, #tpu.memory_space<vmem>> -> memref<125xi32, #tpu.memory_space<vmem>>
        %dma_wait3A_250 = arith.constant 0 : i32
        %dma_wait3A_251 = arith.constant 0 : i32
        %dma_wait3A_252 = tpu.memref_slice %arg12[%dma_wait3A_250, %dma_wait3A_251] : memref<50000x32xf32, #tpu.memory_space<vmem_shared>> -> memref<50000x32xf32, #tpu.memory_space<vmem_shared>>
        tpu.wait_indirect_dma semaphore(%run_scoped3A_234 : memref<!tpu.dma_semaphore, #tpu.memory_space<semaphore_mem>>) src(%dma_wait3A_246 : memref<125x32xf32, #tpu.memory_space<vmem>>) dst(%dma_wait3A_252 : memref<50000x32xf32, #tpu.memory_space<vmem_shared>>)
        tpu.yield
      }) : () -> ()
      %run_scoped3A_226 = arith.constant 1 : i32
      "tpu.region"() ({
        %run_scoped3A_234 = tpu.sem_alloc : memref<!tpu.dma_semaphore, #tpu.memory_space<semaphore_mem>>
        %dma_start3A_235 = arith.constant 125 : i32
        %dma_start3A_236 = arith.constant 0 : i32
        %dma_start3A_237 = tpu.memref_slice %arg11[%dma_start3A_235, %dma_start3A_236] : memref<250x32xf32, #tpu.memory_space<vmem>> -> memref<125x32xf32, #tpu.memory_space<vmem>>
        %dma_start3A_238 = arith.constant 0 : i32
        %dma_start3A_239 = tpu.memref_slice %arg9[%run_scoped3A_226, %dma_start3A_238] : memref<2x125xi32, #tpu.memory_space<vmem>> -> memref<1x125xi32, #tpu.memory_space<vmem>>
        %dma_start3A_240 = tpu.memref_squeeze %dma_start3A_239 : memref<1x125xi32, #tpu.memory_space<vmem>> -> memref<125xi32, #tpu.memory_space<vmem>>
        %dma_start3A_241 = arith.constant 0 : i32
        %dma_start3A_242 = arith.constant 0 : i32
        %dma_start3A_243 = tpu.memref_slice %arg12[%dma_start3A_241, %dma_start3A_242] : memref<50000x32xf32, #tpu.memory_space<vmem_shared>> -> memref<50000x32xf32, #tpu.memory_space<vmem_shared>>
        tpu.enqueue_indirect_dma source(%dma_start3A_237 : memref<125x32xf32, #tpu.memory_space<vmem>>) target(%dma_start3A_243 : memref<50000x32xf32, #tpu.memory_space<vmem_shared>>) offsets(%dma_start3A_240 : memref<125xi32, #tpu.memory_space<vmem>>) semaphore(%run_scoped3A_234 : memref<!tpu.dma_semaphore, #tpu.memory_space<semaphore_mem>>) {add = true}
        %dma_wait3A_244 = arith.constant 125 : i32
        %dma_wait3A_245 = arith.constant 0 : i32
        %dma_wait3A_246 = tpu.memref_slice %arg11[%dma_wait3A_244, %dma_wait3A_245] : memref<250x32xf32, #tpu.memory_space<vmem>> -> memref<125x32xf32, #tpu.memory_space<vmem>>
        %dma_wait3A_247 = arith.constant 0 : i32
        %dma_wait3A_248 = tpu.memref_slice %arg9[%run_scoped3A_226, %dma_wait3A_247] : memref<2x125xi32, #tpu.memory_space<vmem>> -> memref<1x125xi32, #tpu.memory_space<vmem>>
        %dma_wait3A_249 = tpu.memref_squeeze %dma_wait3A_248 : memref<1x125xi32, #tpu.memory_space<vmem>> -> memref<125xi32, #tpu.memory_space<vmem>>
        %dma_wait3A_250 = arith.constant 0 : i32
        %dma_wait3A_251 = arith.constant 0 : i32
        %dma_wait3A_252 = tpu.memref_slice %arg12[%dma_wait3A_250, %dma_wait3A_251] : memref<50000x32xf32, #tpu.memory_space<vmem_shared>> -> memref<50000x32xf32, #tpu.memory_space<vmem_shared>>
        tpu.wait_indirect_dma semaphore(%run_scoped3A_234 : memref<!tpu.dma_semaphore, #tpu.memory_space<semaphore_mem>>) src(%dma_wait3A_246 : memref<125x32xf32, #tpu.memory_space<vmem>>) dst(%dma_wait3A_252 : memref<50000x32xf32, #tpu.memory_space<vmem_shared>>)
        tpu.yield
      }) : () -> ()
      %add3A_227 = arith.constant 3 : i32
      %add3A_228 = arith.addi %mul3A_110, %add3A_227 : i32
      %lt3A_229 = arith.constant 200 : i32
      %lt3A_230 = arith.cmpi slt, %add3A_228, %lt3A_229 : i32
      %convert_element_type3A_231 = arith.extui %lt3A_230 : i1 to i32
      %cond3A_232 = arith.constant 0 : i32
      %cond3A_233 = arith.cmpi ne, %convert_element_type3A_231, %cond3A_232 : i32
      scf.if %cond3A_233 {
        %add3A_234 = arith.constant 3 : i32
        %add3A_235 = arith.addi %mul3A_110, %add3A_234 : i32
        %add3A_236 = arith.addi %mul3A_9, %add3A_235 : i32
        %dma_start3A_237 = arith.constant 0 : i32
        %dma_start3A_238 = arith.constant 0 : i32
        %dma_start3A_239 = tpu.memref_slice %arg3[%add3A_236, %dma_start3A_237, %dma_start3A_238] : memref<3200x2x125xi32, #tpu.memory_space<hbm>> -> memref<1x2x125xi32, #tpu.memory_space<hbm>>
        %dma_start3A_240 = tpu.memref_squeeze %dma_start3A_239 : memref<1x2x125xi32, #tpu.memory_space<hbm>> -> memref<2x125xi32, #tpu.memory_space<hbm>>
        %dma_start3A_241 = arith.constant 0 : i32
        %dma_start3A_242 = arith.constant 0 : i32
        %dma_start3A_243 = tpu.memref_slice %arg3[%add3A_236, %dma_start3A_241, %dma_start3A_242] : memref<3200x2x125xi32, #tpu.memory_space<hbm>> -> memref<1x2x125xi32, #tpu.memory_space<hbm>>
        %dma_start3A_244 = tpu.memref_squeeze %dma_start3A_243 : memref<1x2x125xi32, #tpu.memory_space<hbm>> -> memref<2x125xi32, #tpu.memory_space<hbm>>
        tpu.enqueue_dma source(%dma_start3A_244 : memref<2x125xi32, #tpu.memory_space<hbm>>) target(%arg8 : memref<2x125xi32, #tpu.memory_space<vmem>>) target_semaphore(%arg14 : memref<!tpu.dma_semaphore, #tpu.memory_space<semaphore_mem>>)
        %add3A_245 = arith.addi %mul3A_9, %add3A_235 : i32
        %dma_start3A_246 = arith.constant 0 : i32
        %dma_start3A_247 = arith.constant 0 : i32
        %dma_start3A_248 = tpu.memref_slice %arg4[%add3A_245, %dma_start3A_246, %dma_start3A_247] : memref<3200x2x125xi32, #tpu.memory_space<hbm>> -> memref<1x2x125xi32, #tpu.memory_space<hbm>>
        %dma_start3A_249 = tpu.memref_squeeze %dma_start3A_248 : memref<1x2x125xi32, #tpu.memory_space<hbm>> -> memref<2x125xi32, #tpu.memory_space<hbm>>
        %dma_start3A_250 = arith.constant 0 : i32
        %dma_start3A_251 = arith.constant 0 : i32
        %dma_start3A_252 = tpu.memref_slice %arg4[%add3A_245, %dma_start3A_250, %dma_start3A_251] : memref<3200x2x125xi32, #tpu.memory_space<hbm>> -> memref<1x2x125xi32, #tpu.memory_space<hbm>>
        %dma_start3A_253 = tpu.memref_squeeze %dma_start3A_252 : memref<1x2x125xi32, #tpu.memory_space<hbm>> -> memref<2x125xi32, #tpu.memory_space<hbm>>
        tpu.enqueue_dma source(%dma_start3A_253 : memref<2x125xi32, #tpu.memory_space<hbm>>) target(%arg9 : memref<2x125xi32, #tpu.memory_space<vmem>>) target_semaphore(%arg14 : memref<!tpu.dma_semaphore, #tpu.memory_space<semaphore_mem>>)
      } else {
      }
    }
    %scan3A_97 = arith.constant 100 : i32
    %barrier3A_98 = arith.constant 0 : index
    tpu.barrier barrier_id(%barrier3A_98)
    %scan3A_99 = arith.constant 0 : i32
    %scan3A_100 = arith.constant 4 : i32
    %scan3A_101 = arith.addi %scan3A_99, %scan3A_100 : i32
    %scan3A_102 = arith.constant 1 : i32
    scf.for %scan3A_104 = %scan3A_99 to %scan3A_101 step %scan3A_102  : i32 {
      %mul3A_105 = arith.constant 1 : i32
      %mul3A_106 = arith.muli %scan3A_104, %mul3A_105 : i32
      %add3A_107 = arith.constant 0 : i32
      %add3A_108 = arith.addi %add3A_107, %mul3A_106 : i32
      %mul3A_109 = arith.constant 16 : i32
      %mul3A_110 = arith.muli %add3A_108, %mul3A_109 : i32
      %add3A_111 = arith.addi %arg1, %mul3A_110 : i32
      %lt3A = arith.constant 50 : i32
      %lt3A_112 = arith.cmpi slt, %add3A_111, %lt3A : i32
      %convert_element_type3A = arith.extui %lt3A_112 : i1 to i32
      %cond3A = arith.constant 0 : i32
      %cond3A_113 = arith.cmpi ne, %convert_element_type3A, %cond3A : i32
      scf.if %cond3A_113 {
        %mul3A_114 = arith.constant 1000 : i32
        %mul3A_115 = arith.muli %add3A_111, %mul3A_114 : i32
        %mul3A_116 = arith.constant 1000 : i32
        %mul3A_117 = arith.muli %add3A_111, %mul3A_116 : i32
        "tpu.region"() ({
          %run_scoped3A = tpu.sem_alloc : memref<!tpu.dma_semaphore, #tpu.memory_space<semaphore_mem>>
          %dma_start3A_118 = arith.constant 0 : i32
          %dma_start3A_119 = arith.constant 0 : i32
          %dma_start3A_120 = tpu.memref_slice %arg5[%arg0, %dma_start3A_118, %dma_start3A_119] : memref<2x50000x32xf32, #tpu.memory_space<hbm>> -> memref<1x50000x32xf32, #tpu.memory_space<hbm>>
          %dma_start3A_121 = tpu.memref_squeeze %dma_start3A_120 : memref<1x50000x32xf32, #tpu.memory_space<hbm>> -> memref<50000x32xf32, #tpu.memory_space<hbm>>
          %dma_start3A_122 = arith.constant 0 : i32
          %dma_start3A_123 = tpu.memref_slice %dma_start3A_121[%mul3A_117, %dma_start3A_122] : memref<50000x32xf32, #tpu.memory_space<hbm>> -> memref<1000x32xf32, #tpu.memory_space<hbm>>
          %dma_start3A_124 = arith.constant 0 : i32
          %dma_start3A_125 = tpu.memref_slice %arg12[%mul3A_115, %dma_start3A_124] : memref<50000x32xf32, #tpu.memory_space<vmem_shared>> -> memref<1000x32xf32, #tpu.memory_space<vmem_shared>>
          tpu.enqueue_dma source(%dma_start3A_125 : memref<1000x32xf32, #tpu.memory_space<vmem_shared>>) target(%dma_start3A_123 : memref<1000x32xf32, #tpu.memory_space<hbm>>) target_semaphore(%run_scoped3A : memref<!tpu.dma_semaphore, #tpu.memory_space<semaphore_mem>>)
          %dma_wait3A_126 = arith.constant 0 : i32
          %dma_wait3A_127 = arith.constant 0 : i32
          %dma_wait3A_128 = tpu.memref_slice %arg5[%arg0, %dma_wait3A_126, %dma_wait3A_127] : memref<2x50000x32xf32, #tpu.memory_space<hbm>> -> memref<1x50000x32xf32, #tpu.memory_space<hbm>>
          %dma_wait3A_129 = tpu.memref_squeeze %dma_wait3A_128 : memref<1x50000x32xf32, #tpu.memory_space<hbm>> -> memref<50000x32xf32, #tpu.memory_space<hbm>>
          %dma_wait3A_130 = arith.constant 0 : i32
          %dma_wait3A_131 = tpu.memref_slice %dma_wait3A_129[%mul3A_117, %dma_wait3A_130] : memref<50000x32xf32, #tpu.memory_space<hbm>> -> memref<1000x32xf32, #tpu.memory_space<hbm>>
          %dma_wait3A_132 = arith.constant 0 : i32
          %dma_wait3A_133 = tpu.memref_slice %arg12[%mul3A_115, %dma_wait3A_132] : memref<50000x32xf32, #tpu.memory_space<vmem_shared>> -> memref<1000x32xf32, #tpu.memory_space<vmem_shared>>
          tpu.wait_dma2 semaphore(%run_scoped3A : memref<!tpu.dma_semaphore, #tpu.memory_space<semaphore_mem>>) src(%dma_wait3A_133 : memref<1000x32xf32, #tpu.memory_space<vmem_shared>>) dst(%dma_wait3A_131 : memref<1000x32xf32, #tpu.memory_space<hbm>>)
          tpu.yield
        }) : () -> ()
      } else {
      }
    }
    %scan3A_103 = arith.constant 4 : i32
    return
  }
}

#map = affine_map<(d0, d1) -> (0, 0, 0)>
module attributes {stable_mosaic.version = 14 : i64} {
  func.func @k(%arg0: i32, %arg1: i32, %arg2: memref<2x50000x32xf32, #tpu.memory_space<hbm>>, %arg3: memref<3200x2x125xi32, #tpu.memory_space<hbm>>, %arg4: memref<3200x2x125xi32, #tpu.memory_space<hbm>>, %arg5: memref<2x50000x32xf32, #tpu.memory_space<hbm>>, %arg6: memref<2x125xi32, #tpu.memory_space<vmem>>, %arg7: memref<2x125xi32, #tpu.memory_space<vmem>>, %arg8: memref<2x125xi32, #tpu.memory_space<vmem>>, %arg9: memref<2x125xi32, #tpu.memory_space<vmem>>, %arg10: memref<250x32xf32, #tpu.memory_space<vmem>>, %arg11: memref<250x32xf32, #tpu.memory_space<vmem>>, %arg12: memref<50000x32xf32, #tpu.memory_space<vmem_shared>>, %arg13: memref<!tpu.dma_semaphore, #tpu.memory_space<semaphore_mem>>, %arg14: memref<!tpu.dma_semaphore, #tpu.memory_space<semaphore_mem>>, %arg15: memref<!tpu.dma_semaphore, #tpu.memory_space<semaphore_mem>>, %arg16: memref<!tpu.dma_semaphore, #tpu.memory_space<semaphore_mem>>) attributes {dimension_semantics = [#tpu.dimension_semantics<core_parallel>, #tpu.dimension_semantics<subcore_parallel>], iteration_bounds = array<i64: 2, 16>, scalar_prefetch = 0 : i64, scratch_operands = 11 : i64, tpu.core_type = #tpu.core_type<sc_vector_subcore>, window_params = [{transform_indices = #map}, {transform_indices = #map}, {transform_indices = #map}, {transform_indices = #map}]} {
    %scan3A = arith.constant 0 : i32
    %scan3A_0 = arith.constant 250 : i32
    %scan3A_1 = arith.addi %scan3A, %scan3A_0 : i32
    %scan3A_2 = arith.constant 1 : i32
    scf.for %scan3A_104 = %scan3A to %scan3A_1 step %scan3A_2  : i32 {
      %mul3A_105 = arith.constant 1 : i32
      %mul3A_106 = arith.muli %scan3A_104, %mul3A_105 : i32
      %add3A_107 = arith.constant 0 : i32
      %add3A_108 = arith.addi %add3A_107, %mul3A_106 : i32
      %scan3A_109 = arith.constant 0 : i32
      %scan3A_110 = arith.constant 2 : i32
      %scan3A_111 = arith.addi %scan3A_109, %scan3A_110 : i32
      %scan3A_112 = arith.constant 1 : i32
      scf.for %scan3A_114 = %scan3A_109 to %scan3A_111 step %scan3A_112  : i32 {
        %mul3A_115 = arith.constant 16 : i32
        %mul3A_116 = arith.muli %scan3A_114, %mul3A_115 : i32
        %add3A_117 = arith.constant 0 : i32
        %add3A_118 = arith.addi %add3A_117, %mul3A_116 : i32
        %broadcast_in_dim3A = arith.constant 0.000000e+00 : f32
        %broadcast_in_dim3A_119 = vector.broadcast %broadcast_in_dim3A : f32 to vector<16xf32>
        %swap3A = arith.index_cast %add3A_108 : i32 to index
        %swap3A_120 = arith.index_cast %add3A_118 : i32 to index
        %swap3A_121 = tpu.vector_load %arg10[%swap3A, %swap3A_120] {strides = array<i32>} : memref<250x32xf32, #tpu.memory_space<vmem>>, vector<1x16xf32>,
        %swap3A_122 = vector.shape_cast %swap3A_121 : vector<1x16xf32> to vector<16xf32>
        %swap3A_123 = vector.shape_cast %broadcast_in_dim3A_119 : vector<16xf32> to vector<1x16xf32>
        tpu.vector_store %arg10[%swap3A, %swap3A_120], %swap3A_123 {strides = array<i32>} : memref<250x32xf32, #tpu.memory_space<vmem>>, vector<1x16xf32>,
      }
      %scan3A_113 = arith.constant 2 : i32
    }
    %scan3A_3 = arith.constant 250 : i32
    %scan3A_4 = arith.constant 0 : i32
    %scan3A_5 = arith.constant 4 : i32
    %scan3A_6 = arith.addi %scan3A_4, %scan3A_5 : i32
    %scan3A_7 = arith.constant 1 : i32
    scf.for %scan3A_104 = %scan3A_4 to %scan3A_6 step %scan3A_7  : i32 {
      %mul3A_105 = arith.constant 1 : i32
      %mul3A_106 = arith.muli %scan3A_104, %mul3A_105 : i32
      %add3A_107 = arith.constant 0 : i32
      %add3A_108 = arith.addi %add3A_107, %mul3A_106 : i32
      %mul3A_109 = arith.constant 16 : i32
      %mul3A_110 = arith.muli %add3A_108, %mul3A_109 : i32
      %add3A_111 = arith.addi %arg1, %mul3A_110 : i32
      %lt3A = arith.constant 50 : i32
      %lt3A_112 = arith.cmpi slt, %add3A_111, %lt3A : i32
      %convert_element_type3A = arith.extui %lt3A_112 : i1 to i32
      %cond3A = arith.constant 0 : i32
      %cond3A_113 = arith.cmpi ne, %convert_element_type3A, %cond3A : i32
      scf.if %cond3A_113 {
        %mul3A_114 = arith.constant 1000 : i32
        %mul3A_115 = arith.muli %add3A_111, %mul3A_114 : i32
        %add3A_116 = arith.constant 0 : i32
        %add3A_117 = arith.addi %mul3A_115, %add3A_116 : i32
        "tpu.region"() ({
          %run_scoped3A = tpu.sem_alloc : memref<!tpu.dma_semaphore, #tpu.memory_space<semaphore_mem>>
          %dma_start3A_130 = arith.constant 0 : i32
          %dma_start3A_131 = tpu.memref_slice %arg12[%add3A_117, %dma_start3A_130] : memref<50000x32xf32, #tpu.memory_space<vmem_shared>> -> memref<250x32xf32, #tpu.memory_space<vmem_shared>>
          %dma_start3A_132 = arith.constant 0 : i32
          %dma_start3A_133 = tpu.memref_slice %arg12[%add3A_117, %dma_start3A_132] : memref<50000x32xf32, #tpu.memory_space<vmem_shared>> -> memref<250x32xf32, #tpu.memory_space<vmem_shared>>
          tpu.enqueue_dma source(%arg10 : memref<250x32xf32, #tpu.memory_space<vmem>>) target(%dma_start3A_133 : memref<250x32xf32, #tpu.memory_space<vmem_shared>>) target_semaphore(%run_scoped3A : memref<!tpu.dma_semaphore, #tpu.memory_space<semaphore_mem>>)
          %dma_wait3A_134 = arith.constant 0 : i32
          %dma_wait3A_135 = tpu.memref_slice %arg12[%add3A_117, %dma_wait3A_134] : memref<50000x32xf32, #tpu.memory_space<vmem_shared>> -> memref<250x32xf32, #tpu.memory_space<vmem_shared>>
          %dma_wait3A_136 = arith.constant 0 : i32
          %dma_wait3A_137 = tpu.memref_slice %arg12[%add3A_117, %dma_wait3A_136] : memref<50000x32xf32, #tpu.memory_space<vmem_shared>> -> memref<250x32xf32, #tpu.memory_space<vmem_shared>>
          tpu.wait_dma2 semaphore(%run_scoped3A : memref<!tpu.dma_semaphore, #tpu.memory_space<semaphore_mem>>) src(%arg10 : memref<250x32xf32, #tpu.memory_space<vmem>>) dst(%dma_wait3A_137 : memref<250x32xf32, #tpu.memory_space<vmem_shared>>)
          tpu.yield
        }) : () -> ()
        %mul3A_118 = arith.constant 1000 : i32
        %mul3A_119 = arith.muli %add3A_111, %mul3A_118 : i32
        %add3A_120 = arith.constant 250 : i32
        %add3A_121 = arith.addi %mul3A_119, %add3A_120 : i32
        "tpu.region"() ({
          %run_scoped3A = tpu.sem_alloc : memref<!tpu.dma_semaphore, #tpu.memory_space<semaphore_mem>>
          %dma_start3A_130 = arith.constant 0 : i32
          %dma_start3A_131 = tpu.memref_slice %arg12[%add3A_121, %dma_start3A_130] : memref<50000x32xf32, #tpu.memory_space<vmem_shared>> -> memref<250x32xf32, #tpu.memory_space<vmem_shared>>
          %dma_start3A_132 = arith.constant 0 : i32
          %dma_start3A_133 = tpu.memref_slice %arg12[%add3A_121, %dma_start3A_132] : memref<50000x32xf32, #tpu.memory_space<vmem_shared>> -> memref<250x32xf32, #tpu.memory_space<vmem_shared>>
          tpu.enqueue_dma source(%arg10 : memref<250x32xf32, #tpu.memory_space<vmem>>) target(%dma_start3A_133 : memref<250x32xf32, #tpu.memory_space<vmem_shared>>) target_semaphore(%run_scoped3A : memref<!tpu.dma_semaphore, #tpu.memory_space<semaphore_mem>>)
          %dma_wait3A_134 = arith.constant 0 : i32
          %dma_wait3A_135 = tpu.memref_slice %arg12[%add3A_121, %dma_wait3A_134] : memref<50000x32xf32, #tpu.memory_space<vmem_shared>> -> memref<250x32xf32, #tpu.memory_space<vmem_shared>>
          %dma_wait3A_136 = arith.constant 0 : i32
          %dma_wait3A_137 = tpu.memref_slice %arg12[%add3A_121, %dma_wait3A_136] : memref<50000x32xf32, #tpu.memory_space<vmem_shared>> -> memref<250x32xf32, #tpu.memory_space<vmem_shared>>
          tpu.wait_dma2 semaphore(%run_scoped3A : memref<!tpu.dma_semaphore, #tpu.memory_space<semaphore_mem>>) src(%arg10 : memref<250x32xf32, #tpu.memory_space<vmem>>) dst(%dma_wait3A_137 : memref<250x32xf32, #tpu.memory_space<vmem_shared>>)
          tpu.yield
        }) : () -> ()
        %mul3A_122 = arith.constant 1000 : i32
        %mul3A_123 = arith.muli %add3A_111, %mul3A_122 : i32
        %add3A_124 = arith.constant 500 : i32
        %add3A_125 = arith.addi %mul3A_123, %add3A_124 : i32
        "tpu.region"() ({
          %run_scoped3A = tpu.sem_alloc : memref<!tpu.dma_semaphore, #tpu.memory_space<semaphore_mem>>
          %dma_start3A_130 = arith.constant 0 : i32
          %dma_start3A_131 = tpu.memref_slice %arg12[%add3A_125, %dma_start3A_130] : memref<50000x32xf32, #tpu.memory_space<vmem_shared>> -> memref<250x32xf32, #tpu.memory_space<vmem_shared>>
          %dma_start3A_132 = arith.constant 0 : i32
          %dma_start3A_133 = tpu.memref_slice %arg12[%add3A_125, %dma_start3A_132] : memref<50000x32xf32, #tpu.memory_space<vmem_shared>> -> memref<250x32xf32, #tpu.memory_space<vmem_shared>>
          tpu.enqueue_dma source(%arg10 : memref<250x32xf32, #tpu.memory_space<vmem>>) target(%dma_start3A_133 : memref<250x32xf32, #tpu.memory_space<vmem_shared>>) target_semaphore(%run_scoped3A : memref<!tpu.dma_semaphore, #tpu.memory_space<semaphore_mem>>)
          %dma_wait3A_134 = arith.constant 0 : i32
          %dma_wait3A_135 = tpu.memref_slice %arg12[%add3A_125, %dma_wait3A_134] : memref<50000x32xf32, #tpu.memory_space<vmem_shared>> -> memref<250x32xf32, #tpu.memory_space<vmem_shared>>
          %dma_wait3A_136 = arith.constant 0 : i32
          %dma_wait3A_137 = tpu.memref_slice %arg12[%add3A_125, %dma_wait3A_136] : memref<50000x32xf32, #tpu.memory_space<vmem_shared>> -> memref<250x32xf32, #tpu.memory_space<vmem_shared>>
          tpu.wait_dma2 semaphore(%run_scoped3A : memref<!tpu.dma_semaphore, #tpu.memory_space<semaphore_mem>>) src(%arg10 : memref<250x32xf32, #tpu.memory_space<vmem>>) dst(%dma_wait3A_137 : memref<250x32xf32, #tpu.memory_space<vmem_shared>>)
          tpu.yield
        }) : () -> ()
        %mul3A_126 = arith.constant 1000 : i32
        %mul3A_127 = arith.muli %add3A_111, %mul3A_126 : i32
        %add3A_128 = arith.constant 750 : i32
        %add3A_129 = arith.addi %mul3A_127, %add3A_128 : i32
        "tpu.region"() ({
          %run_scoped3A = tpu.sem_alloc : memref<!tpu.dma_semaphore, #tpu.memory_space<semaphore_mem>>
          %dma_start3A_130 = arith.constant 0 : i32
          %dma_start3A_131 = tpu.memref_slice %arg12[%add3A_129, %dma_start3A_130] : memref<50000x32xf32, #tpu.memory_space<vmem_shared>> -> memref<250x32xf32, #tpu.memory_space<vmem_shared>>
          %dma_start3A_132 = arith.constant 0 : i32
          %dma_start3A_133 = tpu.memref_slice %arg12[%add3A_129, %dma_start3A_132] : memref<50000x32xf32, #tpu.memory_space<vmem_shared>> -> memref<250x32xf32, #tpu.memory_space<vmem_shared>>
          tpu.enqueue_dma source(%arg10 : memref<250x32xf32, #tpu.memory_space<vmem>>) target(%dma_start3A_133 : memref<250x32xf32, #tpu.memory_space<vmem_shared>>) target_semaphore(%run_scoped3A : memref<!tpu.dma_semaphore, #tpu.memory_space<semaphore_mem>>)
          %dma_wait3A_134 = arith.constant 0 : i32
          %dma_wait3A_135 = tpu.memref_slice %arg12[%add3A_129, %dma_wait3A_134] : memref<50000x32xf32, #tpu.memory_space<vmem_shared>> -> memref<250x32xf32, #tpu.memory_space<vmem_shared>>
          %dma_wait3A_136 = arith.constant 0 : i32
          %dma_wait3A_137 = tpu.memref_slice %arg12[%add3A_129, %dma_wait3A_136] : memref<50000x32xf32, #tpu.memory_space<vmem_shared>> -> memref<250x32xf32, #tpu.memory_space<vmem_shared>>
          tpu.wait_dma2 semaphore(%run_scoped3A : memref<!tpu.dma_semaphore, #tpu.memory_space<semaphore_mem>>) src(%arg10 : memref<250x32xf32, #tpu.memory_space<vmem>>) dst(%dma_wait3A_137 : memref<250x32xf32, #tpu.memory_space<vmem_shared>>)
          tpu.yield
        }) : () -> ()
      } else {
      }
    }
    %scan3A_8 = arith.constant 4 : i32
    %barrier3A = arith.constant 0 : index
    tpu.barrier barrier_id(%barrier3A)
    %mul3A = arith.constant 200 : i32
    %mul3A_9 = arith.muli %arg1, %mul3A : i32
    %add3A = arith.constant 0 : i32
    %add3A_10 = arith.addi %mul3A_9, %add3A : i32
    %dma_start3A = arith.constant 0 : i32
    %dma_start3A_11 = arith.constant 0 : i32
    %dma_start3A_12 = tpu.memref_slice %arg3[%add3A_10, %dma_start3A, %dma_start3A_11] : memref<3200x2x125xi32, #tpu.memory_space<hbm>> -> memref<1x2x125xi32, #tpu.memory_space<hbm>>
    %dma_start3A_13 = tpu.memref_squeeze %dma_start3A_12 : memref<1x2x125xi32, #tpu.memory_space<hbm>> -> memref<2x125xi32, #tpu.memory_space<hbm>>
    %dma_start3A_14 = arith.constant 0 : i32
    %dma_start3A_15 = arith.constant 0 : i32
    %dma_start3A_16 = tpu.memref_slice %arg3[%add3A_10, %dma_start3A_14, %dma_start3A_15] : memref<3200x2x125xi32, #tpu.memory_space<hbm>> -> memref<1x2x125xi32, #tpu.memory_space<hbm>>
    %dma_start3A_17 = tpu.memref_squeeze %dma_start3A_16 : memref<1x2x125xi32, #tpu.memory_space<hbm>> -> memref<2x125xi32, #tpu.memory_space<hbm>>
    tpu.enqueue_dma source(%dma_start3A_17 : memref<2x125xi32, #tpu.memory_space<hbm>>) target(%arg6 : memref<2x125xi32, #tpu.memory_space<vmem>>) target_semaphore(%arg13 : memref<!tpu.dma_semaphore, #tpu.memory_space<semaphore_mem>>)
    %add3A_18 = arith.constant 0 : i32
    %add3A_19 = arith.addi %mul3A_9, %add3A_18 : i32
    %dma_start3A_20 = arith.constant 0 : i32
    %dma_start3A_21 = arith.constant 0 : i32
    %dma_start3A_22 = tpu.memref_slice %arg4[%add3A_19, %dma_start3A_20, %dma_start3A_21] : memref<3200x2x125xi32, #tpu.memory_space<hbm>> -> memref<1x2x125xi32, #tpu.memory_space<hbm>>
    %dma_start3A_23 = tpu.memref_squeeze %dma_start3A_22 : memref<1x2x125xi32, #tpu.memory_space<hbm>> -> memref<2x125xi32, #tpu.memory_space<hbm>>
    %dma_start3A_24 = arith.constant 0 : i32
    %dma_start3A_25 = arith.constant 0 : i32
    %dma_start3A_26 = tpu.memref_slice %arg4[%add3A_19, %dma_start3A_24, %dma_start3A_25] : memref<3200x2x125xi32, #tpu.memory_space<hbm>> -> memref<1x2x125xi32, #tpu.memory_space<hbm>>
    %dma_start3A_27 = tpu.memref_squeeze %dma_start3A_26 : memref<1x2x125xi32, #tpu.memory_space<hbm>> -> memref<2x125xi32, #tpu.memory_space<hbm>>
    tpu.enqueue_dma source(%dma_start3A_27 : memref<2x125xi32, #tpu.memory_space<hbm>>) target(%arg7 : memref<2x125xi32, #tpu.memory_space<vmem>>) target_semaphore(%arg13 : memref<!tpu.dma_semaphore, #tpu.memory_space<semaphore_mem>>)
    %add3A_28 = arith.constant 1 : i32
    %add3A_29 = arith.addi %mul3A_9, %add3A_28 : i32
    %dma_start3A_30 = arith.constant 0 : i32
    %dma_start3A_31 = arith.constant 0 : i32
    %dma_start3A_32 = tpu.memref_slice %arg3[%add3A_29, %dma_start3A_30, %dma_start3A_31] : memref<3200x2x125xi32, #tpu.memory_space<hbm>> -> memref<1x2x125xi32, #tpu.memory_space<hbm>>
    %dma_start3A_33 = tpu.memref_squeeze %dma_start3A_32 : memref<1x2x125xi32, #tpu.memory_space<hbm>> -> memref<2x125xi32, #tpu.memory_space<hbm>>
    %dma_start3A_34 = arith.constant 0 : i32
    %dma_start3A_35 = arith.constant 0 : i32
    %dma_start3A_36 = tpu.memref_slice %arg3[%add3A_29, %dma_start3A_34, %dma_start3A_35] : memref<3200x2x125xi32, #tpu.memory_space<hbm>> -> memref<1x2x125xi32, #tpu.memory_space<hbm>>
    %dma_start3A_37 = tpu.memref_squeeze %dma_start3A_36 : memref<1x2x125xi32, #tpu.memory_space<hbm>> -> memref<2x125xi32, #tpu.memory_space<hbm>>
    tpu.enqueue_dma source(%dma_start3A_37 : memref<2x125xi32, #tpu.memory_space<hbm>>) target(%arg8 : memref<2x125xi32, #tpu.memory_space<vmem>>) target_semaphore(%arg14 : memref<!tpu.dma_semaphore, #tpu.memory_space<semaphore_mem>>)
    %add3A_38 = arith.constant 1 : i32
    %add3A_39 = arith.addi %mul3A_9, %add3A_38 : i32
    %dma_start3A_40 = arith.constant 0 : i32
    %dma_start3A_41 = arith.constant 0 : i32
    %dma_start3A_42 = tpu.memref_slice %arg4[%add3A_39, %dma_start3A_40, %dma_start3A_41] : memref<3200x2x125xi32, #tpu.memory_space<hbm>> -> memref<1x2x125xi32, #tpu.memory_space<hbm>>
    %dma_start3A_43 = tpu.memref_squeeze %dma_start3A_42 : memref<1x2x125xi32, #tpu.memory_space<hbm>> -> memref<2x125xi32, #tpu.memory_space<hbm>>
    %dma_start3A_44 = arith.constant 0 : i32
    %dma_start3A_45 = arith.constant 0 : i32
    %dma_start3A_46 = tpu.memref_slice %arg4[%add3A_39, %dma_start3A_44, %dma_start3A_45] : memref<3200x2x125xi32, #tpu.memory_space<hbm>> -> memref<1x2x125xi32, #tpu.memory_space<hbm>>
    %dma_start3A_47 = tpu.memref_squeeze %dma_start3A_46 : memref<1x2x125xi32, #tpu.memory_space<hbm>> -> memref<2x125xi32, #tpu.memory_space<hbm>>
    tpu.enqueue_dma source(%dma_start3A_47 : memref<2x125xi32, #tpu.memory_space<hbm>>) target(%arg9 : memref<2x125xi32, #tpu.memory_space<vmem>>) target_semaphore(%arg14 : memref<!tpu.dma_semaphore, #tpu.memory_space<semaphore_mem>>)
    %dma_wait3A = arith.constant 0 : i32
    %dma_wait3A_48 = arith.constant 0 : i32
    %dma_wait3A_49 = arith.constant 0 : i32
    %dma_wait3A_50 = tpu.memref_slice %arg3[%dma_wait3A, %dma_wait3A_48, %dma_wait3A_49] : memref<3200x2x125xi32, #tpu.memory_space<hbm>> -> memref<1x2x125xi32, #tpu.memory_space<hbm>>
    %dma_wait3A_51 = tpu.memref_squeeze %dma_wait3A_50 : memref<1x2x125xi32, #tpu.memory_space<hbm>> -> memref<2x125xi32, #tpu.memory_space<hbm>>
    %dma_wait3A_52 = arith.constant 0 : i32
    %dma_wait3A_53 = arith.constant 0 : i32
    %dma_wait3A_54 = tpu.memref_slice %arg3[%dma_wait3A, %dma_wait3A_52, %dma_wait3A_53] : memref<3200x2x125xi32, #tpu.memory_space<hbm>> -> memref<1x2x125xi32, #tpu.memory_space<hbm>>
    %dma_wait3A_55 = tpu.memref_squeeze %dma_wait3A_54 : memref<1x2x125xi32, #tpu.memory_space<hbm>> -> memref<2x125xi32, #tpu.memory_space<hbm>>
    tpu.wait_dma2 semaphore(%arg13 : memref<!tpu.dma_semaphore, #tpu.memory_space<semaphore_mem>>) src(%dma_wait3A_55 : memref<2x125xi32, #tpu.memory_space<hbm>>) dst(%arg6 : memref<2x125xi32, #tpu.memory_space<vmem>>)
    %dma_wait3A_56 = arith.constant 0 : i32
    %dma_wait3A_57 = arith.constant 0 : i32
    %dma_wait3A_58 = arith.constant 0 : i32
    %dma_wait3A_59 = tpu.memref_slice %arg4[%dma_wait3A_56, %dma_wait3A_57, %dma_wait3A_58] : memref<3200x2x125xi32, #tpu.memory_space<hbm>> -> memref<1x2x125xi32, #tpu.memory_space<hbm>>
    %dma_wait3A_60 = tpu.memref_squeeze %dma_wait3A_59 : memref<1x2x125xi32, #tpu.memory_space<hbm>> -> memref<2x125xi32, #tpu.memory_space<hbm>>
    %dma_wait3A_61 = arith.constant 0 : i32
    %dma_wait3A_62 = arith.constant 0 : i32
    %dma_wait3A_63 = tpu.memref_slice %arg4[%dma_wait3A_56, %dma_wait3A_61, %dma_wait3A_62] : memref<3200x2x125xi32, #tpu.memory_space<hbm>> -> memref<1x2x125xi32, #tpu.memory_space<hbm>>
    %dma_wait3A_64 = tpu.memref_squeeze %dma_wait3A_63 : memref<1x2x125xi32, #tpu.memory_space<hbm>> -> memref<2x125xi32, #tpu.memory_space<hbm>>
    tpu.wait_dma2 semaphore(%arg13 : memref<!tpu.dma_semaphore, #tpu.memory_space<semaphore_mem>>) src(%dma_wait3A_64 : memref<2x125xi32, #tpu.memory_space<hbm>>) dst(%arg7 : memref<2x125xi32, #tpu.memory_space<vmem>>)
    %dma_start3A_65 = arith.constant 0 : i32
    %dma_start3A_66 = arith.constant 0 : i32
    %dma_start3A_67 = arith.constant 0 : i32
    %dma_start3A_68 = tpu.memref_slice %arg10[%dma_start3A_66, %dma_start3A_67] : memref<250x32xf32, #tpu.memory_space<vmem>> -> memref<125x32xf32, #tpu.memory_space<vmem>>
    %dma_start3A_69 = arith.constant 0 : i32
    %dma_start3A_70 = tpu.memref_slice %arg6[%dma_start3A_65, %dma_start3A_69] : memref<2x125xi32, #tpu.memory_space<vmem>> -> memref<1x125xi32, #tpu.memory_space<vmem>>
    %dma_start3A_71 = tpu.memref_squeeze %dma_start3A_70 : memref<1x125xi32, #tpu.memory_space<vmem>> -> memref<125xi32, #tpu.memory_space<vmem>>
    %dma_start3A_72 = arith.constant 0 : i32
    %dma_start3A_73 = arith.constant 0 : i32
    %dma_start3A_74 = tpu.memref_slice %arg2[%arg0, %dma_start3A_72, %dma_start3A_73] : memref<2x50000x32xf32, #tpu.memory_space<hbm>> -> memref<1x50000x32xf32, #tpu.memory_space<hbm>>
    %dma_start3A_75 = tpu.memref_squeeze %dma_start3A_74 : memref<1x50000x32xf32, #tpu.memory_space<hbm>> -> memref<50000x32xf32, #tpu.memory_space<hbm>>
    %dma_start3A_76 = arith.constant 0 : i32
    %dma_start3A_77 = arith.constant 0 : i32
    %dma_start3A_78 = tpu.memref_slice %dma_start3A_75[%dma_start3A_76, %dma_start3A_77] : memref<50000x32xf32, #tpu.memory_space<hbm>> -> memref<50000x32xf32, #tpu.memory_space<hbm>>
    tpu.enqueue_indirect_dma source(%dma_start3A_78 : memref<50000x32xf32, #tpu.memory_space<hbm>>) target(%dma_start3A_68 : memref<125x32xf32, #tpu.memory_space<vmem>>) offsets(%dma_start3A_71 : memref<125xi32, #tpu.memory_space<vmem>>) semaphore(%arg15 : memref<!tpu.dma_semaphore, #tpu.memory_space<semaphore_mem>>)
    %dma_start3A_79 = arith.constant 1 : i32
    %dma_start3A_80 = arith.constant 125 : i32
    %dma_start3A_81 = arith.constant 0 : i32
    %dma_start3A_82 = tpu.memref_slice %arg10[%dma_start3A_80, %dma_start3A_81] : memref<250x32xf32, #tpu.memory_space<vmem>> -> memref<125x32xf32, #tpu.memory_space<vmem>>
    %dma_start3A_83 = arith.constant 0 : i32
    %dma_start3A_84 = tpu.memref_slice %arg6[%dma_start3A_79, %dma_start3A_83] : memref<2x125xi32, #tpu.memory_space<vmem>> -> memref<1x125xi32, #tpu.memory_space<vmem>>
    %dma_start3A_85 = tpu.memref_squeeze %dma_start3A_84 : memref<1x125xi32, #tpu.memory_space<vmem>> -> memref<125xi32, #tpu.memory_space<vmem>>
    %dma_start3A_86 = arith.constant 0 : i32
    %dma_start3A_87 = arith.constant 0 : i32
    %dma_start3A_88 = tpu.memref_slice %arg2[%arg0, %dma_start3A_86, %dma_start3A_87] : memref<2x50000x32xf32, #tpu.memory_space<hbm>> -> memref<1x50000x32xf32, #tpu.memory_space<hbm>>
    %dma_start3A_89 = tpu.memref_squeeze %dma_start3A_88 : memref<1x50000x32xf32, #tpu.memory_space<hbm>> -> memref<50000x32xf32, #tpu.memory_space<hbm>>
    %dma_start3A_90 = arith.constant 0 : i32
    %dma_start3A_91 = arith.constant 0 : i32
    %dma_start3A_92 = tpu.memref_slice %dma_start3A_89[%dma_start3A_90, %dma_start3A_91] : memref<50000x32xf32, #tpu.memory_space<hbm>> -> memref<50000x32xf32, #tpu.memory_space<hbm>>
    tpu.enqueue_indirect_dma source(%dma_start3A_92 : memref<50000x32xf32, #tpu.memory_space<hbm>>) target(%dma_start3A_82 : memref<125x32xf32, #tpu.memory_space<vmem>>) offsets(%dma_start3A_85 : memref<125xi32, #tpu.memory_space<vmem>>) semaphore(%arg15 : memref<!tpu.dma_semaphore, #tpu.memory_space<semaphore_mem>>)
    %scan3A_93 = arith.constant 0 : i32
    %scan3A_94 = arith.constant 100 : i32
    %scan3A_95 = arith.addi %scan3A_93, %scan3A_94 : i32
    %scan3A_96 = arith.constant 1 : i32
    scf.for %scan3A_104 = %scan3A_93 to %scan3A_95 step %scan3A_96  : i32 {
      %mul3A_105 = arith.constant 1 : i32
      %mul3A_106 = arith.muli %scan3A_104, %mul3A_105 : i32
      %add3A_107 = arith.constant 0 : i32
      %add3A_108 = arith.addi %add3A_107, %mul3A_106 : i32
      %mul3A_109 = arith.constant 2 : i32
      %mul3A_110 = arith.muli %mul3A_109, %add3A_108 : i32
      %dma_wait3A_111 = arith.constant 0 : i32
      %dma_wait3A_112 = arith.constant 0 : i32
      %dma_wait3A_113 = arith.constant 0 : i32
      %dma_wait3A_114 = tpu.memref_slice %arg3[%dma_wait3A_111, %dma_wait3A_112, %dma_wait3A_113] : memref<3200x2x125xi32, #tpu.memory_space<hbm>> -> memref<1x2x125xi32, #tpu.memory_space<hbm>>
      %dma_wait3A_115 = tpu.memref_squeeze %dma_wait3A_114 : memref<1x2x125xi32, #tpu.memory_space<hbm>> -> memref<2x125xi32, #tpu.memory_space<hbm>>
      %dma_wait3A_116 = arith.constant 0 : i32
      %dma_wait3A_117 = arith.constant 0 : i32
      %dma_wait3A_118 = tpu.memref_slice %arg3[%dma_wait3A_111, %dma_wait3A_116, %dma_wait3A_117] : memref<3200x2x125xi32, #tpu.memory_space<hbm>> -> memref<1x2x125xi32, #tpu.memory_space<hbm>>
      %dma_wait3A_119 = tpu.memref_squeeze %dma_wait3A_118 : memref<1x2x125xi32, #tpu.memory_space<hbm>> -> memref<2x125xi32, #tpu.memory_space<hbm>>
      tpu.wait_dma2 semaphore(%arg14 : memref<!tpu.dma_semaphore, #tpu.memory_space<semaphore_mem>>) src(%dma_wait3A_119 : memref<2x125xi32, #tpu.memory_space<hbm>>) dst(%arg8 : memref<2x125xi32, #tpu.memory_space<vmem>>)
      %dma_wait3A_120 = arith.constant 0 : i32
      %dma_wait3A_121 = arith.constant 0 : i32
      %dma_wait3A_122 = arith.constant 0 : i32
      %dma_wait3A_123 = tpu.memref_slice %arg4[%dma_wait3A_120, %dma_wait3A_121, %dma_wait3A_122] : memref<3200x2x125xi32, #tpu.memory_space<hbm>> -> memref<1x2x125xi32, #tpu.memory_space<hbm>>
      %dma_wait3A_124 = tpu.memref_squeeze %dma_wait3A_123 : memref<1x2x125xi32, #tpu.memory_space<hbm>> -> memref<2x125xi32, #tpu.memory_space<hbm>>
      %dma_wait3A_125 = arith.constant 0 : i32
      %dma_wait3A_126 = arith.constant 0 : i32
      %dma_wait3A_127 = tpu.memref_slice %arg4[%dma_wait3A_120, %dma_wait3A_125, %dma_wait3A_126] : memref<3200x2x125xi32, #tpu.memory_space<hbm>> -> memref<1x2x125xi32, #tpu.memory_space<hbm>>
      %dma_wait3A_128 = tpu.memref_squeeze %dma_wait3A_127 : memref<1x2x125xi32, #tpu.memory_space<hbm>> -> memref<2x125xi32, #tpu.memory_space<hbm>>
      tpu.wait_dma2 semaphore(%arg14 : memref<!tpu.dma_semaphore, #tpu.memory_space<semaphore_mem>>) src(%dma_wait3A_128 : memref<2x125xi32, #tpu.memory_space<hbm>>) dst(%arg9 : memref<2x125xi32, #tpu.memory_space<vmem>>)
      %dma_start3A_129 = arith.constant 0 : i32
      %dma_start3A_130 = arith.constant 0 : i32
      %dma_start3A_131 = arith.constant 0 : i32
      %dma_start3A_132 = tpu.memref_slice %arg11[%dma_start3A_130, %dma_start3A_131] : memref<250x32xf32, #tpu.memory_space<vmem>> -> memref<125x32xf32, #tpu.memory_space<vmem>>
      %dma_start3A_133 = arith.constant 0 : i32
      %dma_start3A_134 = tpu.memref_slice %arg8[%dma_start3A_129, %dma_start3A_133] : memref<2x125xi32, #tpu.memory_space<vmem>> -> memref<1x125xi32, #tpu.memory_space<vmem>>
      %dma_start3A_135 = tpu.memref_squeeze %dma_start3A_134 : memref<1x125xi32, #tpu.memory_space<vmem>> -> memref<125xi32, #tpu.memory_space<vmem>>
      %dma_start3A_136 = arith.constant 0 : i32
      %dma_start3A_137 = arith.constant 0 : i32
      %dma_start3A_138 = tpu.memref_slice %arg2[%arg0, %dma_start3A_136, %dma_start3A_137] : memref<2x50000x32xf32, #tpu.memory_space<hbm>> -> memref<1x50000x32xf32, #tpu.memory_space<hbm>>
      %dma_start3A_139 = tpu.memref_squeeze %dma_start3A_138 : memref<1x50000x32xf32, #tpu.memory_space<hbm>> -> memref<50000x32xf32, #tpu.memory_space<hbm>>
      %dma_start3A_140 = arith.constant 0 : i32
      %dma_start3A_141 = arith.constant 0 : i32
      %dma_start3A_142 = tpu.memref_slice %dma_start3A_139[%dma_start3A_140, %dma_start3A_141] : memref<50000x32xf32, #tpu.memory_space<hbm>> -> memref<50000x32xf32, #tpu.memory_space<hbm>>
      tpu.enqueue_indirect_dma source(%dma_start3A_142 : memref<50000x32xf32, #tpu.memory_space<hbm>>) target(%dma_start3A_132 : memref<125x32xf32, #tpu.memory_space<vmem>>) offsets(%dma_start3A_135 : memref<125xi32, #tpu.memory_space<vmem>>) semaphore(%arg16 : memref<!tpu.dma_semaphore, #tpu.memory_space<semaphore_mem>>)
      %dma_start3A_143 = arith.constant 1 : i32
      %dma_start3A_144 = arith.constant 125 : i32
      %dma_start3A_145 = arith.constant 0 : i32
      %dma_start3A_146 = tpu.memref_slice %arg11[%dma_start3A_144, %dma_start3A_145] : memref<250x32xf32, #tpu.memory_space<vmem>> -> memref<125x32xf32, #tpu.memory_space<vmem>>
      %dma_start3A_147 = arith.constant 0 : i32
      %dma_start3A_148 = tpu.memref_slice %arg8[%dma_start3A_143, %dma_start3A_147] : memref<2x125xi32, #tpu.memory_space<vmem>> -> memref<1x125xi32, #tpu.memory_space<vmem>>
      %dma_start3A_149 = tpu.memref_squeeze %dma_start3A_148 : memref<1x125xi32, #tpu.memory_space<vmem>> -> memref<125xi32, #tpu.memory_space<vmem>>
      %dma_start3A_150 = arith.constant 0 : i32
      %dma_start3A_151 = arith.constant 0 : i32
      %dma_start3A_152 = tpu.memref_slice %arg2[%arg0, %dma_start3A_150, %dma_start3A_151] : memref<2x50000x32xf32, #tpu.memory_space<hbm>> -> memref<1x50000x32xf32, #tpu.memory_space<hbm>>
      %dma_start3A_153 = tpu.memref_squeeze %dma_start3A_152 : memref<1x50000x32xf32, #tpu.memory_space<hbm>> -> memref<50000x32xf32, #tpu.memory_space<hbm>>
      %dma_start3A_154 = arith.constant 0 : i32
      %dma_start3A_155 = arith.constant 0 : i32
      %dma_start3A_156 = tpu.memref_slice %dma_start3A_153[%dma_start3A_154, %dma_start3A_155] : memref<50000x32xf32, #tpu.memory_space<hbm>> -> memref<50000x32xf32, #tpu.memory_space<hbm>>
      tpu.enqueue_indirect_dma source(%dma_start3A_156 : memref<50000x32xf32, #tpu.memory_space<hbm>>) target(%dma_start3A_146 : memref<125x32xf32, #tpu.memory_space<vmem>>) offsets(%dma_start3A_149 : memref<125xi32, #tpu.memory_space<vmem>>) semaphore(%arg16 : memref<!tpu.dma_semaphore, #tpu.memory_space<semaphore_mem>>)
      %dma_wait3A_157 = arith.constant 0 : i32
      %dma_wait3A_158 = arith.constant 0 : i32
      %dma_wait3A_159 = arith.constant 0 : i32
      %dma_wait3A_160 = tpu.memref_slice %arg10[%dma_wait3A_158, %dma_wait3A_159] : memref<250x32xf32, #tpu.memory_space<vmem>> -> memref<125x32xf32, #tpu.memory_space<vmem>>
      %dma_wait3A_161 = arith.constant 0 : i32
      %dma_wait3A_162 = tpu.memref_slice %arg6[%dma_wait3A_157, %dma_wait3A_161] : memref<2x125xi32, #tpu.memory_space<vmem>> -> memref<1x125xi32, #tpu.memory_space<vmem>>
      %dma_wait3A_163 = tpu.memref_squeeze %dma_wait3A_162 : memref<1x125xi32, #tpu.memory_space<vmem>> -> memref<125xi32, #tpu.memory_space<vmem>>
      %dma_wait3A_164 = arith.constant 0 : i32
      %dma_wait3A_165 = arith.constant 0 : i32
      %dma_wait3A_166 = tpu.memref_slice %arg2[%arg0, %dma_wait3A_164, %dma_wait3A_165] : memref<2x50000x32xf32, #tpu.memory_space<hbm>> -> memref<1x50000x32xf32, #tpu.memory_space<hbm>>
      %dma_wait3A_167 = tpu.memref_squeeze %dma_wait3A_166 : memref<1x50000x32xf32, #tpu.memory_space<hbm>> -> memref<50000x32xf32, #tpu.memory_space<hbm>>
      %dma_wait3A_168 = arith.constant 0 : i32
      %dma_wait3A_169 = arith.constant 0 : i32
      %dma_wait3A_170 = tpu.memref_slice %dma_wait3A_167[%dma_wait3A_168, %dma_wait3A_169] : memref<50000x32xf32, #tpu.memory_space<hbm>> -> memref<50000x32xf32, #tpu.memory_space<hbm>>
      tpu.wait_indirect_dma semaphore(%arg15 : memref<!tpu.dma_semaphore, #tpu.memory_space<semaphore_mem>>) src(%dma_wait3A_170 : memref<50000x32xf32, #tpu.memory_space<hbm>>) dst(%dma_wait3A_160 : memref<125x32xf32, #tpu.memory_space<vmem>>)
      %dma_wait3A_171 = arith.constant 1 : i32
      %dma_wait3A_172 = arith.constant 125 : i32
      %dma_wait3A_173 = arith.constant 0 : i32
      %dma_wait3A_174 = tpu.memref_slice %arg10[%dma_wait3A_172, %dma_wait3A_173] : memref<250x32xf32, #tpu.memory_space<vmem>> -> memref<125x32xf32, #tpu.memory_space<vmem>>
      %dma_wait3A_175 = arith.constant 0 : i32
      %dma_wait3A_176 = tpu.memref_slice %arg6[%dma_wait3A_171, %dma_wait3A_175] : memref<2x125xi32, #tpu.memory_space<vmem>> -> memref<1x125xi32, #tpu.memory_space<vmem>>
      %dma_wait3A_177 = tpu.memref_squeeze %dma_wait3A_176 : memref<1x125xi32, #tpu.memory_space<vmem>> -> memref<125xi32, #tpu.memory_space<vmem>>
      %dma_wait3A_178 = arith.constant 0 : i32
      %dma_wait3A_179 = arith.constant 0 : i32
      %dma_wait3A_180 = tpu.memref_slice %arg2[%arg0, %dma_wait3A_178, %dma_wait3A_179] : memref<2x50000x32xf32, #tpu.memory_space<hbm>> -> memref<1x50000x32xf32, #tpu.memory_space<hbm>>
      %dma_wait3A_181 = tpu.memref_squeeze %dma_wait3A_180 : memref<1x50000x32xf32, #tpu.memory_space<hbm>> -> memref<50000x32xf32, #tpu.memory_space<hbm>>
      %dma_wait3A_182 = arith.constant 0 : i32
      %dma_wait3A_183 = arith.constant 0 : i32
      %dma_wait3A_184 = tpu.memref_slice %dma_wait3A_181[%dma_wait3A_182, %dma_wait3A_183] : memref<50000x32xf32, #tpu.memory_space<hbm>> -> memref<50000x32xf32, #tpu.memory_space<hbm>>
      tpu.wait_indirect_dma semaphore(%arg15 : memref<!tpu.dma_semaphore, #tpu.memory_space<semaphore_mem>>) src(%dma_wait3A_184 : memref<50000x32xf32, #tpu.memory_space<hbm>>) dst(%dma_wait3A_174 : memref<125x32xf32, #tpu.memory_space<vmem>>)
      %run_scoped3A = arith.constant 0 : i32
      "tpu.region"() ({
        %run_scoped3A_234 = tpu.sem_alloc : memref<!tpu.dma_semaphore, #tpu.memory_space<semaphore_mem>>
        %dma_start3A_235 = arith.constant 0 : i32
        %dma_start3A_236 = arith.constant 0 : i32
        %dma_start3A_237 = tpu.memref_slice %arg10[%dma_start3A_235, %dma_start3A_236] : memref<250x32xf32, #tpu.memory_space<vmem>> -> memref<125x32xf32, #tpu.memory_space<vmem>>
        %dma_start3A_238 = arith.constant 0 : i32
        %dma_start3A_239 = tpu.memref_slice %arg7[%run_scoped3A, %dma_start3A_238] : memref<2x125xi32, #tpu.memory_space<vmem>> -> memref<1x125xi32, #tpu.memory_space<vmem>>
        %dma_start3A_240 = tpu.memref_squeeze %dma_start3A_239 : memref<1x125xi32, #tpu.memory_space<vmem>> -> memref<125xi32, #tpu.memory_space<vmem>>
        %dma_start3A_241 = arith.constant 0 : i32
        %dma_start3A_242 = arith.constant 0 : i32
        %dma_start3A_243 = tpu.memref_slice %arg12[%dma_start3A_241, %dma_start3A_242] : memref<50000x32xf32, #tpu.memory_space<vmem_shared>> -> memref<50000x32xf32, #tpu.memory_space<vmem_shared>>
        tpu.enqueue_indirect_dma source(%dma_start3A_237 : memref<125x32xf32, #tpu.memory_space<vmem>>) target(%dma_start3A_243 : memref<50000x32xf32, #tpu.memory_space<vmem_shared>>) offsets(%dma_start3A_240 : memref<125xi32, #tpu.memory_space<vmem>>) semaphore(%run_scoped3A_234 : memref<!tpu.dma_semaphore, #tpu.memory_space<semaphore_mem>>) {add = true}
        %dma_wait3A_244 = arith.constant 0 : i32
        %dma_wait3A_245 = arith.constant 0 : i32
        %dma_wait3A_246 = tpu.memref_slice %arg10[%dma_wait3A_244, %dma_wait3A_245] : memref<250x32xf32, #tpu.memory_space<vmem>> -> memref<125x32xf32, #tpu.memory_space<vmem>>
        %dma_wait3A_247 = arith.constant 0 : i32
        %dma_wait3A_248 = tpu.memref_slice %arg7[%run_scoped3A, %dma_wait3A_247] : memref<2x125xi32, #tpu.memory_space<vmem>> -> memref<1x125xi32, #tpu.memory_space<vmem>>
        %dma_wait3A_249 = tpu.memref_squeeze %dma_wait3A_248 : memref<1x125xi32, #tpu.memory_space<vmem>> -> memref<125xi32, #tpu.memory_space<vmem>>
        %dma_wait3A_250 = arith.constant 0 : i32
        %dma_wait3A_251 = arith.constant 0 : i32
        %dma_wait3A_252 = tpu.memref_slice %arg12[%dma_wait3A_250, %dma_wait3A_251] : memref<50000x32xf32, #tpu.memory_space<vmem_shared>> -> memref<50000x32xf32, #tpu.memory_space<vmem_shared>>
        tpu.wait_indirect_dma semaphore(%run_scoped3A_234 : memref<!tpu.dma_semaphore, #tpu.memory_space<semaphore_mem>>) src(%dma_wait3A_246 : memref<125x32xf32, #tpu.memory_space<vmem>>) dst(%dma_wait3A_252 : memref<50000x32xf32, #tpu.memory_space<vmem_shared>>)
        tpu.yield
      }) : () -> ()
      %run_scoped3A_185 = arith.constant 1 : i32
      "tpu.region"() ({
        %run_scoped3A_234 = tpu.sem_alloc : memref<!tpu.dma_semaphore, #tpu.memory_space<semaphore_mem>>
        %dma_start3A_235 = arith.constant 125 : i32
        %dma_start3A_236 = arith.constant 0 : i32
        %dma_start3A_237 = tpu.memref_slice %arg10[%dma_start3A_235, %dma_start3A_236] : memref<250x32xf32, #tpu.memory_space<vmem>> -> memref<125x32xf32, #tpu.memory_space<vmem>>
        %dma_start3A_238 = arith.constant 0 : i32
        %dma_start3A_239 = tpu.memref_slice %arg7[%run_scoped3A_185, %dma_start3A_238] : memref<2x125xi32, #tpu.memory_space<vmem>> -> memref<1x125xi32, #tpu.memory_space<vmem>>
        %dma_start3A_240 = tpu.memref_squeeze %dma_start3A_239 : memref<1x125xi32, #tpu.memory_space<vmem>> -> memref<125xi32, #tpu.memory_space<vmem>>
        %dma_start3A_241 = arith.constant 0 : i32
        %dma_start3A_242 = arith.constant 0 : i32
        %dma_start3A_243 = tpu.memref_slice %arg12[%dma_start3A_241, %dma_start3A_242] : memref<50000x32xf32, #tpu.memory_space<vmem_shared>> -> memref<50000x32xf32, #tpu.memory_space<vmem_shared>>
        tpu.enqueue_indirect_dma source(%dma_start3A_237 : memref<125x32xf32, #tpu.memory_space<vmem>>) target(%dma_start3A_243 : memref<50000x32xf32, #tpu.memory_space<vmem_shared>>) offsets(%dma_start3A_240 : memref<125xi32, #tpu.memory_space<vmem>>) semaphore(%run_scoped3A_234 : memref<!tpu.dma_semaphore, #tpu.memory_space<semaphore_mem>>) {add = true}
        %dma_wait3A_244 = arith.constant 125 : i32
        %dma_wait3A_245 = arith.constant 0 : i32
        %dma_wait3A_246 = tpu.memref_slice %arg10[%dma_wait3A_244, %dma_wait3A_245] : memref<250x32xf32, #tpu.memory_space<vmem>> -> memref<125x32xf32, #tpu.memory_space<vmem>>
        %dma_wait3A_247 = arith.constant 0 : i32
        %dma_wait3A_248 = tpu.memref_slice %arg7[%run_scoped3A_185, %dma_wait3A_247] : memref<2x125xi32, #tpu.memory_space<vmem>> -> memref<1x125xi32, #tpu.memory_space<vmem>>
        %dma_wait3A_249 = tpu.memref_squeeze %dma_wait3A_248 : memref<1x125xi32, #tpu.memory_space<vmem>> -> memref<125xi32, #tpu.memory_space<vmem>>
        %dma_wait3A_250 = arith.constant 0 : i32
        %dma_wait3A_251 = arith.constant 0 : i32
        %dma_wait3A_252 = tpu.memref_slice %arg12[%dma_wait3A_250, %dma_wait3A_251] : memref<50000x32xf32, #tpu.memory_space<vmem_shared>> -> memref<50000x32xf32, #tpu.memory_space<vmem_shared>>
        tpu.wait_indirect_dma semaphore(%run_scoped3A_234 : memref<!tpu.dma_semaphore, #tpu.memory_space<semaphore_mem>>) src(%dma_wait3A_246 : memref<125x32xf32, #tpu.memory_space<vmem>>) dst(%dma_wait3A_252 : memref<50000x32xf32, #tpu.memory_space<vmem_shared>>)
        tpu.yield
      }) : () -> ()
      %add3A_186 = arith.constant 2 : i32
      %add3A_187 = arith.addi %mul3A_110, %add3A_186 : i32
      %lt3A = arith.constant 200 : i32
      %lt3A_188 = arith.cmpi slt, %add3A_187, %lt3A : i32
      %convert_element_type3A = arith.extui %lt3A_188 : i1 to i32
      %cond3A = arith.constant 0 : i32
      %cond3A_189 = arith.cmpi ne, %convert_element_type3A, %cond3A : i32
      scf.if %cond3A_189 {
        %add3A_234 = arith.constant 2 : i32
        %add3A_235 = arith.addi %mul3A_110, %add3A_234 : i32
        %add3A_236 = arith.addi %mul3A_9, %add3A_235 : i32
        %dma_start3A_237 = arith.constant 0 : i32
        %dma_start3A_238 = arith.constant 0 : i32
        %dma_start3A_239 = tpu.memref_slice %arg3[%add3A_236, %dma_start3A_237, %dma_start3A_238] : memref<3200x2x125xi32, #tpu.memory_space<hbm>> -> memref<1x2x125xi32, #tpu.memory_space<hbm>>
        %dma_start3A_240 = tpu.memref_squeeze %dma_start3A_239 : memref<1x2x125xi32, #tpu.memory_space<hbm>> -> memref<2x125xi32, #tpu.memory_space<hbm>>
        %dma_start3A_241 = arith.constant 0 : i32
        %dma_start3A_242 = arith.constant 0 : i32
        %dma_start3A_243 = tpu.memref_slice %arg3[%add3A_236, %dma_start3A_241, %dma_start3A_242] : memref<3200x2x125xi32, #tpu.memory_space<hbm>> -> memref<1x2x125xi32, #tpu.memory_space<hbm>>
        %dma_start3A_244 = tpu.memref_squeeze %dma_start3A_243 : memref<1x2x125xi32, #tpu.memory_space<hbm>> -> memref<2x125xi32, #tpu.memory_space<hbm>>
        tpu.enqueue_dma source(%dma_start3A_244 : memref<2x125xi32, #tpu.memory_space<hbm>>) target(%arg6 : memref<2x125xi32, #tpu.memory_space<vmem>>) target_semaphore(%arg13 : memref<!tpu.dma_semaphore, #tpu.memory_space<semaphore_mem>>)
        %add3A_245 = arith.addi %mul3A_9, %add3A_235 : i32
        %dma_start3A_246 = arith.constant 0 : i32
        %dma_start3A_247 = arith.constant 0 : i32
        %dma_start3A_248 = tpu.memref_slice %arg4[%add3A_245, %dma_start3A_246, %dma_start3A_247] : memref<3200x2x125xi32, #tpu.memory_space<hbm>> -> memref<1x2x125xi32, #tpu.memory_space<hbm>>
        %dma_start3A_249 = tpu.memref_squeeze %dma_start3A_248 : memref<1x2x125xi32, #tpu.memory_space<hbm>> -> memref<2x125xi32, #tpu.memory_space<hbm>>
        %dma_start3A_250 = arith.constant 0 : i32
        %dma_start3A_251 = arith.constant 0 : i32
        %dma_start3A_252 = tpu.memref_slice %arg4[%add3A_245, %dma_start3A_250, %dma_start3A_251] : memref<3200x2x125xi32, #tpu.memory_space<hbm>> -> memref<1x2x125xi32, #tpu.memory_space<hbm>>
        %dma_start3A_253 = tpu.memref_squeeze %dma_start3A_252 : memref<1x2x125xi32, #tpu.memory_space<hbm>> -> memref<2x125xi32, #tpu.memory_space<hbm>>
        tpu.enqueue_dma source(%dma_start3A_253 : memref<2x125xi32, #tpu.memory_space<hbm>>) target(%arg7 : memref<2x125xi32, #tpu.memory_space<vmem>>) target_semaphore(%arg13 : memref<!tpu.dma_semaphore, #tpu.memory_space<semaphore_mem>>)
      } else {
      }
      %dma_wait3A_190 = arith.constant 0 : i32
      %dma_wait3A_191 = arith.constant 0 : i32
      %dma_wait3A_192 = arith.constant 0 : i32
      %dma_wait3A_193 = tpu.memref_slice %arg11[%dma_wait3A_191, %dma_wait3A_192] : memref<250x32xf32, #tpu.memory_space<vmem>> -> memref<125x32xf32, #tpu.memory_space<vmem>>
      %dma_wait3A_194 = arith.constant 0 : i32
      %dma_wait3A_195 = tpu.memref_slice %arg8[%dma_wait3A_190, %dma_wait3A_194] : memref<2x125xi32, #tpu.memory_space<vmem>> -> memref<1x125xi32, #tpu.memory_space<vmem>>
      %dma_wait3A_196 = tpu.memref_squeeze %dma_wait3A_195 : memref<1x125xi32, #tpu.memory_space<vmem>> -> memref<125xi32, #tpu.memory_space<vmem>>
      %dma_wait3A_197 = arith.constant 0 : i32
      %dma_wait3A_198 = arith.constant 0 : i32
      %dma_wait3A_199 = tpu.memref_slice %arg2[%arg0, %dma_wait3A_197, %dma_wait3A_198] : memref<2x50000x32xf32, #tpu.memory_space<hbm>> -> memref<1x50000x32xf32, #tpu.memory_space<hbm>>
      %dma_wait3A_200 = tpu.memref_squeeze %dma_wait3A_199 : memref<1x50000x32xf32, #tpu.memory_space<hbm>> -> memref<50000x32xf32, #tpu.memory_space<hbm>>
      %dma_wait3A_201 = arith.constant 0 : i32
      %dma_wait3A_202 = arith.constant 0 : i32
      %dma_wait3A_203 = tpu.memref_slice %dma_wait3A_200[%dma_wait3A_201, %dma_wait3A_202] : memref<50000x32xf32, #tpu.memory_space<hbm>> -> memref<50000x32xf32, #tpu.memory_space<hbm>>
      tpu.wait_indirect_dma semaphore(%arg16 : memref<!tpu.dma_semaphore, #tpu.memory_space<semaphore_mem>>) src(%dma_wait3A_203 : memref<50000x32xf32, #tpu.memory_space<hbm>>) dst(%dma_wait3A_193 : memref<125x32xf32, #tpu.memory_space<vmem>>)
      %dma_wait3A_204 = arith.constant 1 : i32
      %dma_wait3A_205 = arith.constant 125 : i32
      %dma_wait3A_206 = arith.constant 0 : i32
      %dma_wait3A_207 = tpu.memref_slice %arg11[%dma_wait3A_205, %dma_wait3A_206] : memref<250x32xf32, #tpu.memory_space<vmem>> -> memref<125x32xf32, #tpu.memory_space<vmem>>
      %dma_wait3A_208 = arith.constant 0 : i32
      %dma_wait3A_209 = tpu.memref_slice %arg8[%dma_wait3A_204, %dma_wait3A_208] : memref<2x125xi32, #tpu.memory_space<vmem>> -> memref<1x125xi32, #tpu.memory_space<vmem>>
      %dma_wait3A_210 = tpu.memref_squeeze %dma_wait3A_209 : memref<1x125xi32, #tpu.memory_space<vmem>> -> memref<125xi32, #tpu.memory_space<vmem>>
      %dma_wait3A_211 = arith.constant 0 : i32
      %dma_wait3A_212 = arith.constant 0 : i32
      %dma_wait3A_213 = tpu.memref_slice %arg2[%arg0, %dma_wait3A_211, %dma_wait3A_212] : memref<2x50000x32xf32, #tpu.memory_space<hbm>> -> memref<1x50000x32xf32, #tpu.memory_space<hbm>>
      %dma_wait3A_214 = tpu.memref_squeeze %dma_wait3A_213 : memref<1x50000x32xf32, #tpu.memory_space<hbm>> -> memref<50000x32xf32, #tpu.memory_space<hbm>>
      %dma_wait3A_215 = arith.constant 0 : i32
      %dma_wait3A_216 = arith.constant 0 : i32
      %dma_wait3A_217 = tpu.memref_slice %dma_wait3A_214[%dma_wait3A_215, %dma_wait3A_216] : memref<50000x32xf32, #tpu.memory_space<hbm>> -> memref<50000x32xf32, #tpu.memory_space<hbm>>
      tpu.wait_indirect_dma semaphore(%arg16 : memref<!tpu.dma_semaphore, #tpu.memory_space<semaphore_mem>>) src(%dma_wait3A_217 : memref<50000x32xf32, #tpu.memory_space<hbm>>) dst(%dma_wait3A_207 : memref<125x32xf32, #tpu.memory_space<vmem>>)
      %add3A_218 = arith.constant 2 : i32
      %add3A_219 = arith.addi %mul3A_110, %add3A_218 : i32
      %lt3A_220 = arith.constant 200 : i32
      %lt3A_221 = arith.cmpi slt, %add3A_219, %lt3A_220 : i32
      %convert_element_type3A_222 = arith.extui %lt3A_221 : i1 to i32
      %cond3A_223 = arith.constant 0 : i32
      %cond3A_224 = arith.cmpi ne, %convert_element_type3A_222, %cond3A_223 : i32
      scf.if %cond3A_224 {
        %dma_wait3A_234 = arith.constant 0 : i32
        %dma_wait3A_235 = arith.constant 0 : i32
        %dma_wait3A_236 = arith.constant 0 : i32
        %dma_wait3A_237 = tpu.memref_slice %arg3[%dma_wait3A_234, %dma_wait3A_235, %dma_wait3A_236] : memref<3200x2x125xi32, #tpu.memory_space<hbm>> -> memref<1x2x125xi32, #tpu.memory_space<hbm>>
        %dma_wait3A_238 = tpu.memref_squeeze %dma_wait3A_237 : memref<1x2x125xi32, #tpu.memory_space<hbm>> -> memref<2x125xi32, #tpu.memory_space<hbm>>
        %dma_wait3A_239 = arith.constant 0 : i32
        %dma_wait3A_240 = arith.constant 0 : i32
        %dma_wait3A_241 = tpu.memref_slice %arg3[%dma_wait3A_234, %dma_wait3A_239, %dma_wait3A_240] : memref<3200x2x125xi32, #tpu.memory_space<hbm>> -> memref<1x2x125xi32, #tpu.memory_space<hbm>>
        %dma_wait3A_242 = tpu.memref_squeeze %dma_wait3A_241 : memref<1x2x125xi32, #tpu.memory_space<hbm>> -> memref<2x125xi32, #tpu.memory_space<hbm>>
        tpu.wait_dma2 semaphore(%arg13 : memref<!tpu.dma_semaphore, #tpu.memory_space<semaphore_mem>>) src(%dma_wait3A_242 : memref<2x125xi32, #tpu.memory_space<hbm>>) dst(%arg6 : memref<2x125xi32, #tpu.memory_space<vmem>>)
        %dma_wait3A_243 = arith.constant 0 : i32
        %dma_wait3A_244 = arith.constant 0 : i32
        %dma_wait3A_245 = arith.constant 0 : i32
        %dma_wait3A_246 = tpu.memref_slice %arg4[%dma_wait3A_243, %dma_wait3A_244, %dma_wait3A_245] : memref<3200x2x125xi32, #tpu.memory_space<hbm>> -> memref<1x2x125xi32, #tpu.memory_space<hbm>>
        %dma_wait3A_247 = tpu.memref_squeeze %dma_wait3A_246 : memref<1x2x125xi32, #tpu.memory_space<hbm>> -> memref<2x125xi32, #tpu.memory_space<hbm>>
        %dma_wait3A_248 = arith.constant 0 : i32
        %dma_wait3A_249 = arith.constant 0 : i32
        %dma_wait3A_250 = tpu.memref_slice %arg4[%dma_wait3A_243, %dma_wait3A_248, %dma_wait3A_249] : memref<3200x2x125xi32, #tpu.memory_space<hbm>> -> memref<1x2x125xi32, #tpu.memory_space<hbm>>
        %dma_wait3A_251 = tpu.memref_squeeze %dma_wait3A_250 : memref<1x2x125xi32, #tpu.memory_space<hbm>> -> memref<2x125xi32, #tpu.memory_space<hbm>>
        tpu.wait_dma2 semaphore(%arg13 : memref<!tpu.dma_semaphore, #tpu.memory_space<semaphore_mem>>) src(%dma_wait3A_251 : memref<2x125xi32, #tpu.memory_space<hbm>>) dst(%arg7 : memref<2x125xi32, #tpu.memory_space<vmem>>)
        %dma_start3A_252 = arith.constant 0 : i32
        %dma_start3A_253 = arith.constant 0 : i32
        %dma_start3A_254 = arith.constant 0 : i32
        %dma_start3A_255 = tpu.memref_slice %arg10[%dma_start3A_253, %dma_start3A_254] : memref<250x32xf32, #tpu.memory_space<vmem>> -> memref<125x32xf32, #tpu.memory_space<vmem>>
        %dma_start3A_256 = arith.constant 0 : i32
        %dma_start3A_257 = tpu.memref_slice %arg6[%dma_start3A_252, %dma_start3A_256] : memref<2x125xi32, #tpu.memory_space<vmem>> -> memref<1x125xi32, #tpu.memory_space<vmem>>
        %dma_start3A_258 = tpu.memref_squeeze %dma_start3A_257 : memref<1x125xi32, #tpu.memory_space<vmem>> -> memref<125xi32, #tpu.memory_space<vmem>>
        %dma_start3A_259 = arith.constant 0 : i32
        %dma_start3A_260 = arith.constant 0 : i32
        %dma_start3A_261 = tpu.memref_slice %arg2[%arg0, %dma_start3A_259, %dma_start3A_260] : memref<2x50000x32xf32, #tpu.memory_space<hbm>> -> memref<1x50000x32xf32, #tpu.memory_space<hbm>>
        %dma_start3A_262 = tpu.memref_squeeze %dma_start3A_261 : memref<1x50000x32xf32, #tpu.memory_space<hbm>> -> memref<50000x32xf32, #tpu.memory_space<hbm>>
        %dma_start3A_263 = arith.constant 0 : i32
        %dma_start3A_264 = arith.constant 0 : i32
        %dma_start3A_265 = tpu.memref_slice %dma_start3A_262[%dma_start3A_263, %dma_start3A_264] : memref<50000x32xf32, #tpu.memory_space<hbm>> -> memref<50000x32xf32, #tpu.memory_space<hbm>>
        tpu.enqueue_indirect_dma source(%dma_start3A_265 : memref<50000x32xf32, #tpu.memory_space<hbm>>) target(%dma_start3A_255 : memref<125x32xf32, #tpu.memory_space<vmem>>) offsets(%dma_start3A_258 : memref<125xi32, #tpu.memory_space<vmem>>) semaphore(%arg15 : memref<!tpu.dma_semaphore, #tpu.memory_space<semaphore_mem>>)
        %dma_start3A_266 = arith.constant 1 : i32
        %dma_start3A_267 = arith.constant 125 : i32
        %dma_start3A_268 = arith.constant 0 : i32
        %dma_start3A_269 = tpu.memref_slice %arg10[%dma_start3A_267, %dma_start3A_268] : memref<250x32xf32, #tpu.memory_space<vmem>> -> memref<125x32xf32, #tpu.memory_space<vmem>>
        %dma_start3A_270 = arith.constant 0 : i32
        %dma_start3A_271 = tpu.memref_slice %arg6[%dma_start3A_266, %dma_start3A_270] : memref<2x125xi32, #tpu.memory_space<vmem>> -> memref<1x125xi32, #tpu.memory_space<vmem>>
        %dma_start3A_272 = tpu.memref_squeeze %dma_start3A_271 : memref<1x125xi32, #tpu.memory_space<vmem>> -> memref<125xi32, #tpu.memory_space<vmem>>
        %dma_start3A_273 = arith.constant 0 : i32
        %dma_start3A_274 = arith.constant 0 : i32
        %dma_start3A_275 = tpu.memref_slice %arg2[%arg0, %dma_start3A_273, %dma_start3A_274] : memref<2x50000x32xf32, #tpu.memory_space<hbm>> -> memref<1x50000x32xf32, #tpu.memory_space<hbm>>
        %dma_start3A_276 = tpu.memref_squeeze %dma_start3A_275 : memref<1x50000x32xf32, #tpu.memory_space<hbm>> -> memref<50000x32xf32, #tpu.memory_space<hbm>>
        %dma_start3A_277 = arith.constant 0 : i32
        %dma_start3A_278 = arith.constant 0 : i32
        %dma_start3A_279 = tpu.memref_slice %dma_start3A_276[%dma_start3A_277, %dma_start3A_278] : memref<50000x32xf32, #tpu.memory_space<hbm>> -> memref<50000x32xf32, #tpu.memory_space<hbm>>
        tpu.enqueue_indirect_dma source(%dma_start3A_279 : memref<50000x32xf32, #tpu.memory_space<hbm>>) target(%dma_start3A_269 : memref<125x32xf32, #tpu.memory_space<vmem>>) offsets(%dma_start3A_272 : memref<125xi32, #tpu.memory_space<vmem>>) semaphore(%arg15 : memref<!tpu.dma_semaphore, #tpu.memory_space<semaphore_mem>>)
      } else {
      }
      %run_scoped3A_225 = arith.constant 0 : i32
      "tpu.region"() ({
        %run_scoped3A_234 = tpu.sem_alloc : memref<!tpu.dma_semaphore, #tpu.memory_space<semaphore_mem>>
        %dma_start3A_235 = arith.constant 0 : i32
        %dma_start3A_236 = arith.constant 0 : i32
        %dma_start3A_237 = tpu.memref_slice %arg11[%dma_start3A_235, %dma_start3A_236] : memref<250x32xf32, #tpu.memory_space<vmem>> -> memref<125x32xf32, #tpu.memory_space<vmem>>
        %dma_start3A_238 = arith.constant 0 : i32
        %dma_start3A_239 = tpu.memref_slice %arg9[%run_scoped3A_225, %dma_start3A_238] : memref<2x125xi32, #tpu.memory_space<vmem>> -> memref<1x125xi32, #tpu.memory_space<vmem>>
        %dma_start3A_240 = tpu.memref_squeeze %dma_start3A_239 : memref<1x125xi32, #tpu.memory_space<vmem>> -> memref<125xi32, #tpu.memory_space<vmem>>
        %dma_start3A_241 = arith.constant 0 : i32
        %dma_start3A_242 = arith.constant 0 : i32
        %dma_start3A_243 = tpu.memref_slice %arg12[%dma_start3A_241, %dma_start3A_242] : memref<50000x32xf32, #tpu.memory_space<vmem_shared>> -> memref<50000x32xf32, #tpu.memory_space<vmem_shared>>
        tpu.enqueue_indirect_dma source(%dma_start3A_237 : memref<125x32xf32, #tpu.memory_space<vmem>>) target(%dma_start3A_243 : memref<50000x32xf32, #tpu.memory_space<vmem_shared>>) offsets(%dma_start3A_240 : memref<125xi32, #tpu.memory_space<vmem>>) semaphore(%run_scoped3A_234 : memref<!tpu.dma_semaphore, #tpu.memory_space<semaphore_mem>>) {add = true}
        %dma_wait3A_244 = arith.constant 0 : i32
        %dma_wait3A_245 = arith.constant 0 : i32
        %dma_wait3A_246 = tpu.memref_slice %arg11[%dma_wait3A_244, %dma_wait3A_245] : memref<250x32xf32, #tpu.memory_space<vmem>> -> memref<125x32xf32, #tpu.memory_space<vmem>>
        %dma_wait3A_247 = arith.constant 0 : i32
        %dma_wait3A_248 = tpu.memref_slice %arg9[%run_scoped3A_225, %dma_wait3A_247] : memref<2x125xi32, #tpu.memory_space<vmem>> -> memref<1x125xi32, #tpu.memory_space<vmem>>
        %dma_wait3A_249 = tpu.memref_squeeze %dma_wait3A_248 : memref<1x125xi32, #tpu.memory_space<vmem>> -> memref<125xi32, #tpu.memory_space<vmem>>
        %dma_wait3A_250 = arith.constant 0 : i32
        %dma_wait3A_251 = arith.constant 0 : i32
        %dma_wait3A_252 = tpu.memref_slice %arg12[%dma_wait3A_250, %dma_wait3A_251] : memref<50000x32xf32, #tpu.memory_space<vmem_shared>> -> memref<50000x32xf32, #tpu.memory_space<vmem_shared>>
        tpu.wait_indirect_dma semaphore(%run_scoped3A_234 : memref<!tpu.dma_semaphore, #tpu.memory_space<semaphore_mem>>) src(%dma_wait3A_246 : memref<125x32xf32, #tpu.memory_space<vmem>>) dst(%dma_wait3A_252 : memref<50000x32xf32, #tpu.memory_space<vmem_shared>>)
        tpu.yield
      }) : () -> ()
      %run_scoped3A_226 = arith.constant 1 : i32
      "tpu.region"() ({
        %run_scoped3A_234 = tpu.sem_alloc : memref<!tpu.dma_semaphore, #tpu.memory_space<semaphore_mem>>
        %dma_start3A_235 = arith.constant 125 : i32
        %dma_start3A_236 = arith.constant 0 : i32
        %dma_start3A_237 = tpu.memref_slice %arg11[%dma_start3A_235, %dma_start3A_236] : memref<250x32xf32, #tpu.memory_space<vmem>> -> memref<125x32xf32, #tpu.memory_space<vmem>>
        %dma_start3A_238 = arith.constant 0 : i32
        %dma_start3A_239 = tpu.memref_slice %arg9[%run_scoped3A_226, %dma_start3A_238] : memref<2x125xi32, #tpu.memory_space<vmem>> -> memref<1x125xi32, #tpu.memory_space<vmem>>
        %dma_start3A_240 = tpu.memref_squeeze %dma_start3A_239 : memref<1x125xi32, #tpu.memory_space<vmem>> -> memref<125xi32, #tpu.memory_space<vmem>>
        %dma_start3A_241 = arith.constant 0 : i32
        %dma_start3A_242 = arith.constant 0 : i32
        %dma_start3A_243 = tpu.memref_slice %arg12[%dma_start3A_241, %dma_start3A_242] : memref<50000x32xf32, #tpu.memory_space<vmem_shared>> -> memref<50000x32xf32, #tpu.memory_space<vmem_shared>>
        tpu.enqueue_indirect_dma source(%dma_start3A_237 : memref<125x32xf32, #tpu.memory_space<vmem>>) target(%dma_start3A_243 : memref<50000x32xf32, #tpu.memory_space<vmem_shared>>) offsets(%dma_start3A_240 : memref<125xi32, #tpu.memory_space<vmem>>) semaphore(%run_scoped3A_234 : memref<!tpu.dma_semaphore, #tpu.memory_space<semaphore_mem>>) {add = true}
        %dma_wait3A_244 = arith.constant 125 : i32
        %dma_wait3A_245 = arith.constant 0 : i32
        %dma_wait3A_246 = tpu.memref_slice %arg11[%dma_wait3A_244, %dma_wait3A_245] : memref<250x32xf32, #tpu.memory_space<vmem>> -> memref<125x32xf32, #tpu.memory_space<vmem>>
        %dma_wait3A_247 = arith.constant 0 : i32
        %dma_wait3A_248 = tpu.memref_slice %arg9[%run_scoped3A_226, %dma_wait3A_247] : memref<2x125xi32, #tpu.memory_space<vmem>> -> memref<1x125xi32, #tpu.memory_space<vmem>>
        %dma_wait3A_249 = tpu.memref_squeeze %dma_wait3A_248 : memref<1x125xi32, #tpu.memory_space<vmem>> -> memref<125xi32, #tpu.memory_space<vmem>>
        %dma_wait3A_250 = arith.constant 0 : i32
        %dma_wait3A_251 = arith.constant 0 : i32
        %dma_wait3A_252 = tpu.memref_slice %arg12[%dma_wait3A_250, %dma_wait3A_251] : memref<50000x32xf32, #tpu.memory_space<vmem_shared>> -> memref<50000x32xf32, #tpu.memory_space<vmem_shared>>
        tpu.wait_indirect_dma semaphore(%run_scoped3A_234 : memref<!tpu.dma_semaphore, #tpu.memory_space<semaphore_mem>>) src(%dma_wait3A_246 : memref<125x32xf32, #tpu.memory_space<vmem>>) dst(%dma_wait3A_252 : memref<50000x32xf32, #tpu.memory_space<vmem_shared>>)
        tpu.yield
      }) : () -> ()
      %add3A_227 = arith.constant 3 : i32
      %add3A_228 = arith.addi %mul3A_110, %add3A_227 : i32
      %lt3A_229 = arith.constant 200 : i32
      %lt3A_230 = arith.cmpi slt, %add3A_228, %lt3A_229 : i32
      %convert_element_type3A_231 = arith.extui %lt3A_230 : i1 to i32
      %cond3A_232 = arith.constant 0 : i32
      %cond3A_233 = arith.cmpi ne, %convert_element_type3A_231, %cond3A_232 : i32
      scf.if %cond3A_233 {
        %add3A_234 = arith.constant 3 : i32
        %add3A_235 = arith.addi %mul3A_110, %add3A_234 : i32
        %add3A_236 = arith.addi %mul3A_9, %add3A_235 : i32
        %dma_start3A_237 = arith.constant 0 : i32
        %dma_start3A_238 = arith.constant 0 : i32
        %dma_start3A_239 = tpu.memref_slice %arg3[%add3A_236, %dma_start3A_237, %dma_start3A_238] : memref<3200x2x125xi32, #tpu.memory_space<hbm>> -> memref<1x2x125xi32, #tpu.memory_space<hbm>>
        %dma_start3A_240 = tpu.memref_squeeze %dma_start3A_239 : memref<1x2x125xi32, #tpu.memory_space<hbm>> -> memref<2x125xi32, #tpu.memory_space<hbm>>
        %dma_start3A_241 = arith.constant 0 : i32
        %dma_start3A_242 = arith.constant 0 : i32
        %dma_start3A_243 = tpu.memref_slice %arg3[%add3A_236, %dma_start3A_241, %dma_start3A_242] : memref<3200x2x125xi32, #tpu.memory_space<hbm>> -> memref<1x2x125xi32, #tpu.memory_space<hbm>>
        %dma_start3A_244 = tpu.memref_squeeze %dma_start3A_243 : memref<1x2x125xi32, #tpu.memory_space<hbm>> -> memref<2x125xi32, #tpu.memory_space<hbm>>
        tpu.enqueue_dma source(%dma_start3A_244 : memref<2x125xi32, #tpu.memory_space<hbm>>) target(%arg8 : memref<2x125xi32, #tpu.memory_space<vmem>>) target_semaphore(%arg14 : memref<!tpu.dma_semaphore, #tpu.memory_space<semaphore_mem>>)
        %add3A_245 = arith.addi %mul3A_9, %add3A_235 : i32
        %dma_start3A_246 = arith.constant 0 : i32
        %dma_start3A_247 = arith.constant 0 : i32
        %dma_start3A_248 = tpu.memref_slice %arg4[%add3A_245, %dma_start3A_246, %dma_start3A_247] : memref<3200x2x125xi32, #tpu.memory_space<hbm>> -> memref<1x2x125xi32, #tpu.memory_space<hbm>>
        %dma_start3A_249 = tpu.memref_squeeze %dma_start3A_248 : memref<1x2x125xi32, #tpu.memory_space<hbm>> -> memref<2x125xi32, #tpu.memory_space<hbm>>
        %dma_start3A_250 = arith.constant 0 : i32
        %dma_start3A_251 = arith.constant 0 : i32
        %dma_start3A_252 = tpu.memref_slice %arg4[%add3A_245, %dma_start3A_250, %dma_start3A_251] : memref<3200x2x125xi32, #tpu.memory_space<hbm>> -> memref<1x2x125xi32, #tpu.memory_space<hbm>>
        %dma_start3A_253 = tpu.memref_squeeze %dma_start3A_252 : memref<1x2x125xi32, #tpu.memory_space<hbm>> -> memref<2x125xi32, #tpu.memory_space<hbm>>
        tpu.enqueue_dma source(%dma_start3A_253 : memref<2x125xi32, #tpu.memory_space<hbm>>) target(%arg9 : memref<2x125xi32, #tpu.memory_space<vmem>>) target_semaphore(%arg14 : memref<!tpu.dma_semaphore, #tpu.memory_space<semaphore_mem>>)
      } else {
      }
    }
    %scan3A_97 = arith.constant 100 : i32
    %barrier3A_98 = arith.constant 0 : index
    tpu.barrier barrier_id(%barrier3A_98)
    %scan3A_99 = arith.constant 0 : i32
    %scan3A_100 = arith.constant 4 : i32
    %scan3A_101 = arith.addi %scan3A_99, %scan3A_100 : i32
    %scan3A_102 = arith.constant 1 : i32
    scf.for %scan3A_104 = %scan3A_99 to %scan3A_101 step %scan3A_102  : i32 {
      %mul3A_105 = arith.constant 1 : i32
      %mul3A_106 = arith.muli %scan3A_104, %mul3A_105 : i32
      %add3A_107 = arith.constant 0 : i32
      %add3A_108 = arith.addi %add3A_107, %mul3A_106 : i32
      %mul3A_109 = arith.constant 16 : i32
      %mul3A_110 = arith.muli %add3A_108, %mul3A_109 : i32
      %add3A_111 = arith.addi %arg1, %mul3A_110 : i32
      %lt3A = arith.constant 50 : i32
      %lt3A_112 = arith.cmpi slt, %add3A_111, %lt3A : i32
      %convert_element_type3A = arith.extui %lt3A_112 : i1 to i32
      %cond3A = arith.constant 0 : i32
      %cond3A_113 = arith.cmpi ne, %convert_element_type3A, %cond3A : i32
      scf.if %cond3A_113 {
        %mul3A_114 = arith.constant 1000 : i32
        %mul3A_115 = arith.muli %add3A_111, %mul3A_114 : i32
        %mul3A_116 = arith.constant 1000 : i32
        %mul3A_117 = arith.muli %add3A_111, %mul3A_116 : i32
        "tpu.region"() ({
          %run_scoped3A = tpu.sem_alloc : memref<!tpu.dma_semaphore, #tpu.memory_space<semaphore_mem>>
          %dma_start3A_118 = arith.constant 0 : i32
          %dma_start3A_119 = arith.constant 0 : i32
          %dma_start3A_120 = tpu.memref_slice %arg5[%arg0, %dma_start3A_118, %dma_start3A_119] : memref<2x50000x32xf32, #tpu.memory_space<hbm>> -> memref<1x50000x32xf32, #tpu.memory_space<hbm>>
          %dma_start3A_121 = tpu.memref_squeeze %dma_start3A_120 : memref<1x50000x32xf32, #tpu.memory_space<hbm>> -> memref<50000x32xf32, #tpu.memory_space<hbm>>
          %dma_start3A_122 = arith.constant 0 : i32
          %dma_start3A_123 = tpu.memref_slice %dma_start3A_121[%mul3A_117, %dma_start3A_122] : memref<50000x32xf32, #tpu.memory_space<hbm>> -> memref<1000x32xf32, #tpu.memory_space<hbm>>
          %dma_start3A_124 = arith.constant 0 : i32
          %dma_start3A_125 = tpu.memref_slice %arg12[%mul3A_115, %dma_start3A_124] : memref<50000x32xf32, #tpu.memory_space<vmem_shared>> -> memref<1000x32xf32, #tpu.memory_space<vmem_shared>>
          tpu.enqueue_dma source(%dma_start3A_125 : memref<1000x32xf32, #tpu.memory_space<vmem_shared>>) target(%dma_start3A_123 : memref<1000x32xf32, #tpu.memory_space<hbm>>) target_semaphore(%run_scoped3A : memref<!tpu.dma_semaphore, #tpu.memory_space<semaphore_mem>>)
          %dma_wait3A_126 = arith.constant 0 : i32
          %dma_wait3A_127 = arith.constant 0 : i32
          %dma_wait3A_128 = tpu.memref_slice %arg5[%arg0, %dma_wait3A_126, %dma_wait3A_127] : memref<2x50000x32xf32, #tpu.memory_space<hbm>> -> memref<1x50000x32xf32, #tpu.memory_space<hbm>>
          %dma_wait3A_129 = tpu.memref_squeeze %dma_wait3A_128 : memref<1x50000x32xf32, #tpu.memory_space<hbm>> -> memref<50000x32xf32, #tpu.memory_space<hbm>>
          %dma_wait3A_130 = arith.constant 0 : i32
          %dma_wait3A_131 = tpu.memref_slice %dma_wait3A_129[%mul3A_117, %dma_wait3A_130] : memref<50000x32xf32, #tpu.memory_space<hbm>> -> memref<1000x32xf32, #tpu.memory_space<hbm>>
          %dma_wait3A_132 = arith.constant 0 : i32
          %dma_wait3A_133 = tpu.memref_slice %arg12[%mul3A_115, %dma_wait3A_132] : memref<50000x32xf32, #tpu.memory_space<vmem_shared>> -> memref<1000x32xf32, #tpu.memory_space<vmem_shared>>
          tpu.wait_dma2 semaphore(%run_scoped3A : memref<!tpu.dma_semaphore, #tpu.memory_space<semaphore_mem>>) src(%dma_wait3A_133 : memref<1000x32xf32, #tpu.memory_space<vmem_shared>>) dst(%dma_wait3A_131 : memref<1000x32xf32, #tpu.memory_space<hbm>>)
          tpu.yield
        }) : () -> ()
      } else {
      }
    }
    %scan3A_103 = arith.constant 4 : i32
    return
  }
}

#map = affine_map<(d0, d1) -> (0, 0, 0)>
module attributes {stable_mosaic.version = 14 : i64} {
  func.func @k(%arg0: i32, %arg1: i32, %arg2: memref<2x50000x32xf32, #tpu.memory_space<hbm>>, %arg3: memref<3200x2x125xi32, #tpu.memory_space<hbm>>, %arg4: memref<3200x2x125xi32, #tpu.memory_space<hbm>>, %arg5: memref<2x50000x32xf32, #tpu.memory_space<hbm>>, %arg6: memref<2x125xi32, #tpu.memory_space<vmem>>, %arg7: memref<2x125xi32, #tpu.memory_space<vmem>>, %arg8: memref<2x125xi32, #tpu.memory_space<vmem>>, %arg9: memref<2x125xi32, #tpu.memory_space<vmem>>, %arg10: memref<250x32xf32, #tpu.memory_space<vmem>>, %arg11: memref<250x32xf32, #tpu.memory_space<vmem>>, %arg12: memref<50000x32xf32, #tpu.memory_space<vmem_shared>>, %arg13: memref<!tpu.dma_semaphore, #tpu.memory_space<semaphore_mem>>, %arg14: memref<!tpu.dma_semaphore, #tpu.memory_space<semaphore_mem>>, %arg15: memref<!tpu.dma_semaphore, #tpu.memory_space<semaphore_mem>>, %arg16: memref<!tpu.dma_semaphore, #tpu.memory_space<semaphore_mem>>) attributes {dimension_semantics = [#tpu.dimension_semantics<core_parallel>, #tpu.dimension_semantics<subcore_parallel>], iteration_bounds = array<i64: 2, 16>, scalar_prefetch = 0 : i64, scratch_operands = 11 : i64, tpu.core_type = #tpu.core_type<sc_vector_subcore>, window_params = [{transform_indices = #map}, {transform_indices = #map}, {transform_indices = #map}, {transform_indices = #map}]} {
    %scan3A = arith.constant 0 : i32
    %scan3A_0 = arith.constant 250 : i32
    %scan3A_1 = arith.addi %scan3A, %scan3A_0 : i32
    %scan3A_2 = arith.constant 1 : i32
    scf.for %scan3A_104 = %scan3A to %scan3A_1 step %scan3A_2  : i32 {
      %mul3A_105 = arith.constant 1 : i32
      %mul3A_106 = arith.muli %scan3A_104, %mul3A_105 : i32
      %add3A_107 = arith.constant 0 : i32
      %add3A_108 = arith.addi %add3A_107, %mul3A_106 : i32
      %scan3A_109 = arith.constant 0 : i32
      %scan3A_110 = arith.constant 2 : i32
      %scan3A_111 = arith.addi %scan3A_109, %scan3A_110 : i32
      %scan3A_112 = arith.constant 1 : i32
      scf.for %scan3A_114 = %scan3A_109 to %scan3A_111 step %scan3A_112  : i32 {
        %mul3A_115 = arith.constant 16 : i32
        %mul3A_116 = arith.muli %scan3A_114, %mul3A_115 : i32
        %add3A_117 = arith.constant 0 : i32
        %add3A_118 = arith.addi %add3A_117, %mul3A_116 : i32
        %broadcast_in_dim3A = arith.constant 0.000000e+00 : f32
        %broadcast_in_dim3A_119 = vector.broadcast %broadcast_in_dim3A : f32 to vector<16xf32>
        %swap3A = arith.index_cast %add3A_108 : i32 to index
        %swap3A_120 = arith.index_cast %add3A_118 : i32 to index
        %swap3A_121 = tpu.vector_load %arg10[%swap3A, %swap3A_120] {strides = array<i32>} : memref<250x32xf32, #tpu.memory_space<vmem>>, vector<1x16xf32>,
        %swap3A_122 = vector.shape_cast %swap3A_121 : vector<1x16xf32> to vector<16xf32>
        %swap3A_123 = vector.shape_cast %broadcast_in_dim3A_119 : vector<16xf32> to vector<1x16xf32>
        tpu.vector_store %arg10[%swap3A, %swap3A_120], %swap3A_123 {strides = array<i32>} : memref<250x32xf32, #tpu.memory_space<vmem>>, vector<1x16xf32>,
      }
      %scan3A_113 = arith.constant 2 : i32
    }
    %scan3A_3 = arith.constant 250 : i32
    %scan3A_4 = arith.constant 0 : i32
    %scan3A_5 = arith.constant 4 : i32
    %scan3A_6 = arith.addi %scan3A_4, %scan3A_5 : i32
    %scan3A_7 = arith.constant 1 : i32
    scf.for %scan3A_104 = %scan3A_4 to %scan3A_6 step %scan3A_7  : i32 {
      %mul3A_105 = arith.constant 1 : i32
      %mul3A_106 = arith.muli %scan3A_104, %mul3A_105 : i32
      %add3A_107 = arith.constant 0 : i32
      %add3A_108 = arith.addi %add3A_107, %mul3A_106 : i32
      %mul3A_109 = arith.constant 16 : i32
      %mul3A_110 = arith.muli %add3A_108, %mul3A_109 : i32
      %add3A_111 = arith.addi %arg1, %mul3A_110 : i32
      %lt3A = arith.constant 50 : i32
      %lt3A_112 = arith.cmpi slt, %add3A_111, %lt3A : i32
      %convert_element_type3A = arith.extui %lt3A_112 : i1 to i32
      %cond3A = arith.constant 0 : i32
      %cond3A_113 = arith.cmpi ne, %convert_element_type3A, %cond3A : i32
      scf.if %cond3A_113 {
        %mul3A_114 = arith.constant 1000 : i32
        %mul3A_115 = arith.muli %add3A_111, %mul3A_114 : i32
        %add3A_116 = arith.constant 0 : i32
        %add3A_117 = arith.addi %mul3A_115, %add3A_116 : i32
        "tpu.region"() ({
          %run_scoped3A = tpu.sem_alloc : memref<!tpu.dma_semaphore, #tpu.memory_space<semaphore_mem>>
          %dma_start3A_130 = arith.constant 0 : i32
          %dma_start3A_131 = tpu.memref_slice %arg12[%add3A_117, %dma_start3A_130] : memref<50000x32xf32, #tpu.memory_space<vmem_shared>> -> memref<250x32xf32, #tpu.memory_space<vmem_shared>>
          %dma_start3A_132 = arith.constant 0 : i32
          %dma_start3A_133 = tpu.memref_slice %arg12[%add3A_117, %dma_start3A_132] : memref<50000x32xf32, #tpu.memory_space<vmem_shared>> -> memref<250x32xf32, #tpu.memory_space<vmem_shared>>
          tpu.enqueue_dma source(%arg10 : memref<250x32xf32, #tpu.memory_space<vmem>>) target(%dma_start3A_133 : memref<250x32xf32, #tpu.memory_space<vmem_shared>>) target_semaphore(%run_scoped3A : memref<!tpu.dma_semaphore, #tpu.memory_space<semaphore_mem>>)
          %dma_wait3A_134 = arith.constant 0 : i32
          %dma_wait3A_135 = tpu.memref_slice %arg12[%add3A_117, %dma_wait3A_134] : memref<50000x32xf32, #tpu.memory_space<vmem_shared>> -> memref<250x32xf32, #tpu.memory_space<vmem_shared>>
          %dma_wait3A_136 = arith.constant 0 : i32
          %dma_wait3A_137 = tpu.memref_slice %arg12[%add3A_117, %dma_wait3A_136] : memref<50000x32xf32, #tpu.memory_space<vmem_shared>> -> memref<250x32xf32, #tpu.memory_space<vmem_shared>>
          tpu.wait_dma2 semaphore(%run_scoped3A : memref<!tpu.dma_semaphore, #tpu.memory_space<semaphore_mem>>) src(%arg10 : memref<250x32xf32, #tpu.memory_space<vmem>>) dst(%dma_wait3A_137 : memref<250x32xf32, #tpu.memory_space<vmem_shared>>)
          tpu.yield
        }) : () -> ()
        %mul3A_118 = arith.constant 1000 : i32
        %mul3A_119 = arith.muli %add3A_111, %mul3A_118 : i32
        %add3A_120 = arith.constant 250 : i32
        %add3A_121 = arith.addi %mul3A_119, %add3A_120 : i32
        "tpu.region"() ({
          %run_scoped3A = tpu.sem_alloc : memref<!tpu.dma_semaphore, #tpu.memory_space<semaphore_mem>>
          %dma_start3A_130 = arith.constant 0 : i32
          %dma_start3A_131 = tpu.memref_slice %arg12[%add3A_121, %dma_start3A_130] : memref<50000x32xf32, #tpu.memory_space<vmem_shared>> -> memref<250x32xf32, #tpu.memory_space<vmem_shared>>
          %dma_start3A_132 = arith.constant 0 : i32
          %dma_start3A_133 = tpu.memref_slice %arg12[%add3A_121, %dma_start3A_132] : memref<50000x32xf32, #tpu.memory_space<vmem_shared>> -> memref<250x32xf32, #tpu.memory_space<vmem_shared>>
          tpu.enqueue_dma source(%arg10 : memref<250x32xf32, #tpu.memory_space<vmem>>) target(%dma_start3A_133 : memref<250x32xf32, #tpu.memory_space<vmem_shared>>) target_semaphore(%run_scoped3A : memref<!tpu.dma_semaphore, #tpu.memory_space<semaphore_mem>>)
          %dma_wait3A_134 = arith.constant 0 : i32
          %dma_wait3A_135 = tpu.memref_slice %arg12[%add3A_121, %dma_wait3A_134] : memref<50000x32xf32, #tpu.memory_space<vmem_shared>> -> memref<250x32xf32, #tpu.memory_space<vmem_shared>>
          %dma_wait3A_136 = arith.constant 0 : i32
          %dma_wait3A_137 = tpu.memref_slice %arg12[%add3A_121, %dma_wait3A_136] : memref<50000x32xf32, #tpu.memory_space<vmem_shared>> -> memref<250x32xf32, #tpu.memory_space<vmem_shared>>
          tpu.wait_dma2 semaphore(%run_scoped3A : memref<!tpu.dma_semaphore, #tpu.memory_space<semaphore_mem>>) src(%arg10 : memref<250x32xf32, #tpu.memory_space<vmem>>) dst(%dma_wait3A_137 : memref<250x32xf32, #tpu.memory_space<vmem_shared>>)
          tpu.yield
        }) : () -> ()
        %mul3A_122 = arith.constant 1000 : i32
        %mul3A_123 = arith.muli %add3A_111, %mul3A_122 : i32
        %add3A_124 = arith.constant 500 : i32
        %add3A_125 = arith.addi %mul3A_123, %add3A_124 : i32
        "tpu.region"() ({
          %run_scoped3A = tpu.sem_alloc : memref<!tpu.dma_semaphore, #tpu.memory_space<semaphore_mem>>
          %dma_start3A_130 = arith.constant 0 : i32
          %dma_start3A_131 = tpu.memref_slice %arg12[%add3A_125, %dma_start3A_130] : memref<50000x32xf32, #tpu.memory_space<vmem_shared>> -> memref<250x32xf32, #tpu.memory_space<vmem_shared>>
          %dma_start3A_132 = arith.constant 0 : i32
          %dma_start3A_133 = tpu.memref_slice %arg12[%add3A_125, %dma_start3A_132] : memref<50000x32xf32, #tpu.memory_space<vmem_shared>> -> memref<250x32xf32, #tpu.memory_space<vmem_shared>>
          tpu.enqueue_dma source(%arg10 : memref<250x32xf32, #tpu.memory_space<vmem>>) target(%dma_start3A_133 : memref<250x32xf32, #tpu.memory_space<vmem_shared>>) target_semaphore(%run_scoped3A : memref<!tpu.dma_semaphore, #tpu.memory_space<semaphore_mem>>)
          %dma_wait3A_134 = arith.constant 0 : i32
          %dma_wait3A_135 = tpu.memref_slice %arg12[%add3A_125, %dma_wait3A_134] : memref<50000x32xf32, #tpu.memory_space<vmem_shared>> -> memref<250x32xf32, #tpu.memory_space<vmem_shared>>
          %dma_wait3A_136 = arith.constant 0 : i32
          %dma_wait3A_137 = tpu.memref_slice %arg12[%add3A_125, %dma_wait3A_136] : memref<50000x32xf32, #tpu.memory_space<vmem_shared>> -> memref<250x32xf32, #tpu.memory_space<vmem_shared>>
          tpu.wait_dma2 semaphore(%run_scoped3A : memref<!tpu.dma_semaphore, #tpu.memory_space<semaphore_mem>>) src(%arg10 : memref<250x32xf32, #tpu.memory_space<vmem>>) dst(%dma_wait3A_137 : memref<250x32xf32, #tpu.memory_space<vmem_shared>>)
          tpu.yield
        }) : () -> ()
        %mul3A_126 = arith.constant 1000 : i32
        %mul3A_127 = arith.muli %add3A_111, %mul3A_126 : i32
        %add3A_128 = arith.constant 750 : i32
        %add3A_129 = arith.addi %mul3A_127, %add3A_128 : i32
        "tpu.region"() ({
          %run_scoped3A = tpu.sem_alloc : memref<!tpu.dma_semaphore, #tpu.memory_space<semaphore_mem>>
          %dma_start3A_130 = arith.constant 0 : i32
          %dma_start3A_131 = tpu.memref_slice %arg12[%add3A_129, %dma_start3A_130] : memref<50000x32xf32, #tpu.memory_space<vmem_shared>> -> memref<250x32xf32, #tpu.memory_space<vmem_shared>>
          %dma_start3A_132 = arith.constant 0 : i32
          %dma_start3A_133 = tpu.memref_slice %arg12[%add3A_129, %dma_start3A_132] : memref<50000x32xf32, #tpu.memory_space<vmem_shared>> -> memref<250x32xf32, #tpu.memory_space<vmem_shared>>
          tpu.enqueue_dma source(%arg10 : memref<250x32xf32, #tpu.memory_space<vmem>>) target(%dma_start3A_133 : memref<250x32xf32, #tpu.memory_space<vmem_shared>>) target_semaphore(%run_scoped3A : memref<!tpu.dma_semaphore, #tpu.memory_space<semaphore_mem>>)
          %dma_wait3A_134 = arith.constant 0 : i32
          %dma_wait3A_135 = tpu.memref_slice %arg12[%add3A_129, %dma_wait3A_134] : memref<50000x32xf32, #tpu.memory_space<vmem_shared>> -> memref<250x32xf32, #tpu.memory_space<vmem_shared>>
          %dma_wait3A_136 = arith.constant 0 : i32
          %dma_wait3A_137 = tpu.memref_slice %arg12[%add3A_129, %dma_wait3A_136] : memref<50000x32xf32, #tpu.memory_space<vmem_shared>> -> memref<250x32xf32, #tpu.memory_space<vmem_shared>>
          tpu.wait_dma2 semaphore(%run_scoped3A : memref<!tpu.dma_semaphore, #tpu.memory_space<semaphore_mem>>) src(%arg10 : memref<250x32xf32, #tpu.memory_space<vmem>>) dst(%dma_wait3A_137 : memref<250x32xf32, #tpu.memory_space<vmem_shared>>)
          tpu.yield
        }) : () -> ()
      } else {
      }
    }
    %scan3A_8 = arith.constant 4 : i32
    %barrier3A = arith.constant 0 : index
    tpu.barrier barrier_id(%barrier3A)
    %mul3A = arith.constant 200 : i32
    %mul3A_9 = arith.muli %arg1, %mul3A : i32
    %add3A = arith.constant 0 : i32
    %add3A_10 = arith.addi %mul3A_9, %add3A : i32
    %dma_start3A = arith.constant 0 : i32
    %dma_start3A_11 = arith.constant 0 : i32
    %dma_start3A_12 = tpu.memref_slice %arg3[%add3A_10, %dma_start3A, %dma_start3A_11] : memref<3200x2x125xi32, #tpu.memory_space<hbm>> -> memref<1x2x125xi32, #tpu.memory_space<hbm>>
    %dma_start3A_13 = tpu.memref_squeeze %dma_start3A_12 : memref<1x2x125xi32, #tpu.memory_space<hbm>> -> memref<2x125xi32, #tpu.memory_space<hbm>>
    %dma_start3A_14 = arith.constant 0 : i32
    %dma_start3A_15 = arith.constant 0 : i32
    %dma_start3A_16 = tpu.memref_slice %arg3[%add3A_10, %dma_start3A_14, %dma_start3A_15] : memref<3200x2x125xi32, #tpu.memory_space<hbm>> -> memref<1x2x125xi32, #tpu.memory_space<hbm>>
    %dma_start3A_17 = tpu.memref_squeeze %dma_start3A_16 : memref<1x2x125xi32, #tpu.memory_space<hbm>> -> memref<2x125xi32, #tpu.memory_space<hbm>>
    tpu.enqueue_dma source(%dma_start3A_17 : memref<2x125xi32, #tpu.memory_space<hbm>>) target(%arg6 : memref<2x125xi32, #tpu.memory_space<vmem>>) target_semaphore(%arg13 : memref<!tpu.dma_semaphore, #tpu.memory_space<semaphore_mem>>)
    %add3A_18 = arith.constant 0 : i32
    %add3A_19 = arith.addi %mul3A_9, %add3A_18 : i32
    %dma_start3A_20 = arith.constant 0 : i32
    %dma_start3A_21 = arith.constant 0 : i32
    %dma_start3A_22 = tpu.memref_slice %arg4[%add3A_19, %dma_start3A_20, %dma_start3A_21] : memref<3200x2x125xi32, #tpu.memory_space<hbm>> -> memref<1x2x125xi32, #tpu.memory_space<hbm>>
    %dma_start3A_23 = tpu.memref_squeeze %dma_start3A_22 : memref<1x2x125xi32, #tpu.memory_space<hbm>> -> memref<2x125xi32, #tpu.memory_space<hbm>>
    %dma_start3A_24 = arith.constant 0 : i32
    %dma_start3A_25 = arith.constant 0 : i32
    %dma_start3A_26 = tpu.memref_slice %arg4[%add3A_19, %dma_start3A_24, %dma_start3A_25] : memref<3200x2x125xi32, #tpu.memory_space<hbm>> -> memref<1x2x125xi32, #tpu.memory_space<hbm>>
    %dma_start3A_27 = tpu.memref_squeeze %dma_start3A_26 : memref<1x2x125xi32, #tpu.memory_space<hbm>> -> memref<2x125xi32, #tpu.memory_space<hbm>>
    tpu.enqueue_dma source(%dma_start3A_27 : memref<2x125xi32, #tpu.memory_space<hbm>>) target(%arg7 : memref<2x125xi32, #tpu.memory_space<vmem>>) target_semaphore(%arg13 : memref<!tpu.dma_semaphore, #tpu.memory_space<semaphore_mem>>)
    %add3A_28 = arith.constant 1 : i32
    %add3A_29 = arith.addi %mul3A_9, %add3A_28 : i32
    %dma_start3A_30 = arith.constant 0 : i32
    %dma_start3A_31 = arith.constant 0 : i32
    %dma_start3A_32 = tpu.memref_slice %arg3[%add3A_29, %dma_start3A_30, %dma_start3A_31] : memref<3200x2x125xi32, #tpu.memory_space<hbm>> -> memref<1x2x125xi32, #tpu.memory_space<hbm>>
    %dma_start3A_33 = tpu.memref_squeeze %dma_start3A_32 : memref<1x2x125xi32, #tpu.memory_space<hbm>> -> memref<2x125xi32, #tpu.memory_space<hbm>>
    %dma_start3A_34 = arith.constant 0 : i32
    %dma_start3A_35 = arith.constant 0 : i32
    %dma_start3A_36 = tpu.memref_slice %arg3[%add3A_29, %dma_start3A_34, %dma_start3A_35] : memref<3200x2x125xi32, #tpu.memory_space<hbm>> -> memref<1x2x125xi32, #tpu.memory_space<hbm>>
    %dma_start3A_37 = tpu.memref_squeeze %dma_start3A_36 : memref<1x2x125xi32, #tpu.memory_space<hbm>> -> memref<2x125xi32, #tpu.memory_space<hbm>>
    tpu.enqueue_dma source(%dma_start3A_37 : memref<2x125xi32, #tpu.memory_space<hbm>>) target(%arg8 : memref<2x125xi32, #tpu.memory_space<vmem>>) target_semaphore(%arg14 : memref<!tpu.dma_semaphore, #tpu.memory_space<semaphore_mem>>)
    %add3A_38 = arith.constant 1 : i32
    %add3A_39 = arith.addi %mul3A_9, %add3A_38 : i32
    %dma_start3A_40 = arith.constant 0 : i32
    %dma_start3A_41 = arith.constant 0 : i32
    %dma_start3A_42 = tpu.memref_slice %arg4[%add3A_39, %dma_start3A_40, %dma_start3A_41] : memref<3200x2x125xi32, #tpu.memory_space<hbm>> -> memref<1x2x125xi32, #tpu.memory_space<hbm>>
    %dma_start3A_43 = tpu.memref_squeeze %dma_start3A_42 : memref<1x2x125xi32, #tpu.memory_space<hbm>> -> memref<2x125xi32, #tpu.memory_space<hbm>>
    %dma_start3A_44 = arith.constant 0 : i32
    %dma_start3A_45 = arith.constant 0 : i32
    %dma_start3A_46 = tpu.memref_slice %arg4[%add3A_39, %dma_start3A_44, %dma_start3A_45] : memref<3200x2x125xi32, #tpu.memory_space<hbm>> -> memref<1x2x125xi32, #tpu.memory_space<hbm>>
    %dma_start3A_47 = tpu.memref_squeeze %dma_start3A_46 : memref<1x2x125xi32, #tpu.memory_space<hbm>> -> memref<2x125xi32, #tpu.memory_space<hbm>>
    tpu.enqueue_dma source(%dma_start3A_47 : memref<2x125xi32, #tpu.memory_space<hbm>>) target(%arg9 : memref<2x125xi32, #tpu.memory_space<vmem>>) target_semaphore(%arg14 : memref<!tpu.dma_semaphore, #tpu.memory_space<semaphore_mem>>)
    %dma_wait3A = arith.constant 0 : i32
    %dma_wait3A_48 = arith.constant 0 : i32
    %dma_wait3A_49 = arith.constant 0 : i32
    %dma_wait3A_50 = tpu.memref_slice %arg3[%dma_wait3A, %dma_wait3A_48, %dma_wait3A_49] : memref<3200x2x125xi32, #tpu.memory_space<hbm>> -> memref<1x2x125xi32, #tpu.memory_space<hbm>>
    %dma_wait3A_51 = tpu.memref_squeeze %dma_wait3A_50 : memref<1x2x125xi32, #tpu.memory_space<hbm>> -> memref<2x125xi32, #tpu.memory_space<hbm>>
    %dma_wait3A_52 = arith.constant 0 : i32
    %dma_wait3A_53 = arith.constant 0 : i32
    %dma_wait3A_54 = tpu.memref_slice %arg3[%dma_wait3A, %dma_wait3A_52, %dma_wait3A_53] : memref<3200x2x125xi32, #tpu.memory_space<hbm>> -> memref<1x2x125xi32, #tpu.memory_space<hbm>>
    %dma_wait3A_55 = tpu.memref_squeeze %dma_wait3A_54 : memref<1x2x125xi32, #tpu.memory_space<hbm>> -> memref<2x125xi32, #tpu.memory_space<hbm>>
    tpu.wait_dma2 semaphore(%arg13 : memref<!tpu.dma_semaphore, #tpu.memory_space<semaphore_mem>>) src(%dma_wait3A_55 : memref<2x125xi32, #tpu.memory_space<hbm>>) dst(%arg6 : memref<2x125xi32, #tpu.memory_space<vmem>>)
    %dma_wait3A_56 = arith.constant 0 : i32
    %dma_wait3A_57 = arith.constant 0 : i32
    %dma_wait3A_58 = arith.constant 0 : i32
    %dma_wait3A_59 = tpu.memref_slice %arg4[%dma_wait3A_56, %dma_wait3A_57, %dma_wait3A_58] : memref<3200x2x125xi32, #tpu.memory_space<hbm>> -> memref<1x2x125xi32, #tpu.memory_space<hbm>>
    %dma_wait3A_60 = tpu.memref_squeeze %dma_wait3A_59 : memref<1x2x125xi32, #tpu.memory_space<hbm>> -> memref<2x125xi32, #tpu.memory_space<hbm>>
    %dma_wait3A_61 = arith.constant 0 : i32
    %dma_wait3A_62 = arith.constant 0 : i32
    %dma_wait3A_63 = tpu.memref_slice %arg4[%dma_wait3A_56, %dma_wait3A_61, %dma_wait3A_62] : memref<3200x2x125xi32, #tpu.memory_space<hbm>> -> memref<1x2x125xi32, #tpu.memory_space<hbm>>
    %dma_wait3A_64 = tpu.memref_squeeze %dma_wait3A_63 : memref<1x2x125xi32, #tpu.memory_space<hbm>> -> memref<2x125xi32, #tpu.memory_space<hbm>>
    tpu.wait_dma2 semaphore(%arg13 : memref<!tpu.dma_semaphore, #tpu.memory_space<semaphore_mem>>) src(%dma_wait3A_64 : memref<2x125xi32, #tpu.memory_space<hbm>>) dst(%arg7 : memref<2x125xi32, #tpu.memory_space<vmem>>)
    %dma_start3A_65 = arith.constant 0 : i32
    %dma_start3A_66 = arith.constant 0 : i32
    %dma_start3A_67 = arith.constant 0 : i32
    %dma_start3A_68 = tpu.memref_slice %arg10[%dma_start3A_66, %dma_start3A_67] : memref<250x32xf32, #tpu.memory_space<vmem>> -> memref<125x32xf32, #tpu.memory_space<vmem>>
    %dma_start3A_69 = arith.constant 0 : i32
    %dma_start3A_70 = tpu.memref_slice %arg6[%dma_start3A_65, %dma_start3A_69] : memref<2x125xi32, #tpu.memory_space<vmem>> -> memref<1x125xi32, #tpu.memory_space<vmem>>
    %dma_start3A_71 = tpu.memref_squeeze %dma_start3A_70 : memref<1x125xi32, #tpu.memory_space<vmem>> -> memref<125xi32, #tpu.memory_space<vmem>>
    %dma_start3A_72 = arith.constant 0 : i32
    %dma_start3A_73 = arith.constant 0 : i32
    %dma_start3A_74 = tpu.memref_slice %arg2[%arg0, %dma_start3A_72, %dma_start3A_73] : memref<2x50000x32xf32, #tpu.memory_space<hbm>> -> memref<1x50000x32xf32, #tpu.memory_space<hbm>>
    %dma_start3A_75 = tpu.memref_squeeze %dma_start3A_74 : memref<1x50000x32xf32, #tpu.memory_space<hbm>> -> memref<50000x32xf32, #tpu.memory_space<hbm>>
    %dma_start3A_76 = arith.constant 0 : i32
    %dma_start3A_77 = arith.constant 0 : i32
    %dma_start3A_78 = tpu.memref_slice %dma_start3A_75[%dma_start3A_76, %dma_start3A_77] : memref<50000x32xf32, #tpu.memory_space<hbm>> -> memref<50000x32xf32, #tpu.memory_space<hbm>>
    tpu.enqueue_indirect_dma source(%dma_start3A_78 : memref<50000x32xf32, #tpu.memory_space<hbm>>) target(%dma_start3A_68 : memref<125x32xf32, #tpu.memory_space<vmem>>) offsets(%dma_start3A_71 : memref<125xi32, #tpu.memory_space<vmem>>) semaphore(%arg15 : memref<!tpu.dma_semaphore, #tpu.memory_space<semaphore_mem>>)
    %dma_start3A_79 = arith.constant 1 : i32
    %dma_start3A_80 = arith.constant 125 : i32
    %dma_start3A_81 = arith.constant 0 : i32
    %dma_start3A_82 = tpu.memref_slice %arg10[%dma_start3A_80, %dma_start3A_81] : memref<250x32xf32, #tpu.memory_space<vmem>> -> memref<125x32xf32, #tpu.memory_space<vmem>>
    %dma_start3A_83 = arith.constant 0 : i32
    %dma_start3A_84 = tpu.memref_slice %arg6[%dma_start3A_79, %dma_start3A_83] : memref<2x125xi32, #tpu.memory_space<vmem>> -> memref<1x125xi32, #tpu.memory_space<vmem>>
    %dma_start3A_85 = tpu.memref_squeeze %dma_start3A_84 : memref<1x125xi32, #tpu.memory_space<vmem>> -> memref<125xi32, #tpu.memory_space<vmem>>
    %dma_start3A_86 = arith.constant 0 : i32
    %dma_start3A_87 = arith.constant 0 : i32
    %dma_start3A_88 = tpu.memref_slice %arg2[%arg0, %dma_start3A_86, %dma_start3A_87] : memref<2x50000x32xf32, #tpu.memory_space<hbm>> -> memref<1x50000x32xf32, #tpu.memory_space<hbm>>
    %dma_start3A_89 = tpu.memref_squeeze %dma_start3A_88 : memref<1x50000x32xf32, #tpu.memory_space<hbm>> -> memref<50000x32xf32, #tpu.memory_space<hbm>>
    %dma_start3A_90 = arith.constant 0 : i32
    %dma_start3A_91 = arith.constant 0 : i32
    %dma_start3A_92 = tpu.memref_slice %dma_start3A_89[%dma_start3A_90, %dma_start3A_91] : memref<50000x32xf32, #tpu.memory_space<hbm>> -> memref<50000x32xf32, #tpu.memory_space<hbm>>
    tpu.enqueue_indirect_dma source(%dma_start3A_92 : memref<50000x32xf32, #tpu.memory_space<hbm>>) target(%dma_start3A_82 : memref<125x32xf32, #tpu.memory_space<vmem>>) offsets(%dma_start3A_85 : memref<125xi32, #tpu.memory_space<vmem>>) semaphore(%arg15 : memref<!tpu.dma_semaphore, #tpu.memory_space<semaphore_mem>>)
    %scan3A_93 = arith.constant 0 : i32
    %scan3A_94 = arith.constant 100 : i32
    %scan3A_95 = arith.addi %scan3A_93, %scan3A_94 : i32
    %scan3A_96 = arith.constant 1 : i32
    scf.for %scan3A_104 = %scan3A_93 to %scan3A_95 step %scan3A_96  : i32 {
      %mul3A_105 = arith.constant 1 : i32
      %mul3A_106 = arith.muli %scan3A_104, %mul3A_105 : i32
      %add3A_107 = arith.constant 0 : i32
      %add3A_108 = arith.addi %add3A_107, %mul3A_106 : i32
      %mul3A_109 = arith.constant 2 : i32
      %mul3A_110 = arith.muli %mul3A_109, %add3A_108 : i32
      %dma_wait3A_111 = arith.constant 0 : i32
      %dma_wait3A_112 = arith.constant 0 : i32
      %dma_wait3A_113 = arith.constant 0 : i32
      %dma_wait3A_114 = tpu.memref_slice %arg3[%dma_wait3A_111, %dma_wait3A_112, %dma_wait3A_113] : memref<3200x2x125xi32, #tpu.memory_space<hbm>> -> memref<1x2x125xi32, #tpu.memory_space<hbm>>
      %dma_wait3A_115 = tpu.memref_squeeze %dma_wait3A_114 : memref<1x2x125xi32, #tpu.memory_space<hbm>> -> memref<2x125xi32, #tpu.memory_space<hbm>>
      %dma_wait3A_116 = arith.constant 0 : i32
      %dma_wait3A_117 = arith.constant 0 : i32
      %dma_wait3A_118 = tpu.memref_slice %arg3[%dma_wait3A_111, %dma_wait3A_116, %dma_wait3A_117] : memref<3200x2x125xi32, #tpu.memory_space<hbm>> -> memref<1x2x125xi32, #tpu.memory_space<hbm>>
      %dma_wait3A_119 = tpu.memref_squeeze %dma_wait3A_118 : memref<1x2x125xi32, #tpu.memory_space<hbm>> -> memref<2x125xi32, #tpu.memory_space<hbm>>
      tpu.wait_dma2 semaphore(%arg14 : memref<!tpu.dma_semaphore, #tpu.memory_space<semaphore_mem>>) src(%dma_wait3A_119 : memref<2x125xi32, #tpu.memory_space<hbm>>) dst(%arg8 : memref<2x125xi32, #tpu.memory_space<vmem>>)
      %dma_wait3A_120 = arith.constant 0 : i32
      %dma_wait3A_121 = arith.constant 0 : i32
      %dma_wait3A_122 = arith.constant 0 : i32
      %dma_wait3A_123 = tpu.memref_slice %arg4[%dma_wait3A_120, %dma_wait3A_121, %dma_wait3A_122] : memref<3200x2x125xi32, #tpu.memory_space<hbm>> -> memref<1x2x125xi32, #tpu.memory_space<hbm>>
      %dma_wait3A_124 = tpu.memref_squeeze %dma_wait3A_123 : memref<1x2x125xi32, #tpu.memory_space<hbm>> -> memref<2x125xi32, #tpu.memory_space<hbm>>
      %dma_wait3A_125 = arith.constant 0 : i32
      %dma_wait3A_126 = arith.constant 0 : i32
      %dma_wait3A_127 = tpu.memref_slice %arg4[%dma_wait3A_120, %dma_wait3A_125, %dma_wait3A_126] : memref<3200x2x125xi32, #tpu.memory_space<hbm>> -> memref<1x2x125xi32, #tpu.memory_space<hbm>>
      %dma_wait3A_128 = tpu.memref_squeeze %dma_wait3A_127 : memref<1x2x125xi32, #tpu.memory_space<hbm>> -> memref<2x125xi32, #tpu.memory_space<hbm>>
      tpu.wait_dma2 semaphore(%arg14 : memref<!tpu.dma_semaphore, #tpu.memory_space<semaphore_mem>>) src(%dma_wait3A_128 : memref<2x125xi32, #tpu.memory_space<hbm>>) dst(%arg9 : memref<2x125xi32, #tpu.memory_space<vmem>>)
      %dma_start3A_129 = arith.constant 0 : i32
      %dma_start3A_130 = arith.constant 0 : i32
      %dma_start3A_131 = arith.constant 0 : i32
      %dma_start3A_132 = tpu.memref_slice %arg11[%dma_start3A_130, %dma_start3A_131] : memref<250x32xf32, #tpu.memory_space<vmem>> -> memref<125x32xf32, #tpu.memory_space<vmem>>
      %dma_start3A_133 = arith.constant 0 : i32
      %dma_start3A_134 = tpu.memref_slice %arg8[%dma_start3A_129, %dma_start3A_133] : memref<2x125xi32, #tpu.memory_space<vmem>> -> memref<1x125xi32, #tpu.memory_space<vmem>>
      %dma_start3A_135 = tpu.memref_squeeze %dma_start3A_134 : memref<1x125xi32, #tpu.memory_space<vmem>> -> memref<125xi32, #tpu.memory_space<vmem>>
      %dma_start3A_136 = arith.constant 0 : i32
      %dma_start3A_137 = arith.constant 0 : i32
      %dma_start3A_138 = tpu.memref_slice %arg2[%arg0, %dma_start3A_136, %dma_start3A_137] : memref<2x50000x32xf32, #tpu.memory_space<hbm>> -> memref<1x50000x32xf32, #tpu.memory_space<hbm>>
      %dma_start3A_139 = tpu.memref_squeeze %dma_start3A_138 : memref<1x50000x32xf32, #tpu.memory_space<hbm>> -> memref<50000x32xf32, #tpu.memory_space<hbm>>
      %dma_start3A_140 = arith.constant 0 : i32
      %dma_start3A_141 = arith.constant 0 : i32
      %dma_start3A_142 = tpu.memref_slice %dma_start3A_139[%dma_start3A_140, %dma_start3A_141] : memref<50000x32xf32, #tpu.memory_space<hbm>> -> memref<50000x32xf32, #tpu.memory_space<hbm>>
      tpu.enqueue_indirect_dma source(%dma_start3A_142 : memref<50000x32xf32, #tpu.memory_space<hbm>>) target(%dma_start3A_132 : memref<125x32xf32, #tpu.memory_space<vmem>>) offsets(%dma_start3A_135 : memref<125xi32, #tpu.memory_space<vmem>>) semaphore(%arg16 : memref<!tpu.dma_semaphore, #tpu.memory_space<semaphore_mem>>)
      %dma_start3A_143 = arith.constant 1 : i32
      %dma_start3A_144 = arith.constant 125 : i32
      %dma_start3A_145 = arith.constant 0 : i32
      %dma_start3A_146 = tpu.memref_slice %arg11[%dma_start3A_144, %dma_start3A_145] : memref<250x32xf32, #tpu.memory_space<vmem>> -> memref<125x32xf32, #tpu.memory_space<vmem>>
      %dma_start3A_147 = arith.constant 0 : i32
      %dma_start3A_148 = tpu.memref_slice %arg8[%dma_start3A_143, %dma_start3A_147] : memref<2x125xi32, #tpu.memory_space<vmem>> -> memref<1x125xi32, #tpu.memory_space<vmem>>
      %dma_start3A_149 = tpu.memref_squeeze %dma_start3A_148 : memref<1x125xi32, #tpu.memory_space<vmem>> -> memref<125xi32, #tpu.memory_space<vmem>>
      %dma_start3A_150 = arith.constant 0 : i32
      %dma_start3A_151 = arith.constant 0 : i32
      %dma_start3A_152 = tpu.memref_slice %arg2[%arg0, %dma_start3A_150, %dma_start3A_151] : memref<2x50000x32xf32, #tpu.memory_space<hbm>> -> memref<1x50000x32xf32, #tpu.memory_space<hbm>>
      %dma_start3A_153 = tpu.memref_squeeze %dma_start3A_152 : memref<1x50000x32xf32, #tpu.memory_space<hbm>> -> memref<50000x32xf32, #tpu.memory_space<hbm>>
      %dma_start3A_154 = arith.constant 0 : i32
      %dma_start3A_155 = arith.constant 0 : i32
      %dma_start3A_156 = tpu.memref_slice %dma_start3A_153[%dma_start3A_154, %dma_start3A_155] : memref<50000x32xf32, #tpu.memory_space<hbm>> -> memref<50000x32xf32, #tpu.memory_space<hbm>>
      tpu.enqueue_indirect_dma source(%dma_start3A_156 : memref<50000x32xf32, #tpu.memory_space<hbm>>) target(%dma_start3A_146 : memref<125x32xf32, #tpu.memory_space<vmem>>) offsets(%dma_start3A_149 : memref<125xi32, #tpu.memory_space<vmem>>) semaphore(%arg16 : memref<!tpu.dma_semaphore, #tpu.memory_space<semaphore_mem>>)
      %dma_wait3A_157 = arith.constant 0 : i32
      %dma_wait3A_158 = arith.constant 0 : i32
      %dma_wait3A_159 = arith.constant 0 : i32
      %dma_wait3A_160 = tpu.memref_slice %arg10[%dma_wait3A_158, %dma_wait3A_159] : memref<250x32xf32, #tpu.memory_space<vmem>> -> memref<125x32xf32, #tpu.memory_space<vmem>>
      %dma_wait3A_161 = arith.constant 0 : i32
      %dma_wait3A_162 = tpu.memref_slice %arg6[%dma_wait3A_157, %dma_wait3A_161] : memref<2x125xi32, #tpu.memory_space<vmem>> -> memref<1x125xi32, #tpu.memory_space<vmem>>
      %dma_wait3A_163 = tpu.memref_squeeze %dma_wait3A_162 : memref<1x125xi32, #tpu.memory_space<vmem>> -> memref<125xi32, #tpu.memory_space<vmem>>
      %dma_wait3A_164 = arith.constant 0 : i32
      %dma_wait3A_165 = arith.constant 0 : i32
      %dma_wait3A_166 = tpu.memref_slice %arg2[%arg0, %dma_wait3A_164, %dma_wait3A_165] : memref<2x50000x32xf32, #tpu.memory_space<hbm>> -> memref<1x50000x32xf32, #tpu.memory_space<hbm>>
      %dma_wait3A_167 = tpu.memref_squeeze %dma_wait3A_166 : memref<1x50000x32xf32, #tpu.memory_space<hbm>> -> memref<50000x32xf32, #tpu.memory_space<hbm>>
      %dma_wait3A_168 = arith.constant 0 : i32
      %dma_wait3A_169 = arith.constant 0 : i32
      %dma_wait3A_170 = tpu.memref_slice %dma_wait3A_167[%dma_wait3A_168, %dma_wait3A_169] : memref<50000x32xf32, #tpu.memory_space<hbm>> -> memref<50000x32xf32, #tpu.memory_space<hbm>>
      tpu.wait_indirect_dma semaphore(%arg15 : memref<!tpu.dma_semaphore, #tpu.memory_space<semaphore_mem>>) src(%dma_wait3A_170 : memref<50000x32xf32, #tpu.memory_space<hbm>>) dst(%dma_wait3A_160 : memref<125x32xf32, #tpu.memory_space<vmem>>)
      %dma_wait3A_171 = arith.constant 1 : i32
      %dma_wait3A_172 = arith.constant 125 : i32
      %dma_wait3A_173 = arith.constant 0 : i32
      %dma_wait3A_174 = tpu.memref_slice %arg10[%dma_wait3A_172, %dma_wait3A_173] : memref<250x32xf32, #tpu.memory_space<vmem>> -> memref<125x32xf32, #tpu.memory_space<vmem>>
      %dma_wait3A_175 = arith.constant 0 : i32
      %dma_wait3A_176 = tpu.memref_slice %arg6[%dma_wait3A_171, %dma_wait3A_175] : memref<2x125xi32, #tpu.memory_space<vmem>> -> memref<1x125xi32, #tpu.memory_space<vmem>>
      %dma_wait3A_177 = tpu.memref_squeeze %dma_wait3A_176 : memref<1x125xi32, #tpu.memory_space<vmem>> -> memref<125xi32, #tpu.memory_space<vmem>>
      %dma_wait3A_178 = arith.constant 0 : i32
      %dma_wait3A_179 = arith.constant 0 : i32
      %dma_wait3A_180 = tpu.memref_slice %arg2[%arg0, %dma_wait3A_178, %dma_wait3A_179] : memref<2x50000x32xf32, #tpu.memory_space<hbm>> -> memref<1x50000x32xf32, #tpu.memory_space<hbm>>
      %dma_wait3A_181 = tpu.memref_squeeze %dma_wait3A_180 : memref<1x50000x32xf32, #tpu.memory_space<hbm>> -> memref<50000x32xf32, #tpu.memory_space<hbm>>
      %dma_wait3A_182 = arith.constant 0 : i32
      %dma_wait3A_183 = arith.constant 0 : i32
      %dma_wait3A_184 = tpu.memref_slice %dma_wait3A_181[%dma_wait3A_182, %dma_wait3A_183] : memref<50000x32xf32, #tpu.memory_space<hbm>> -> memref<50000x32xf32, #tpu.memory_space<hbm>>
      tpu.wait_indirect_dma semaphore(%arg15 : memref<!tpu.dma_semaphore, #tpu.memory_space<semaphore_mem>>) src(%dma_wait3A_184 : memref<50000x32xf32, #tpu.memory_space<hbm>>) dst(%dma_wait3A_174 : memref<125x32xf32, #tpu.memory_space<vmem>>)
      %run_scoped3A = arith.constant 0 : i32
      "tpu.region"() ({
        %run_scoped3A_234 = tpu.sem_alloc : memref<!tpu.dma_semaphore, #tpu.memory_space<semaphore_mem>>
        %dma_start3A_235 = arith.constant 0 : i32
        %dma_start3A_236 = arith.constant 0 : i32
        %dma_start3A_237 = tpu.memref_slice %arg10[%dma_start3A_235, %dma_start3A_236] : memref<250x32xf32, #tpu.memory_space<vmem>> -> memref<125x32xf32, #tpu.memory_space<vmem>>
        %dma_start3A_238 = arith.constant 0 : i32
        %dma_start3A_239 = tpu.memref_slice %arg7[%run_scoped3A, %dma_start3A_238] : memref<2x125xi32, #tpu.memory_space<vmem>> -> memref<1x125xi32, #tpu.memory_space<vmem>>
        %dma_start3A_240 = tpu.memref_squeeze %dma_start3A_239 : memref<1x125xi32, #tpu.memory_space<vmem>> -> memref<125xi32, #tpu.memory_space<vmem>>
        %dma_start3A_241 = arith.constant 0 : i32
        %dma_start3A_242 = arith.constant 0 : i32
        %dma_start3A_243 = tpu.memref_slice %arg12[%dma_start3A_241, %dma_start3A_242] : memref<50000x32xf32, #tpu.memory_space<vmem_shared>> -> memref<50000x32xf32, #tpu.memory_space<vmem_shared>>
        tpu.enqueue_indirect_dma source(%dma_start3A_237 : memref<125x32xf32, #tpu.memory_space<vmem>>) target(%dma_start3A_243 : memref<50000x32xf32, #tpu.memory_space<vmem_shared>>) offsets(%dma_start3A_240 : memref<125xi32, #tpu.memory_space<vmem>>) semaphore(%run_scoped3A_234 : memref<!tpu.dma_semaphore, #tpu.memory_space<semaphore_mem>>) {add = true}
        %dma_wait3A_244 = arith.constant 0 : i32
        %dma_wait3A_245 = arith.constant 0 : i32
        %dma_wait3A_246 = tpu.memref_slice %arg10[%dma_wait3A_244, %dma_wait3A_245] : memref<250x32xf32, #tpu.memory_space<vmem>> -> memref<125x32xf32, #tpu.memory_space<vmem>>
        %dma_wait3A_247 = arith.constant 0 : i32
        %dma_wait3A_248 = tpu.memref_slice %arg7[%run_scoped3A, %dma_wait3A_247] : memref<2x125xi32, #tpu.memory_space<vmem>> -> memref<1x125xi32, #tpu.memory_space<vmem>>
        %dma_wait3A_249 = tpu.memref_squeeze %dma_wait3A_248 : memref<1x125xi32, #tpu.memory_space<vmem>> -> memref<125xi32, #tpu.memory_space<vmem>>
        %dma_wait3A_250 = arith.constant 0 : i32
        %dma_wait3A_251 = arith.constant 0 : i32
        %dma_wait3A_252 = tpu.memref_slice %arg12[%dma_wait3A_250, %dma_wait3A_251] : memref<50000x32xf32, #tpu.memory_space<vmem_shared>> -> memref<50000x32xf32, #tpu.memory_space<vmem_shared>>
        tpu.wait_indirect_dma semaphore(%run_scoped3A_234 : memref<!tpu.dma_semaphore, #tpu.memory_space<semaphore_mem>>) src(%dma_wait3A_246 : memref<125x32xf32, #tpu.memory_space<vmem>>) dst(%dma_wait3A_252 : memref<50000x32xf32, #tpu.memory_space<vmem_shared>>)
        tpu.yield
      }) : () -> ()
      %run_scoped3A_185 = arith.constant 1 : i32
      "tpu.region"() ({
        %run_scoped3A_234 = tpu.sem_alloc : memref<!tpu.dma_semaphore, #tpu.memory_space<semaphore_mem>>
        %dma_start3A_235 = arith.constant 125 : i32
        %dma_start3A_236 = arith.constant 0 : i32
        %dma_start3A_237 = tpu.memref_slice %arg10[%dma_start3A_235, %dma_start3A_236] : memref<250x32xf32, #tpu.memory_space<vmem>> -> memref<125x32xf32, #tpu.memory_space<vmem>>
        %dma_start3A_238 = arith.constant 0 : i32
        %dma_start3A_239 = tpu.memref_slice %arg7[%run_scoped3A_185, %dma_start3A_238] : memref<2x125xi32, #tpu.memory_space<vmem>> -> memref<1x125xi32, #tpu.memory_space<vmem>>
        %dma_start3A_240 = tpu.memref_squeeze %dma_start3A_239 : memref<1x125xi32, #tpu.memory_space<vmem>> -> memref<125xi32, #tpu.memory_space<vmem>>
        %dma_start3A_241 = arith.constant 0 : i32
        %dma_start3A_242 = arith.constant 0 : i32
        %dma_start3A_243 = tpu.memref_slice %arg12[%dma_start3A_241, %dma_start3A_242] : memref<50000x32xf32, #tpu.memory_space<vmem_shared>> -> memref<50000x32xf32, #tpu.memory_space<vmem_shared>>
        tpu.enqueue_indirect_dma source(%dma_start3A_237 : memref<125x32xf32, #tpu.memory_space<vmem>>) target(%dma_start3A_243 : memref<50000x32xf32, #tpu.memory_space<vmem_shared>>) offsets(%dma_start3A_240 : memref<125xi32, #tpu.memory_space<vmem>>) semaphore(%run_scoped3A_234 : memref<!tpu.dma_semaphore, #tpu.memory_space<semaphore_mem>>) {add = true}
        %dma_wait3A_244 = arith.constant 125 : i32
        %dma_wait3A_245 = arith.constant 0 : i32
        %dma_wait3A_246 = tpu.memref_slice %arg10[%dma_wait3A_244, %dma_wait3A_245] : memref<250x32xf32, #tpu.memory_space<vmem>> -> memref<125x32xf32, #tpu.memory_space<vmem>>
        %dma_wait3A_247 = arith.constant 0 : i32
        %dma_wait3A_248 = tpu.memref_slice %arg7[%run_scoped3A_185, %dma_wait3A_247] : memref<2x125xi32, #tpu.memory_space<vmem>> -> memref<1x125xi32, #tpu.memory_space<vmem>>
        %dma_wait3A_249 = tpu.memref_squeeze %dma_wait3A_248 : memref<1x125xi32, #tpu.memory_space<vmem>> -> memref<125xi32, #tpu.memory_space<vmem>>
        %dma_wait3A_250 = arith.constant 0 : i32
        %dma_wait3A_251 = arith.constant 0 : i32
        %dma_wait3A_252 = tpu.memref_slice %arg12[%dma_wait3A_250, %dma_wait3A_251] : memref<50000x32xf32, #tpu.memory_space<vmem_shared>> -> memref<50000x32xf32, #tpu.memory_space<vmem_shared>>
        tpu.wait_indirect_dma semaphore(%run_scoped3A_234 : memref<!tpu.dma_semaphore, #tpu.memory_space<semaphore_mem>>) src(%dma_wait3A_246 : memref<125x32xf32, #tpu.memory_space<vmem>>) dst(%dma_wait3A_252 : memref<50000x32xf32, #tpu.memory_space<vmem_shared>>)
        tpu.yield
      }) : () -> ()
      %add3A_186 = arith.constant 2 : i32
      %add3A_187 = arith.addi %mul3A_110, %add3A_186 : i32
      %lt3A = arith.constant 200 : i32
      %lt3A_188 = arith.cmpi slt, %add3A_187, %lt3A : i32
      %convert_element_type3A = arith.extui %lt3A_188 : i1 to i32
      %cond3A = arith.constant 0 : i32
      %cond3A_189 = arith.cmpi ne, %convert_element_type3A, %cond3A : i32
      scf.if %cond3A_189 {
        %add3A_234 = arith.constant 2 : i32
        %add3A_235 = arith.addi %mul3A_110, %add3A_234 : i32
        %add3A_236 = arith.addi %mul3A_9, %add3A_235 : i32
        %dma_start3A_237 = arith.constant 0 : i32
        %dma_start3A_238 = arith.constant 0 : i32
        %dma_start3A_239 = tpu.memref_slice %arg3[%add3A_236, %dma_start3A_237, %dma_start3A_238] : memref<3200x2x125xi32, #tpu.memory_space<hbm>> -> memref<1x2x125xi32, #tpu.memory_space<hbm>>
        %dma_start3A_240 = tpu.memref_squeeze %dma_start3A_239 : memref<1x2x125xi32, #tpu.memory_space<hbm>> -> memref<2x125xi32, #tpu.memory_space<hbm>>
        %dma_start3A_241 = arith.constant 0 : i32
        %dma_start3A_242 = arith.constant 0 : i32
        %dma_start3A_243 = tpu.memref_slice %arg3[%add3A_236, %dma_start3A_241, %dma_start3A_242] : memref<3200x2x125xi32, #tpu.memory_space<hbm>> -> memref<1x2x125xi32, #tpu.memory_space<hbm>>
        %dma_start3A_244 = tpu.memref_squeeze %dma_start3A_243 : memref<1x2x125xi32, #tpu.memory_space<hbm>> -> memref<2x125xi32, #tpu.memory_space<hbm>>
        tpu.enqueue_dma source(%dma_start3A_244 : memref<2x125xi32, #tpu.memory_space<hbm>>) target(%arg6 : memref<2x125xi32, #tpu.memory_space<vmem>>) target_semaphore(%arg13 : memref<!tpu.dma_semaphore, #tpu.memory_space<semaphore_mem>>)
        %add3A_245 = arith.addi %mul3A_9, %add3A_235 : i32
        %dma_start3A_246 = arith.constant 0 : i32
        %dma_start3A_247 = arith.constant 0 : i32
        %dma_start3A_248 = tpu.memref_slice %arg4[%add3A_245, %dma_start3A_246, %dma_start3A_247] : memref<3200x2x125xi32, #tpu.memory_space<hbm>> -> memref<1x2x125xi32, #tpu.memory_space<hbm>>
        %dma_start3A_249 = tpu.memref_squeeze %dma_start3A_248 : memref<1x2x125xi32, #tpu.memory_space<hbm>> -> memref<2x125xi32, #tpu.memory_space<hbm>>
        %dma_start3A_250 = arith.constant 0 : i32
        %dma_start3A_251 = arith.constant 0 : i32
        %dma_start3A_252 = tpu.memref_slice %arg4[%add3A_245, %dma_start3A_250, %dma_start3A_251] : memref<3200x2x125xi32, #tpu.memory_space<hbm>> -> memref<1x2x125xi32, #tpu.memory_space<hbm>>
        %dma_start3A_253 = tpu.memref_squeeze %dma_start3A_252 : memref<1x2x125xi32, #tpu.memory_space<hbm>> -> memref<2x125xi32, #tpu.memory_space<hbm>>
        tpu.enqueue_dma source(%dma_start3A_253 : memref<2x125xi32, #tpu.memory_space<hbm>>) target(%arg7 : memref<2x125xi32, #tpu.memory_space<vmem>>) target_semaphore(%arg13 : memref<!tpu.dma_semaphore, #tpu.memory_space<semaphore_mem>>)
      } else {
      }
      %dma_wait3A_190 = arith.constant 0 : i32
      %dma_wait3A_191 = arith.constant 0 : i32
      %dma_wait3A_192 = arith.constant 0 : i32
      %dma_wait3A_193 = tpu.memref_slice %arg11[%dma_wait3A_191, %dma_wait3A_192] : memref<250x32xf32, #tpu.memory_space<vmem>> -> memref<125x32xf32, #tpu.memory_space<vmem>>
      %dma_wait3A_194 = arith.constant 0 : i32
      %dma_wait3A_195 = tpu.memref_slice %arg8[%dma_wait3A_190, %dma_wait3A_194] : memref<2x125xi32, #tpu.memory_space<vmem>> -> memref<1x125xi32, #tpu.memory_space<vmem>>
      %dma_wait3A_196 = tpu.memref_squeeze %dma_wait3A_195 : memref<1x125xi32, #tpu.memory_space<vmem>> -> memref<125xi32, #tpu.memory_space<vmem>>
      %dma_wait3A_197 = arith.constant 0 : i32
      %dma_wait3A_198 = arith.constant 0 : i32
      %dma_wait3A_199 = tpu.memref_slice %arg2[%arg0, %dma_wait3A_197, %dma_wait3A_198] : memref<2x50000x32xf32, #tpu.memory_space<hbm>> -> memref<1x50000x32xf32, #tpu.memory_space<hbm>>
      %dma_wait3A_200 = tpu.memref_squeeze %dma_wait3A_199 : memref<1x50000x32xf32, #tpu.memory_space<hbm>> -> memref<50000x32xf32, #tpu.memory_space<hbm>>
      %dma_wait3A_201 = arith.constant 0 : i32
      %dma_wait3A_202 = arith.constant 0 : i32
      %dma_wait3A_203 = tpu.memref_slice %dma_wait3A_200[%dma_wait3A_201, %dma_wait3A_202] : memref<50000x32xf32, #tpu.memory_space<hbm>> -> memref<50000x32xf32, #tpu.memory_space<hbm>>
      tpu.wait_indirect_dma semaphore(%arg16 : memref<!tpu.dma_semaphore, #tpu.memory_space<semaphore_mem>>) src(%dma_wait3A_203 : memref<50000x32xf32, #tpu.memory_space<hbm>>) dst(%dma_wait3A_193 : memref<125x32xf32, #tpu.memory_space<vmem>>)
      %dma_wait3A_204 = arith.constant 1 : i32
      %dma_wait3A_205 = arith.constant 125 : i32
      %dma_wait3A_206 = arith.constant 0 : i32
      %dma_wait3A_207 = tpu.memref_slice %arg11[%dma_wait3A_205, %dma_wait3A_206] : memref<250x32xf32, #tpu.memory_space<vmem>> -> memref<125x32xf32, #tpu.memory_space<vmem>>
      %dma_wait3A_208 = arith.constant 0 : i32
      %dma_wait3A_209 = tpu.memref_slice %arg8[%dma_wait3A_204, %dma_wait3A_208] : memref<2x125xi32, #tpu.memory_space<vmem>> -> memref<1x125xi32, #tpu.memory_space<vmem>>
      %dma_wait3A_210 = tpu.memref_squeeze %dma_wait3A_209 : memref<1x125xi32, #tpu.memory_space<vmem>> -> memref<125xi32, #tpu.memory_space<vmem>>
      %dma_wait3A_211 = arith.constant 0 : i32
      %dma_wait3A_212 = arith.constant 0 : i32
      %dma_wait3A_213 = tpu.memref_slice %arg2[%arg0, %dma_wait3A_211, %dma_wait3A_212] : memref<2x50000x32xf32, #tpu.memory_space<hbm>> -> memref<1x50000x32xf32, #tpu.memory_space<hbm>>
      %dma_wait3A_214 = tpu.memref_squeeze %dma_wait3A_213 : memref<1x50000x32xf32, #tpu.memory_space<hbm>> -> memref<50000x32xf32, #tpu.memory_space<hbm>>
      %dma_wait3A_215 = arith.constant 0 : i32
      %dma_wait3A_216 = arith.constant 0 : i32
      %dma_wait3A_217 = tpu.memref_slice %dma_wait3A_214[%dma_wait3A_215, %dma_wait3A_216] : memref<50000x32xf32, #tpu.memory_space<hbm>> -> memref<50000x32xf32, #tpu.memory_space<hbm>>
      tpu.wait_indirect_dma semaphore(%arg16 : memref<!tpu.dma_semaphore, #tpu.memory_space<semaphore_mem>>) src(%dma_wait3A_217 : memref<50000x32xf32, #tpu.memory_space<hbm>>) dst(%dma_wait3A_207 : memref<125x32xf32, #tpu.memory_space<vmem>>)
      %add3A_218 = arith.constant 2 : i32
      %add3A_219 = arith.addi %mul3A_110, %add3A_218 : i32
      %lt3A_220 = arith.constant 200 : i32
      %lt3A_221 = arith.cmpi slt, %add3A_219, %lt3A_220 : i32
      %convert_element_type3A_222 = arith.extui %lt3A_221 : i1 to i32
      %cond3A_223 = arith.constant 0 : i32
      %cond3A_224 = arith.cmpi ne, %convert_element_type3A_222, %cond3A_223 : i32
      scf.if %cond3A_224 {
        %dma_wait3A_234 = arith.constant 0 : i32
        %dma_wait3A_235 = arith.constant 0 : i32
        %dma_wait3A_236 = arith.constant 0 : i32
        %dma_wait3A_237 = tpu.memref_slice %arg3[%dma_wait3A_234, %dma_wait3A_235, %dma_wait3A_236] : memref<3200x2x125xi32, #tpu.memory_space<hbm>> -> memref<1x2x125xi32, #tpu.memory_space<hbm>>
        %dma_wait3A_238 = tpu.memref_squeeze %dma_wait3A_237 : memref<1x2x125xi32, #tpu.memory_space<hbm>> -> memref<2x125xi32, #tpu.memory_space<hbm>>
        %dma_wait3A_239 = arith.constant 0 : i32
        %dma_wait3A_240 = arith.constant 0 : i32
        %dma_wait3A_241 = tpu.memref_slice %arg3[%dma_wait3A_234, %dma_wait3A_239, %dma_wait3A_240] : memref<3200x2x125xi32, #tpu.memory_space<hbm>> -> memref<1x2x125xi32, #tpu.memory_space<hbm>>
        %dma_wait3A_242 = tpu.memref_squeeze %dma_wait3A_241 : memref<1x2x125xi32, #tpu.memory_space<hbm>> -> memref<2x125xi32, #tpu.memory_space<hbm>>
        tpu.wait_dma2 semaphore(%arg13 : memref<!tpu.dma_semaphore, #tpu.memory_space<semaphore_mem>>) src(%dma_wait3A_242 : memref<2x125xi32, #tpu.memory_space<hbm>>) dst(%arg6 : memref<2x125xi32, #tpu.memory_space<vmem>>)
        %dma_wait3A_243 = arith.constant 0 : i32
        %dma_wait3A_244 = arith.constant 0 : i32
        %dma_wait3A_245 = arith.constant 0 : i32
        %dma_wait3A_246 = tpu.memref_slice %arg4[%dma_wait3A_243, %dma_wait3A_244, %dma_wait3A_245] : memref<3200x2x125xi32, #tpu.memory_space<hbm>> -> memref<1x2x125xi32, #tpu.memory_space<hbm>>
        %dma_wait3A_247 = tpu.memref_squeeze %dma_wait3A_246 : memref<1x2x125xi32, #tpu.memory_space<hbm>> -> memref<2x125xi32, #tpu.memory_space<hbm>>
        %dma_wait3A_248 = arith.constant 0 : i32
        %dma_wait3A_249 = arith.constant 0 : i32
        %dma_wait3A_250 = tpu.memref_slice %arg4[%dma_wait3A_243, %dma_wait3A_248, %dma_wait3A_249] : memref<3200x2x125xi32, #tpu.memory_space<hbm>> -> memref<1x2x125xi32, #tpu.memory_space<hbm>>
        %dma_wait3A_251 = tpu.memref_squeeze %dma_wait3A_250 : memref<1x2x125xi32, #tpu.memory_space<hbm>> -> memref<2x125xi32, #tpu.memory_space<hbm>>
        tpu.wait_dma2 semaphore(%arg13 : memref<!tpu.dma_semaphore, #tpu.memory_space<semaphore_mem>>) src(%dma_wait3A_251 : memref<2x125xi32, #tpu.memory_space<hbm>>) dst(%arg7 : memref<2x125xi32, #tpu.memory_space<vmem>>)
        %dma_start3A_252 = arith.constant 0 : i32
        %dma_start3A_253 = arith.constant 0 : i32
        %dma_start3A_254 = arith.constant 0 : i32
        %dma_start3A_255 = tpu.memref_slice %arg10[%dma_start3A_253, %dma_start3A_254] : memref<250x32xf32, #tpu.memory_space<vmem>> -> memref<125x32xf32, #tpu.memory_space<vmem>>
        %dma_start3A_256 = arith.constant 0 : i32
        %dma_start3A_257 = tpu.memref_slice %arg6[%dma_start3A_252, %dma_start3A_256] : memref<2x125xi32, #tpu.memory_space<vmem>> -> memref<1x125xi32, #tpu.memory_space<vmem>>
        %dma_start3A_258 = tpu.memref_squeeze %dma_start3A_257 : memref<1x125xi32, #tpu.memory_space<vmem>> -> memref<125xi32, #tpu.memory_space<vmem>>
        %dma_start3A_259 = arith.constant 0 : i32
        %dma_start3A_260 = arith.constant 0 : i32
        %dma_start3A_261 = tpu.memref_slice %arg2[%arg0, %dma_start3A_259, %dma_start3A_260] : memref<2x50000x32xf32, #tpu.memory_space<hbm>> -> memref<1x50000x32xf32, #tpu.memory_space<hbm>>
        %dma_start3A_262 = tpu.memref_squeeze %dma_start3A_261 : memref<1x50000x32xf32, #tpu.memory_space<hbm>> -> memref<50000x32xf32, #tpu.memory_space<hbm>>
        %dma_start3A_263 = arith.constant 0 : i32
        %dma_start3A_264 = arith.constant 0 : i32
        %dma_start3A_265 = tpu.memref_slice %dma_start3A_262[%dma_start3A_263, %dma_start3A_264] : memref<50000x32xf32, #tpu.memory_space<hbm>> -> memref<50000x32xf32, #tpu.memory_space<hbm>>
        tpu.enqueue_indirect_dma source(%dma_start3A_265 : memref<50000x32xf32, #tpu.memory_space<hbm>>) target(%dma_start3A_255 : memref<125x32xf32, #tpu.memory_space<vmem>>) offsets(%dma_start3A_258 : memref<125xi32, #tpu.memory_space<vmem>>) semaphore(%arg15 : memref<!tpu.dma_semaphore, #tpu.memory_space<semaphore_mem>>)
        %dma_start3A_266 = arith.constant 1 : i32
        %dma_start3A_267 = arith.constant 125 : i32
        %dma_start3A_268 = arith.constant 0 : i32
        %dma_start3A_269 = tpu.memref_slice %arg10[%dma_start3A_267, %dma_start3A_268] : memref<250x32xf32, #tpu.memory_space<vmem>> -> memref<125x32xf32, #tpu.memory_space<vmem>>
        %dma_start3A_270 = arith.constant 0 : i32
        %dma_start3A_271 = tpu.memref_slice %arg6[%dma_start3A_266, %dma_start3A_270] : memref<2x125xi32, #tpu.memory_space<vmem>> -> memref<1x125xi32, #tpu.memory_space<vmem>>
        %dma_start3A_272 = tpu.memref_squeeze %dma_start3A_271 : memref<1x125xi32, #tpu.memory_space<vmem>> -> memref<125xi32, #tpu.memory_space<vmem>>
        %dma_start3A_273 = arith.constant 0 : i32
        %dma_start3A_274 = arith.constant 0 : i32
        %dma_start3A_275 = tpu.memref_slice %arg2[%arg0, %dma_start3A_273, %dma_start3A_274] : memref<2x50000x32xf32, #tpu.memory_space<hbm>> -> memref<1x50000x32xf32, #tpu.memory_space<hbm>>
        %dma_start3A_276 = tpu.memref_squeeze %dma_start3A_275 : memref<1x50000x32xf32, #tpu.memory_space<hbm>> -> memref<50000x32xf32, #tpu.memory_space<hbm>>
        %dma_start3A_277 = arith.constant 0 : i32
        %dma_start3A_278 = arith.constant 0 : i32
        %dma_start3A_279 = tpu.memref_slice %dma_start3A_276[%dma_start3A_277, %dma_start3A_278] : memref<50000x32xf32, #tpu.memory_space<hbm>> -> memref<50000x32xf32, #tpu.memory_space<hbm>>
        tpu.enqueue_indirect_dma source(%dma_start3A_279 : memref<50000x32xf32, #tpu.memory_space<hbm>>) target(%dma_start3A_269 : memref<125x32xf32, #tpu.memory_space<vmem>>) offsets(%dma_start3A_272 : memref<125xi32, #tpu.memory_space<vmem>>) semaphore(%arg15 : memref<!tpu.dma_semaphore, #tpu.memory_space<semaphore_mem>>)
      } else {
      }
      %run_scoped3A_225 = arith.constant 0 : i32
      "tpu.region"() ({
        %run_scoped3A_234 = tpu.sem_alloc : memref<!tpu.dma_semaphore, #tpu.memory_space<semaphore_mem>>
        %dma_start3A_235 = arith.constant 0 : i32
        %dma_start3A_236 = arith.constant 0 : i32
        %dma_start3A_237 = tpu.memref_slice %arg11[%dma_start3A_235, %dma_start3A_236] : memref<250x32xf32, #tpu.memory_space<vmem>> -> memref<125x32xf32, #tpu.memory_space<vmem>>
        %dma_start3A_238 = arith.constant 0 : i32
        %dma_start3A_239 = tpu.memref_slice %arg9[%run_scoped3A_225, %dma_start3A_238] : memref<2x125xi32, #tpu.memory_space<vmem>> -> memref<1x125xi32, #tpu.memory_space<vmem>>
        %dma_start3A_240 = tpu.memref_squeeze %dma_start3A_239 : memref<1x125xi32, #tpu.memory_space<vmem>> -> memref<125xi32, #tpu.memory_space<vmem>>
        %dma_start3A_241 = arith.constant 0 : i32
        %dma_start3A_242 = arith.constant 0 : i32
        %dma_start3A_243 = tpu.memref_slice %arg12[%dma_start3A_241, %dma_start3A_242] : memref<50000x32xf32, #tpu.memory_space<vmem_shared>> -> memref<50000x32xf32, #tpu.memory_space<vmem_shared>>
        tpu.enqueue_indirect_dma source(%dma_start3A_237 : memref<125x32xf32, #tpu.memory_space<vmem>>) target(%dma_start3A_243 : memref<50000x32xf32, #tpu.memory_space<vmem_shared>>) offsets(%dma_start3A_240 : memref<125xi32, #tpu.memory_space<vmem>>) semaphore(%run_scoped3A_234 : memref<!tpu.dma_semaphore, #tpu.memory_space<semaphore_mem>>) {add = true}
        %dma_wait3A_244 = arith.constant 0 : i32
        %dma_wait3A_245 = arith.constant 0 : i32
        %dma_wait3A_246 = tpu.memref_slice %arg11[%dma_wait3A_244, %dma_wait3A_245] : memref<250x32xf32, #tpu.memory_space<vmem>> -> memref<125x32xf32, #tpu.memory_space<vmem>>
        %dma_wait3A_247 = arith.constant 0 : i32
        %dma_wait3A_248 = tpu.memref_slice %arg9[%run_scoped3A_225, %dma_wait3A_247] : memref<2x125xi32, #tpu.memory_space<vmem>> -> memref<1x125xi32, #tpu.memory_space<vmem>>
        %dma_wait3A_249 = tpu.memref_squeeze %dma_wait3A_248 : memref<1x125xi32, #tpu.memory_space<vmem>> -> memref<125xi32, #tpu.memory_space<vmem>>
        %dma_wait3A_250 = arith.constant 0 : i32
        %dma_wait3A_251 = arith.constant 0 : i32
        %dma_wait3A_252 = tpu.memref_slice %arg12[%dma_wait3A_250, %dma_wait3A_251] : memref<50000x32xf32, #tpu.memory_space<vmem_shared>> -> memref<50000x32xf32, #tpu.memory_space<vmem_shared>>
        tpu.wait_indirect_dma semaphore(%run_scoped3A_234 : memref<!tpu.dma_semaphore, #tpu.memory_space<semaphore_mem>>) src(%dma_wait3A_246 : memref<125x32xf32, #tpu.memory_space<vmem>>) dst(%dma_wait3A_252 : memref<50000x32xf32, #tpu.memory_space<vmem_shared>>)
        tpu.yield
      }) : () -> ()
      %run_scoped3A_226 = arith.constant 1 : i32
      "tpu.region"() ({
        %run_scoped3A_234 = tpu.sem_alloc : memref<!tpu.dma_semaphore, #tpu.memory_space<semaphore_mem>>
        %dma_start3A_235 = arith.constant 125 : i32
        %dma_start3A_236 = arith.constant 0 : i32
        %dma_start3A_237 = tpu.memref_slice %arg11[%dma_start3A_235, %dma_start3A_236] : memref<250x32xf32, #tpu.memory_space<vmem>> -> memref<125x32xf32, #tpu.memory_space<vmem>>
        %dma_start3A_238 = arith.constant 0 : i32
        %dma_start3A_239 = tpu.memref_slice %arg9[%run_scoped3A_226, %dma_start3A_238] : memref<2x125xi32, #tpu.memory_space<vmem>> -> memref<1x125xi32, #tpu.memory_space<vmem>>
        %dma_start3A_240 = tpu.memref_squeeze %dma_start3A_239 : memref<1x125xi32, #tpu.memory_space<vmem>> -> memref<125xi32, #tpu.memory_space<vmem>>
        %dma_start3A_241 = arith.constant 0 : i32
        %dma_start3A_242 = arith.constant 0 : i32
        %dma_start3A_243 = tpu.memref_slice %arg12[%dma_start3A_241, %dma_start3A_242] : memref<50000x32xf32, #tpu.memory_space<vmem_shared>> -> memref<50000x32xf32, #tpu.memory_space<vmem_shared>>
        tpu.enqueue_indirect_dma source(%dma_start3A_237 : memref<125x32xf32, #tpu.memory_space<vmem>>) target(%dma_start3A_243 : memref<50000x32xf32, #tpu.memory_space<vmem_shared>>) offsets(%dma_start3A_240 : memref<125xi32, #tpu.memory_space<vmem>>) semaphore(%run_scoped3A_234 : memref<!tpu.dma_semaphore, #tpu.memory_space<semaphore_mem>>) {add = true}
        %dma_wait3A_244 = arith.constant 125 : i32
        %dma_wait3A_245 = arith.constant 0 : i32
        %dma_wait3A_246 = tpu.memref_slice %arg11[%dma_wait3A_244, %dma_wait3A_245] : memref<250x32xf32, #tpu.memory_space<vmem>> -> memref<125x32xf32, #tpu.memory_space<vmem>>
        %dma_wait3A_247 = arith.constant 0 : i32
        %dma_wait3A_248 = tpu.memref_slice %arg9[%run_scoped3A_226, %dma_wait3A_247] : memref<2x125xi32, #tpu.memory_space<vmem>> -> memref<1x125xi32, #tpu.memory_space<vmem>>
        %dma_wait3A_249 = tpu.memref_squeeze %dma_wait3A_248 : memref<1x125xi32, #tpu.memory_space<vmem>> -> memref<125xi32, #tpu.memory_space<vmem>>
        %dma_wait3A_250 = arith.constant 0 : i32
        %dma_wait3A_251 = arith.constant 0 : i32
        %dma_wait3A_252 = tpu.memref_slice %arg12[%dma_wait3A_250, %dma_wait3A_251] : memref<50000x32xf32, #tpu.memory_space<vmem_shared>> -> memref<50000x32xf32, #tpu.memory_space<vmem_shared>>
        tpu.wait_indirect_dma semaphore(%run_scoped3A_234 : memref<!tpu.dma_semaphore, #tpu.memory_space<semaphore_mem>>) src(%dma_wait3A_246 : memref<125x32xf32, #tpu.memory_space<vmem>>) dst(%dma_wait3A_252 : memref<50000x32xf32, #tpu.memory_space<vmem_shared>>)
        tpu.yield
      }) : () -> ()
      %add3A_227 = arith.constant 3 : i32
      %add3A_228 = arith.addi %mul3A_110, %add3A_227 : i32
      %lt3A_229 = arith.constant 200 : i32
      %lt3A_230 = arith.cmpi slt, %add3A_228, %lt3A_229 : i32
      %convert_element_type3A_231 = arith.extui %lt3A_230 : i1 to i32
      %cond3A_232 = arith.constant 0 : i32
      %cond3A_233 = arith.cmpi ne, %convert_element_type3A_231, %cond3A_232 : i32
      scf.if %cond3A_233 {
        %add3A_234 = arith.constant 3 : i32
        %add3A_235 = arith.addi %mul3A_110, %add3A_234 : i32
        %add3A_236 = arith.addi %mul3A_9, %add3A_235 : i32
        %dma_start3A_237 = arith.constant 0 : i32
        %dma_start3A_238 = arith.constant 0 : i32
        %dma_start3A_239 = tpu.memref_slice %arg3[%add3A_236, %dma_start3A_237, %dma_start3A_238] : memref<3200x2x125xi32, #tpu.memory_space<hbm>> -> memref<1x2x125xi32, #tpu.memory_space<hbm>>
        %dma_start3A_240 = tpu.memref_squeeze %dma_start3A_239 : memref<1x2x125xi32, #tpu.memory_space<hbm>> -> memref<2x125xi32, #tpu.memory_space<hbm>>
        %dma_start3A_241 = arith.constant 0 : i32
        %dma_start3A_242 = arith.constant 0 : i32
        %dma_start3A_243 = tpu.memref_slice %arg3[%add3A_236, %dma_start3A_241, %dma_start3A_242] : memref<3200x2x125xi32, #tpu.memory_space<hbm>> -> memref<1x2x125xi32, #tpu.memory_space<hbm>>
        %dma_start3A_244 = tpu.memref_squeeze %dma_start3A_243 : memref<1x2x125xi32, #tpu.memory_space<hbm>> -> memref<2x125xi32, #tpu.memory_space<hbm>>
        tpu.enqueue_dma source(%dma_start3A_244 : memref<2x125xi32, #tpu.memory_space<hbm>>) target(%arg8 : memref<2x125xi32, #tpu.memory_space<vmem>>) target_semaphore(%arg14 : memref<!tpu.dma_semaphore, #tpu.memory_space<semaphore_mem>>)
        %add3A_245 = arith.addi %mul3A_9, %add3A_235 : i32
        %dma_start3A_246 = arith.constant 0 : i32
        %dma_start3A_247 = arith.constant 0 : i32
        %dma_start3A_248 = tpu.memref_slice %arg4[%add3A_245, %dma_start3A_246, %dma_start3A_247] : memref<3200x2x125xi32, #tpu.memory_space<hbm>> -> memref<1x2x125xi32, #tpu.memory_space<hbm>>
        %dma_start3A_249 = tpu.memref_squeeze %dma_start3A_248 : memref<1x2x125xi32, #tpu.memory_space<hbm>> -> memref<2x125xi32, #tpu.memory_space<hbm>>
        %dma_start3A_250 = arith.constant 0 : i32
        %dma_start3A_251 = arith.constant 0 : i32
        %dma_start3A_252 = tpu.memref_slice %arg4[%add3A_245, %dma_start3A_250, %dma_start3A_251] : memref<3200x2x125xi32, #tpu.memory_space<hbm>> -> memref<1x2x125xi32, #tpu.memory_space<hbm>>
        %dma_start3A_253 = tpu.memref_squeeze %dma_start3A_252 : memref<1x2x125xi32, #tpu.memory_space<hbm>> -> memref<2x125xi32, #tpu.memory_space<hbm>>
        tpu.enqueue_dma source(%dma_start3A_253 : memref<2x125xi32, #tpu.memory_space<hbm>>) target(%arg9 : memref<2x125xi32, #tpu.memory_space<vmem>>) target_semaphore(%arg14 : memref<!tpu.dma_semaphore, #tpu.memory_space<semaphore_mem>>)
      } else {
      }
    }
    %scan3A_97 = arith.constant 100 : i32
    %barrier3A_98 = arith.constant 0 : index
    tpu.barrier barrier_id(%barrier3A_98)
    %scan3A_99 = arith.constant 0 : i32
    %scan3A_100 = arith.constant 4 : i32
    %scan3A_101 = arith.addi %scan3A_99, %scan3A_100 : i32
    %scan3A_102 = arith.constant 1 : i32
    scf.for %scan3A_104 = %scan3A_99 to %scan3A_101 step %scan3A_102  : i32 {
      %mul3A_105 = arith.constant 1 : i32
      %mul3A_106 = arith.muli %scan3A_104, %mul3A_105 : i32
      %add3A_107 = arith.constant 0 : i32
      %add3A_108 = arith.addi %add3A_107, %mul3A_106 : i32
      %mul3A_109 = arith.constant 16 : i32
      %mul3A_110 = arith.muli %add3A_108, %mul3A_109 : i32
      %add3A_111 = arith.addi %arg1, %mul3A_110 : i32
      %lt3A = arith.constant 50 : i32
      %lt3A_112 = arith.cmpi slt, %add3A_111, %lt3A : i32
      %convert_element_type3A = arith.extui %lt3A_112 : i1 to i32
      %cond3A = arith.constant 0 : i32
      %cond3A_113 = arith.cmpi ne, %convert_element_type3A, %cond3A : i32
      scf.if %cond3A_113 {
        %mul3A_114 = arith.constant 1000 : i32
        %mul3A_115 = arith.muli %add3A_111, %mul3A_114 : i32
        %mul3A_116 = arith.constant 1000 : i32
        %mul3A_117 = arith.muli %add3A_111, %mul3A_116 : i32
        "tpu.region"() ({
          %run_scoped3A = tpu.sem_alloc : memref<!tpu.dma_semaphore, #tpu.memory_space<semaphore_mem>>
          %dma_start3A_118 = arith.constant 0 : i32
          %dma_start3A_119 = arith.constant 0 : i32
          %dma_start3A_120 = tpu.memref_slice %arg5[%arg0, %dma_start3A_118, %dma_start3A_119] : memref<2x50000x32xf32, #tpu.memory_space<hbm>> -> memref<1x50000x32xf32, #tpu.memory_space<hbm>>
          %dma_start3A_121 = tpu.memref_squeeze %dma_start3A_120 : memref<1x50000x32xf32, #tpu.memory_space<hbm>> -> memref<50000x32xf32, #tpu.memory_space<hbm>>
          %dma_start3A_122 = arith.constant 0 : i32
          %dma_start3A_123 = tpu.memref_slice %dma_start3A_121[%mul3A_117, %dma_start3A_122] : memref<50000x32xf32, #tpu.memory_space<hbm>> -> memref<1000x32xf32, #tpu.memory_space<hbm>>
          %dma_start3A_124 = arith.constant 0 : i32
          %dma_start3A_125 = tpu.memref_slice %arg12[%mul3A_115, %dma_start3A_124] : memref<50000x32xf32, #tpu.memory_space<vmem_shared>> -> memref<1000x32xf32, #tpu.memory_space<vmem_shared>>
          tpu.enqueue_dma source(%dma_start3A_125 : memref<1000x32xf32, #tpu.memory_space<vmem_shared>>) target(%dma_start3A_123 : memref<1000x32xf32, #tpu.memory_space<hbm>>) target_semaphore(%run_scoped3A : memref<!tpu.dma_semaphore, #tpu.memory_space<semaphore_mem>>)
          %dma_wait3A_126 = arith.constant 0 : i32
          %dma_wait3A_127 = arith.constant 0 : i32
          %dma_wait3A_128 = tpu.memref_slice %arg5[%arg0, %dma_wait3A_126, %dma_wait3A_127] : memref<2x50000x32xf32, #tpu.memory_space<hbm>> -> memref<1x50000x32xf32, #tpu.memory_space<hbm>>
          %dma_wait3A_129 = tpu.memref_squeeze %dma_wait3A_128 : memref<1x50000x32xf32, #tpu.memory_space<hbm>> -> memref<50000x32xf32, #tpu.memory_space<hbm>>
          %dma_wait3A_130 = arith.constant 0 : i32
          %dma_wait3A_131 = tpu.memref_slice %dma_wait3A_129[%mul3A_117, %dma_wait3A_130] : memref<50000x32xf32, #tpu.memory_space<hbm>> -> memref<1000x32xf32, #tpu.memory_space<hbm>>
          %dma_wait3A_132 = arith.constant 0 : i32
          %dma_wait3A_133 = tpu.memref_slice %arg12[%mul3A_115, %dma_wait3A_132] : memref<50000x32xf32, #tpu.memory_space<vmem_shared>> -> memref<1000x32xf32, #tpu.memory_space<vmem_shared>>
          tpu.wait_dma2 semaphore(%run_scoped3A : memref<!tpu.dma_semaphore, #tpu.memory_space<semaphore_mem>>) src(%dma_wait3A_133 : memref<1000x32xf32, #tpu.memory_space<vmem_shared>>) dst(%dma_wait3A_131 : memref<1000x32xf32, #tpu.memory_space<hbm>>)
          tpu.yield
        }) : () -> ()
      } else {
      }
    }
    %scan3A_103 = arith.constant 4 : i32
    return
  }
}

module attributes {stable_mosaic.version = 14 : i64} {
  func.func @body(%arg0: i32, %arg1: memref<2000x100xf32, #tpu.memory_space<vmem>>, %arg2: memref<100x64xf32, #tpu.memory_space<vmem>>, %arg3: memref<100x64xf32, #tpu.memory_space<vmem>>, %arg4: memref<1x64xf32, #tpu.memory_space<vmem>>, %arg5: memref<2x2000x32xf32, #tpu.memory_space<vmem>>, %arg6: memref<2000x64xf32, #tpu.memory_space<vmem>>) attributes {dimension_semantics = [#tpu.dimension_semantics<arbitrary>], iteration_bounds = array<i64: 25>, scalar_prefetch = 0 : i64, scratch_operands = 0 : i64, tpu.core_type = #tpu.core_type<tc>, window_params = [{transform_indices = @transform_0, window_bounds = array<i64: 2000, 100>}, {pipeline_mode = #tpu.pipeline_mode<synchronous>, transform_indices = @transform_1, window_bounds = array<i64: 100, 64>}, {pipeline_mode = #tpu.pipeline_mode<synchronous>, transform_indices = @transform_2, window_bounds = array<i64: 100, 64>}, {pipeline_mode = #tpu.pipeline_mode<synchronous>, transform_indices = @transform_3, window_bounds = array<i64: 1, 64>}, {transform_indices = @transform_4, window_bounds = array<i64: 2, 2000, 32>}, {transform_indices = @transform_5, window_bounds = array<i64: 2000, 64>}]} {
    %get3A = arith.constant 0 : index
    %get3A_0 = arith.constant 0 : index
    %get3A_1 = vector.load %arg1[%get3A, %get3A_0] : memref<2000x100xf32, #tpu.memory_space<vmem>>, vector<2000x100xf32>
    %get3A_2 = arith.constant 0 : index
    %get3A_3 = arith.constant 0 : index
    %get3A_4 = vector.load %arg2[%get3A_2, %get3A_3] : memref<100x64xf32, #tpu.memory_space<vmem>>, vector<100x64xf32>
    %dot_general3A = arith.constant dense<0.000000e+00> : vector<2000x64xf32>
    %dot_general3A_5 = tpu.matmul %get3A_1, %get3A_4, %dot_general3A {dimension_numbers = #tpu.dot_dimension_numbers<[1], [0], [0], [1], [0, 0, 1, 1], [], []>, transpose_lhs_hint = false} : vector<2000x100xf32>, vector<100x64xf32>, vector<2000x64xf32> -> vector<2000x64xf32>
    %get3A_6 = arith.constant 0 : index
    %get3A_7 = arith.constant 0 : index
    %get3A_8 = vector.load %arg3[%get3A_6, %get3A_7] : memref<100x64xf32, #tpu.memory_space<vmem>>, vector<100x64xf32>
    %dot_general3A_9 = arith.constant dense<0.000000e+00> : vector<2000x64xf32>
    %dot_general3A_10 = tpu.matmul %get3A_1, %get3A_8, %dot_general3A_9 {dimension_numbers = #tpu.dot_dimension_numbers<[1], [0], [0], [1], [0, 0, 1, 1], [], []>, transpose_lhs_hint = false} : vector<2000x100xf32>, vector<100x64xf32>, vector<2000x64xf32> -> vector<2000x64xf32>
    %slice3A = vector.extract_strided_slice %dot_general3A_5 {offsets = [0, 0], sizes = [2000, 32], strides = [1, 1]} : vector<2000x64xf32> to vector<2000x32xf32>
    %swap3A = arith.constant 0 : index
    %swap3A_11 = arith.constant 0 : index
    %swap3A_12 = arith.constant 0 : index
    %swap3A_13 = vector.load %arg5[%swap3A, %swap3A_11, %swap3A_12] : memref<2x2000x32xf32, #tpu.memory_space<vmem>>, vector<1x2000x32xf32>
    %swap3A_14 = vector.shape_cast %swap3A_13 : vector<1x2000x32xf32> to vector<2000x32xf32>
    %swap3A_15 = vector.shape_cast %slice3A : vector<2000x32xf32> to vector<1x2000x32xf32>
    tpu.vector_store %arg5[%swap3A, %swap3A_11, %swap3A_12], %swap3A_15 {strides = array<i32>} : memref<2x2000x32xf32, #tpu.memory_space<vmem>>, vector<1x2000x32xf32>,
    %slice3A_16 = vector.extract_strided_slice %dot_general3A_5 {offsets = [0, 32], sizes = [2000, 32], strides = [1, 1]} : vector<2000x64xf32> to vector<2000x32xf32>
    %swap3A_17 = arith.constant 1 : index
    %swap3A_18 = arith.constant 0 : index
    %swap3A_19 = arith.constant 0 : index
    %swap3A_20 = vector.load %arg5[%swap3A_17, %swap3A_18, %swap3A_19] : memref<2x2000x32xf32, #tpu.memory_space<vmem>>, vector<1x2000x32xf32>
    %swap3A_21 = vector.shape_cast %swap3A_20 : vector<1x2000x32xf32> to vector<2000x32xf32>
    %swap3A_22 = vector.shape_cast %slice3A_16 : vector<2000x32xf32> to vector<1x2000x32xf32>
    tpu.vector_store %arg5[%swap3A_17, %swap3A_18, %swap3A_19], %swap3A_22 {strides = array<i32>} : memref<2x2000x32xf32, #tpu.memory_space<vmem>>, vector<1x2000x32xf32>,
    %get3A_23 = arith.constant 0 : index
    %get3A_24 = arith.constant 0 : index
    %get3A_25 = vector.load %arg4[%get3A_23, %get3A_24] : memref<1x64xf32, #tpu.memory_space<vmem>>, vector<1x64xf32>
    %add3A = vector.broadcast %get3A_25 : vector<1x64xf32> to vector<2000x64xf32>
    %add3A_26 = arith.addf %dot_general3A_10, %add3A : vector<2000x64xf32>
    %swap3A_27 = arith.constant 0 : index
    %swap3A_28 = arith.constant 0 : index
    %swap3A_29 = vector.load %arg6[%swap3A_27, %swap3A_28] : memref<2000x64xf32, #tpu.memory_space<vmem>>, vector<2000x64xf32>
    tpu.vector_store %arg6[%swap3A_27, %swap3A_28], %add3A_26 {strides = array<i32>} : memref<2000x64xf32, #tpu.memory_space<vmem>>, vector<2000x64xf32>,
    return
  }
  func.func @transform_0(%arg0: i32) -> (i32, i32) {
    %c0_i32 = arith.constant 0 : i32
    %c0_i32_0 = arith.constant 0 : i32
    return %arg0, %c0_i32 : i32, i32
  }
  func.func @transform_1(%arg0: i32) -> (i32, i32) {
    %c0_i32 = arith.constant 0 : i32
    %c0_i32_0 = arith.constant 0 : i32
    %c0_i32_1 = arith.constant 0 : i32
    return %c0_i32, %c0_i32_0 : i32, i32
  }
  func.func @transform_2(%arg0: i32) -> (i32, i32) {
    %c0_i32 = arith.constant 0 : i32
    %c0_i32_0 = arith.constant 0 : i32
    %c0_i32_1 = arith.constant 0 : i32
    return %c0_i32, %c0_i32_0 : i32, i32
  }
  func.func @transform_3(%arg0: i32) -> (i32, i32) {
    %c0_i32 = arith.constant 0 : i32
    %c0_i32_0 = arith.constant 0 : i32
    %c0_i32_1 = arith.constant 0 : i32
    return %c0_i32, %c0_i32_0 : i32, i32
  }
  func.func @transform_4(%arg0: i32) -> (i32, i32, i32) {
    %c0_i32 = arith.constant 0 : i32
    %c0_i32_0 = arith.constant 0 : i32
    %c0_i32_1 = arith.constant 0 : i32
    return %c0_i32, %arg0, %c0_i32_0 : i32, i32, i32
  }
  func.func @transform_5(%arg0: i32) -> (i32, i32) {
    %c0_i32 = arith.constant 0 : i32
    %c0_i32_0 = arith.constant 0 : i32
    return %arg0, %c0_i32 : i32, i32
  }
}

module attributes {stable_mosaic.version = 14 : i64} {
  func.func @body(%arg0: i32, %arg1: memref<2x2000x32xf32, #tpu.memory_space<vmem>>, %arg2: memref<2000x64xf32, #tpu.memory_space<vmem>>, %arg3: memref<64x64xf32, #tpu.memory_space<vmem>>, %arg4: memref<64x64xf32, #tpu.memory_space<vmem>>, %arg5: memref<1x64xf32, #tpu.memory_space<vmem>>, %arg6: memref<2x2000x32xf32, #tpu.memory_space<vmem>>, %arg7: memref<2000x64xf32, #tpu.memory_space<vmem>>) attributes {dimension_semantics = [#tpu.dimension_semantics<arbitrary>], iteration_bounds = array<i64: 25>, scalar_prefetch = 0 : i64, scratch_operands = 0 : i64, tpu.core_type = #tpu.core_type<tc>, window_params = [{transform_indices = @transform_0, window_bounds = array<i64: 2, 2000, 32>}, {transform_indices = @transform_1, window_bounds = array<i64: 2000, 64>}, {pipeline_mode = #tpu.pipeline_mode<synchronous>, transform_indices = @transform_2, window_bounds = array<i64: 64, 64>}, {pipeline_mode = #tpu.pipeline_mode<synchronous>, transform_indices = @transform_3, window_bounds = array<i64: 64, 64>}, {pipeline_mode = #tpu.pipeline_mode<synchronous>, transform_indices = @transform_4, window_bounds = array<i64: 1, 64>}, {transform_indices = @transform_5, window_bounds = array<i64: 2, 2000, 32>}, {transform_indices = @transform_6, window_bounds = array<i64: 2000, 64>}]} {
    %get3A = arith.constant 0 : index
    %get3A_0 = arith.constant 0 : index
    %get3A_1 = arith.constant 0 : index
    %get3A_2 = vector.load %arg1[%get3A, %get3A_0, %get3A_1] : memref<2x2000x32xf32, #tpu.memory_space<vmem>>, vector<1x2000x32xf32>
    %get3A_3 = vector.shape_cast %get3A_2 : vector<1x2000x32xf32> to vector<2000x32xf32>
    %get3A_4 = arith.constant 1 : index
    %get3A_5 = arith.constant 0 : index
    %get3A_6 = arith.constant 0 : index
    %get3A_7 = vector.load %arg1[%get3A_4, %get3A_5, %get3A_6] : memref<2x2000x32xf32, #tpu.memory_space<vmem>>, vector<1x2000x32xf32>
    %get3A_8 = vector.shape_cast %get3A_7 : vector<1x2000x32xf32> to vector<2000x32xf32>
    %concatenate3A = tpu.concatenate %get3A_3, %get3A_8 in 1 : vector<2000x32xf32>, vector<2000x32xf32> -> vector<2000x64xf32>
    %get3A_9 = arith.constant 0 : index
    %get3A_10 = arith.constant 0 : index
    %get3A_11 = vector.load %arg2[%get3A_9, %get3A_10] : memref<2000x64xf32, #tpu.memory_space<vmem>>, vector<2000x64xf32>
    %add3A = arith.addf %concatenate3A, %get3A_11 : vector<2000x64xf32>
    %max3A = arith.constant 0.000000e+00 : f32
    %max3A_12 = vector.broadcast %max3A : f32 to vector<2000x64xf32>
    %max3A_13 = arith.maximumf %add3A, %max3A_12 : vector<2000x64xf32>
    %get3A_14 = arith.constant 0 : index
    %get3A_15 = arith.constant 0 : index
    %get3A_16 = vector.load %arg3[%get3A_14, %get3A_15] : memref<64x64xf32, #tpu.memory_space<vmem>>, vector<64x64xf32>
    %dot_general3A = arith.constant dense<0.000000e+00> : vector<2000x64xf32>
    %dot_general3A_17 = tpu.matmul %max3A_13, %get3A_16, %dot_general3A {dimension_numbers = #tpu.dot_dimension_numbers<[1], [0], [0], [1], [0, 0, 1, 1], [], []>, transpose_lhs_hint = false} : vector<2000x64xf32>, vector<64x64xf32>, vector<2000x64xf32> -> vector<2000x64xf32>
    %get3A_18 = arith.constant 0 : index
    %get3A_19 = arith.constant 0 : index
    %get3A_20 = vector.load %arg4[%get3A_18, %get3A_19] : memref<64x64xf32, #tpu.memory_space<vmem>>, vector<64x64xf32>
    %dot_general3A_21 = arith.constant dense<0.000000e+00> : vector<2000x64xf32>
    %dot_general3A_22 = tpu.matmul %max3A_13, %get3A_20, %dot_general3A_21 {dimension_numbers = #tpu.dot_dimension_numbers<[1], [0], [0], [1], [0, 0, 1, 1], [], []>, transpose_lhs_hint = false} : vector<2000x64xf32>, vector<64x64xf32>, vector<2000x64xf32> -> vector<2000x64xf32>
    %slice3A = vector.extract_strided_slice %dot_general3A_17 {offsets = [0, 0], sizes = [2000, 32], strides = [1, 1]} : vector<2000x64xf32> to vector<2000x32xf32>
    %swap3A = arith.constant 0 : index
    %swap3A_23 = arith.constant 0 : index
    %swap3A_24 = arith.constant 0 : index
    %swap3A_25 = vector.load %arg6[%swap3A, %swap3A_23, %swap3A_24] : memref<2x2000x32xf32, #tpu.memory_space<vmem>>, vector<1x2000x32xf32>
    %swap3A_26 = vector.shape_cast %swap3A_25 : vector<1x2000x32xf32> to vector<2000x32xf32>
    %swap3A_27 = vector.shape_cast %slice3A : vector<2000x32xf32> to vector<1x2000x32xf32>
    tpu.vector_store %arg6[%swap3A, %swap3A_23, %swap3A_24], %swap3A_27 {strides = array<i32>} : memref<2x2000x32xf32, #tpu.memory_space<vmem>>, vector<1x2000x32xf32>,
    %slice3A_28 = vector.extract_strided_slice %dot_general3A_17 {offsets = [0, 32], sizes = [2000, 32], strides = [1, 1]} : vector<2000x64xf32> to vector<2000x32xf32>
    %swap3A_29 = arith.constant 1 : index
    %swap3A_30 = arith.constant 0 : index
    %swap3A_31 = arith.constant 0 : index
    %swap3A_32 = vector.load %arg6[%swap3A_29, %swap3A_30, %swap3A_31] : memref<2x2000x32xf32, #tpu.memory_space<vmem>>, vector<1x2000x32xf32>
    %swap3A_33 = vector.shape_cast %swap3A_32 : vector<1x2000x32xf32> to vector<2000x32xf32>
    %swap3A_34 = vector.shape_cast %slice3A_28 : vector<2000x32xf32> to vector<1x2000x32xf32>
    tpu.vector_store %arg6[%swap3A_29, %swap3A_30, %swap3A_31], %swap3A_34 {strides = array<i32>} : memref<2x2000x32xf32, #tpu.memory_space<vmem>>, vector<1x2000x32xf32>,
    %get3A_35 = arith.constant 0 : index
    %get3A_36 = arith.constant 0 : index
    %get3A_37 = vector.load %arg5[%get3A_35, %get3A_36] : memref<1x64xf32, #tpu.memory_space<vmem>>, vector<1x64xf32>
    %add3A_38 = vector.broadcast %get3A_37 : vector<1x64xf32> to vector<2000x64xf32>
    %add3A_39 = arith.addf %dot_general3A_22, %add3A_38 : vector<2000x64xf32>
    %swap3A_40 = arith.constant 0 : index
    %swap3A_41 = arith.constant 0 : index
    %swap3A_42 = vector.load %arg7[%swap3A_40, %swap3A_41] : memref<2000x64xf32, #tpu.memory_space<vmem>>, vector<2000x64xf32>
    tpu.vector_store %arg7[%swap3A_40, %swap3A_41], %add3A_39 {strides = array<i32>} : memref<2000x64xf32, #tpu.memory_space<vmem>>, vector<2000x64xf32>,
    return
  }
  func.func @transform_0(%arg0: i32) -> (i32, i32, i32) {
    %c0_i32 = arith.constant 0 : i32
    %c0_i32_0 = arith.constant 0 : i32
    %c0_i32_1 = arith.constant 0 : i32
    return %c0_i32, %arg0, %c0_i32_0 : i32, i32, i32
  }
  func.func @transform_1(%arg0: i32) -> (i32, i32) {
    %c0_i32 = arith.constant 0 : i32
    %c0_i32_0 = arith.constant 0 : i32
    return %arg0, %c0_i32 : i32, i32
  }
  func.func @transform_2(%arg0: i32) -> (i32, i32) {
    %c0_i32 = arith.constant 0 : i32
    %c0_i32_0 = arith.constant 0 : i32
    %c0_i32_1 = arith.constant 0 : i32
    return %c0_i32, %c0_i32_0 : i32, i32
  }
  func.func @transform_3(%arg0: i32) -> (i32, i32) {
    %c0_i32 = arith.constant 0 : i32
    %c0_i32_0 = arith.constant 0 : i32
    %c0_i32_1 = arith.constant 0 : i32
    return %c0_i32, %c0_i32_0 : i32, i32
  }
  func.func @transform_4(%arg0: i32) -> (i32, i32) {
    %c0_i32 = arith.constant 0 : i32
    %c0_i32_0 = arith.constant 0 : i32
    %c0_i32_1 = arith.constant 0 : i32
    return %c0_i32, %c0_i32_0 : i32, i32
  }
  func.func @transform_5(%arg0: i32) -> (i32, i32, i32) {
    %c0_i32 = arith.constant 0 : i32
    %c0_i32_0 = arith.constant 0 : i32
    %c0_i32_1 = arith.constant 0 : i32
    return %c0_i32, %arg0, %c0_i32_0 : i32, i32, i32
  }
  func.func @transform_6(%arg0: i32) -> (i32, i32) {
    %c0_i32 = arith.constant 0 : i32
    %c0_i32_0 = arith.constant 0 : i32
    return %arg0, %c0_i32 : i32, i32
  }
}

module attributes {stable_mosaic.version = 14 : i64} {
  func.func @body(%arg0: i32, %arg1: memref<2x2000x32xf32, #tpu.memory_space<vmem>>, %arg2: memref<2000x64xf32, #tpu.memory_space<vmem>>, %arg3: memref<1x1x2000xi32, #tpu.memory_space<vmem>>, %arg4: memref<64x2xf32, #tpu.memory_space<vmem>>, %arg5: memref<1x2xf32, #tpu.memory_space<vmem>>, %arg6: memref<512x2xf32, #tpu.memory_space<vmem>>, %arg7: memref<512x64xf32, #tpu.memory_space<vmem>>, %arg8: memref<512x1xf32, #tpu.memory_space<vmem>>) attributes {dimension_semantics = [#tpu.dimension_semantics<arbitrary>], iteration_bounds = array<i64: 25>, scalar_prefetch = 0 : i64, scratch_operands = 2 : i64, tpu.core_type = #tpu.core_type<tc>, window_params = [{transform_indices = @transform_0, window_bounds = array<i64: 2, 2000, 32>}, {transform_indices = @transform_1, window_bounds = array<i64: 2000, 64>}, {transform_indices = @transform_2, window_bounds = array<i64: 1, 1, 2000>}, {pipeline_mode = #tpu.pipeline_mode<synchronous>, transform_indices = @transform_3, window_bounds = array<i64: 64, 2>}, {pipeline_mode = #tpu.pipeline_mode<synchronous>, transform_indices = @transform_4, window_bounds = array<i64: 1, 2>}, {pipeline_mode = #tpu.pipeline_mode<synchronous>, transform_indices = @transform_5, window_bounds = array<i64: 512, 2>}]} {
    %eq3A = arith.constant 0 : i32
    %eq3A_0 = arith.cmpi eq, %arg0, %eq3A : i32
    %convert_element_type3A = arith.extui %eq3A_0 : i1 to i32
    %cond3A = arith.constant 0 : i32
    %cond3A_1 = arith.cmpi ne, %convert_element_type3A, %cond3A : i32
    scf.if %cond3A_1 {
      %broadcast_in_dim3A_45 = arith.constant 0.000000e+00 : f32
      %broadcast_in_dim3A_46 = vector.broadcast %broadcast_in_dim3A_45 : f32 to vector<512x64xf32>
      %swap3A_47 = arith.constant 0 : index
      %swap3A_48 = arith.constant 0 : index
      %swap3A_49 = vector.load %arg7[%swap3A_47, %swap3A_48] : memref<512x64xf32, #tpu.memory_space<vmem>>, vector<512x64xf32>
      tpu.vector_store %arg7[%swap3A_47, %swap3A_48], %broadcast_in_dim3A_46 {strides = array<i32>} : memref<512x64xf32, #tpu.memory_space<vmem>>, vector<512x64xf32>,
      %broadcast_in_dim3A_50 = arith.constant 0.000000e+00 : f32
      %broadcast_in_dim3A_51 = vector.broadcast %broadcast_in_dim3A_50 : f32 to vector<512x1xf32>
      %swap3A_52 = arith.constant 0 : index
      %swap3A_53 = arith.constant 0 : index
      %swap3A_54 = vector.load %arg8[%swap3A_52, %swap3A_53] : memref<512x1xf32, #tpu.memory_space<vmem>>, vector<512x1xf32>
      tpu.vector_store %arg8[%swap3A_52, %swap3A_53], %broadcast_in_dim3A_51 {strides = array<i32>} : memref<512x1xf32, #tpu.memory_space<vmem>>, vector<512x1xf32>,
    } else {
    }
    %get3A = arith.constant 0 : index
    %get3A_2 = arith.constant 0 : index
    %get3A_3 = arith.constant 0 : index
    %get3A_4 = vector.load %arg1[%get3A, %get3A_2, %get3A_3] : memref<2x2000x32xf32, #tpu.memory_space<vmem>>, vector<1x2000x32xf32>
    %get3A_5 = vector.shape_cast %get3A_4 : vector<1x2000x32xf32> to vector<2000x32xf32>
    %get3A_6 = arith.constant 1 : index
    %get3A_7 = arith.constant 0 : index
    %get3A_8 = arith.constant 0 : index
    %get3A_9 = vector.load %arg1[%get3A_6, %get3A_7, %get3A_8] : memref<2x2000x32xf32, #tpu.memory_space<vmem>>, vector<1x2000x32xf32>
    %get3A_10 = vector.shape_cast %get3A_9 : vector<1x2000x32xf32> to vector<2000x32xf32>
    %concatenate3A = tpu.concatenate %get3A_5, %get3A_10 in 1 : vector<2000x32xf32>, vector<2000x32xf32> -> vector<2000x64xf32>
    %get3A_11 = arith.constant 0 : index
    %get3A_12 = arith.constant 0 : index
    %get3A_13 = vector.load %arg2[%get3A_11, %get3A_12] : memref<2000x64xf32, #tpu.memory_space<vmem>>, vector<2000x64xf32>
    %add3A = arith.addf %concatenate3A, %get3A_13 : vector<2000x64xf32>
    %get3A_14 = arith.constant 0 : index
    %get3A_15 = arith.constant 0 : index
    %get3A_16 = arith.constant 0 : index
    %get3A_17 = vector.load %arg3[%get3A_14, %get3A_15, %get3A_16] : memref<1x1x2000xi32, #tpu.memory_space<vmem>>, vector<1x1x2000xi32>
    %get3A_18 = vector.shape_cast %get3A_17 : vector<1x1x2000xi32> to vector<2000xi32>
    %broadcast_in_dim3A = vector.shape_cast %get3A_18 : vector<2000xi32> to vector<1x2000xi32>
    %iota3A = tpu.iota {dimensions = array<i32: 0>} : vector<512x1xi32>
    %eq3A_19 = vector.broadcast %broadcast_in_dim3A : vector<1x2000xi32> to vector<512x2000xi32>
    %eq3A_20 = vector.broadcast %iota3A : vector<512x1xi32> to vector<512x2000xi32>
    %eq3A_21 = arith.cmpi eq, %eq3A_19, %eq3A_20 : vector<512x2000xi32>
    %convert_element_type3A_22 = arith.extui %eq3A_21 : vector<512x2000xi1> to vector<512x2000xi32>
    %convert_element_type3A_23 = arith.sitofp %convert_element_type3A_22 : vector<512x2000xi32> to vector<512x2000xf32>
    %get3A_24 = arith.constant 0 : index
    %get3A_25 = arith.constant 0 : index
    %get3A_26 = vector.load %arg7[%get3A_24, %get3A_25] : memref<512x64xf32, #tpu.memory_space<vmem>>, vector<512x64xf32>
    %dot_general3A = arith.constant dense<0.000000e+00> : vector<512x64xf32>
    %dot_general3A_27 = tpu.matmul %convert_element_type3A_23, %add3A, %dot_general3A {dimension_numbers = #tpu.dot_dimension_numbers<[1], [0], [0], [1], [0, 0, 1, 1], [], []>, transpose_lhs_hint = false} : vector<512x2000xf32>, vector<2000x64xf32>, vector<512x64xf32> -> vector<512x64xf32>
    %add3A_28 = arith.addf %get3A_26, %dot_general3A_27 : vector<512x64xf32>
    %swap3A = arith.constant 0 : index
    %swap3A_29 = arith.constant 0 : index
    %swap3A_30 = vector.load %arg7[%swap3A, %swap3A_29] : memref<512x64xf32, #tpu.memory_space<vmem>>, vector<512x64xf32>
    tpu.vector_store %arg7[%swap3A, %swap3A_29], %add3A_28 {strides = array<i32>} : memref<512x64xf32, #tpu.memory_space<vmem>>, vector<512x64xf32>,
    %get3A_31 = arith.constant 0 : index
    %get3A_32 = arith.constant 0 : index
    %get3A_33 = vector.load %arg8[%get3A_31, %get3A_32] : memref<512x1xf32, #tpu.memory_space<vmem>>, vector<512x1xf32>
    %reduce_sum3A = arith.constant dense<0.000000e+00> : vector<512xf32>
    %reduce_sum3A_34 = vector.multi_reduction <add>, %convert_element_type3A_23, %reduce_sum3A [1] : vector<512x2000xf32> to vector<512xf32>
    %broadcast_in_dim3A_35 = vector.shape_cast %reduce_sum3A_34 : vector<512xf32> to vector<512x1xf32>
    %add3A_36 = arith.addf %get3A_33, %broadcast_in_dim3A_35 : vector<512x1xf32>
    %swap3A_37 = arith.constant 0 : index
    %swap3A_38 = arith.constant 0 : index
    %swap3A_39 = vector.load %arg8[%swap3A_37, %swap3A_38] : memref<512x1xf32, #tpu.memory_space<vmem>>, vector<512x1xf32>
    tpu.vector_store %arg8[%swap3A_37, %swap3A_38], %add3A_36 {strides = array<i32>} : memref<512x1xf32, #tpu.memory_space<vmem>>, vector<512x1xf32>,
    %eq3A_40 = arith.constant 24 : i32
    %eq3A_41 = arith.cmpi eq, %arg0, %eq3A_40 : i32
    %convert_element_type3A_42 = arith.extui %eq3A_41 : i1 to i32
    %cond3A_43 = arith.constant 0 : i32
    %cond3A_44 = arith.cmpi ne, %convert_element_type3A_42, %cond3A_43 : i32
    scf.if %cond3A_44 {
      %get3A_45 = arith.constant 0 : index
      %get3A_46 = arith.constant 0 : index
      %get3A_47 = vector.load %arg7[%get3A_45, %get3A_46] : memref<512x64xf32, #tpu.memory_space<vmem>>, vector<512x64xf32>
      %get3A_48 = arith.constant 0 : index
      %get3A_49 = arith.constant 0 : index
      %get3A_50 = vector.load %arg8[%get3A_48, %get3A_49] : memref<512x1xf32, #tpu.memory_space<vmem>>, vector<512x1xf32>
      %max3A = arith.constant 1.000000e+00 : f32
      %max3A_51 = vector.broadcast %max3A : f32 to vector<512x1xf32>
      %max3A_52 = arith.maximumf %get3A_50, %max3A_51 : vector<512x1xf32>
      %div3A = vector.broadcast %max3A_52 : vector<512x1xf32> to vector<512x64xf32>
      %div3A_53 = arith.divf %get3A_47, %div3A : vector<512x64xf32>
      %get3A_54 = arith.constant 0 : index
      %get3A_55 = arith.constant 0 : index
      %get3A_56 = vector.load %arg4[%get3A_54, %get3A_55] : memref<64x2xf32, #tpu.memory_space<vmem>>, vector<64x2xf32>
      %dot_general3A_57 = arith.constant dense<0.000000e+00> : vector<512x2xf32>
      %dot_general3A_58 = tpu.matmul %div3A_53, %get3A_56, %dot_general3A_57 {dimension_numbers = #tpu.dot_dimension_numbers<[1], [0], [0], [1], [0, 0, 1, 1], [], []>, transpose_lhs_hint = false} : vector<512x64xf32>, vector<64x2xf32>, vector<512x2xf32> -> vector<512x2xf32>
      %get3A_59 = arith.constant 0 : index
      %get3A_60 = arith.constant 0 : index
      %get3A_61 = vector.load %arg5[%get3A_59, %get3A_60] : memref<1x2xf32, #tpu.memory_space<vmem>>, vector<1x2xf32>
      %add3A_62 = vector.broadcast %get3A_61 : vector<1x2xf32> to vector<512x2xf32>
      %add3A_63 = arith.addf %dot_general3A_58, %add3A_62 : vector<512x2xf32>
      %swap3A_64 = arith.constant 0 : index
      %swap3A_65 = arith.constant 0 : index
      %swap3A_66 = vector.load %arg6[%swap3A_64, %swap3A_65] : memref<512x2xf32, #tpu.memory_space<vmem>>, vector<512x2xf32>
      tpu.vector_store %arg6[%swap3A_64, %swap3A_65], %add3A_63 {strides = array<i32>} : memref<512x2xf32, #tpu.memory_space<vmem>>, vector<512x2xf32>,
    } else {
    }
    return
  }
  func.func @transform_0(%arg0: i32) -> (i32, i32, i32) {
    %c0_i32 = arith.constant 0 : i32
    %c0_i32_0 = arith.constant 0 : i32
    %c0_i32_1 = arith.constant 0 : i32
    return %c0_i32, %arg0, %c0_i32_0 : i32, i32, i32
  }
  func.func @transform_1(%arg0: i32) -> (i32, i32) {
    %c0_i32 = arith.constant 0 : i32
    %c0_i32_0 = arith.constant 0 : i32
    return %arg0, %c0_i32 : i32, i32
  }
  func.func @transform_2(%arg0: i32) -> (i32, i32, i32) {
    %c0_i32 = arith.constant 0 : i32
    %c0_i32_0 = arith.constant 0 : i32
    %c0_i32_1 = arith.constant 0 : i32
    return %arg0, %c0_i32, %c0_i32_0 : i32, i32, i32
  }
  func.func @transform_3(%arg0: i32) -> (i32, i32) {
    %c0_i32 = arith.constant 0 : i32
    %c0_i32_0 = arith.constant 0 : i32
    %c0_i32_1 = arith.constant 0 : i32
    return %c0_i32, %c0_i32_0 : i32, i32
  }
  func.func @transform_4(%arg0: i32) -> (i32, i32) {
    %c0_i32 = arith.constant 0 : i32
    %c0_i32_0 = arith.constant 0 : i32
    %c0_i32_1 = arith.constant 0 : i32
    return %c0_i32, %c0_i32_0 : i32, i32
  }
  func.func @transform_5(%arg0: i32) -> (i32, i32) {
    %c0_i32 = arith.constant 0 : i32
    %c0_i32_0 = arith.constant 0 : i32
    %c0_i32_1 = arith.constant 0 : i32
    return %c0_i32, %c0_i32_0 : i32, i32
  }
}

</mosaic_0001>

<sc_bundles>
// kernel: kernel.12.cloned.1.call-start
scs
__scs_entry_jumppad:
0x0: {  	(pc) =	sbr.rel $0x88, $3  }
0x1: {  	(tag) =	ssettag $0x0;
	lr =	simm.s32 $0x1  }
0x2: {  	[smem:$0x3F93] =	sst lr;
	_ =	strace $0xD0000000  }
0x3: {  	_ = 	snop  }
0x4: {  	_ = 	snop  }
0x5: {  	_ = 	snop  }
0x6: {  	_ = 	snop  }
0x7: {  	_ = 	snop  }
__scs_overlays_trampoline_lowered:
0x8: {  	[smem:$0x3FA2] =	sst s0  }
0x9: {  	[smem:$0x3FA3] =	sst s1  }
0xa: {  	[smem:$0x3FA4] =	sst s2  }
0xb: {  	[smem:$0x3FA5] =	sst s3  }
0xc: {  	[smem:$0x3FA6] =	sst s4  }
0xd: {  	[smem:$0x3FA7] =	sst s5  }
0xe: {  	[smem:$0x3FA8] =	sst s6  }
0xf: {  	[smem:$0x3FA9] =	sst s7  }
0x10: {  	[smem:$0x3FAA] =	sst s8  }
0x11: {  	[smem:$0x3FAB] =	sst s9;
	s0 =	simm.s32 @!p0 $0x0  }
0x12: {  	s1 =	sld [smem:$0x3F91];
	s0 =	simm.s32 @p0 $0x1  }
0x13: {  	[smem:$0x3FAC] =	sst s0;
	s0 =	simm.s32 @!p1 $0x0  }
0x14: {  	s2 =	sld [smem:$0x3F90];
	s0 =	simm.s32 @p1 $0x1  }
0x15: {  	[smem:$0x3FAD] =	sst s0;
	s0 =	simm.s32 @!p2 $0x0  }
0x16: {  	s3 =	sld [smem:$0x3FDB];
	s0 =	simm.s32 @p2 $0x1  }
0x17: {  	s4 =	simm.s32 $0x1BF5;
	[smem:$0x3FAF] =	sst s0  }
0x18: {  	s0 =	sld [smem:$0x3F92];
	_ =	swait.ge [sflag:s4], $0x0  }
0x19: {  	s7 =	sld [smem:$0x3F93]  }
0x1a: {  	s8 =	sadd.s32 $0xFFFFE003, lr  }
0x1b: {  	s9 =	sadd.s32 $0xFFFFFEF7, lr;
	s5 =	simm.s32 $0xFFFFFFFF;
	p2 =	slt.u32 s8, $0xFFFFF086  }
0x1c: {  	p1 =	slt.u32 s9, $0xF7A;
	s5 =	simm.s32 @!p2 $0x0  }
0x1d: {  	s5 =	simm.s32 @p1 $0x1;
	p0 =	seq.s32 s7, s2  }
0x1e: {  	s7 =	smul.u32 @!p0 $0xF7A, s2;
	p2 =	seq.s32 @!p0 s5, $0x0  }
0x1f: {  	s9 =	smul.u32 $0xF7A, s1;
	s8 =	simm.s32 @!p0 $0x1BF5;
	p2 =	por !p2, p0  }
0x20: {  	[sflag:s8] =	ssyncset.s32 @!p0 $0xFFFFF086;
	s6 =	sadd.s32 @!p0 s3, s7;
	s7 =	simm.s32 @!p0 $0x108  }
0x21: {  	s3 =	sadd.s32 s3, s9;
	s6 =	sadd.s32 @!p0 $0x88, s6;
	s7 =	simm.s32 @p2 $0x1082  }
0x22: {  	[simem:s7], [sflag:s8] =	dma.local @!p0 [hbm:s6], $0xF7A  }
0x23: {  	s9 =	sor.u32 $0xD0000000, s2;
	s6 =	simm.s32 $0x108;
	_ =	swait.ge @!p0 [sflag:s8], $0x0  }
0x24: {  	s3 =	sadd.s32 $0x88, s3;
	s6 =	simm.s32 @!p1 $0x1082;
	[sflag:s4] =	ssyncset.s32 $0xFFFFF086  }
0x25: {  	[simem:s6], [sflag:s4] =	dma.local [hbm:s3], $0xF7A  }
0x26: {  	[smem:$0x3F93] =	sst s1;
	(tag) =	ssettag s2;
	_ =	strace s9  }
0x27: {  	s1 =	sld [smem:$0x3FA3]  }
0x28: {  	s2 =	sld [smem:$0x3FA4]  }
0x29: {  	s4 =	sld [smem:$0x3FA6]  }
0x2a: {  	p0 =	seq.s32 s5, $0x0;
	s5 =	sld [smem:$0x3FA7]  }
0x2b: {  	s6 =	sld [smem:$0x3FA8]  }
0x2c: {  	s7 =	sld [smem:$0x3FA9]  }
0x2d: {  	s3 =	simm.s32 $0x108;
	s8 =	sld [smem:$0x3FAA]  }
0x2e: {  	s3 =	simm.s32 @!p0 $0x1082;
	s9 =	sld [smem:$0x3FAB]  }
0x2f: {  	lr =	sadd.s32 s0, s3;
	s0 =	sld [smem:$0x3FA2]  }
0x30: {  	s3 =	sld [smem:$0x3FA5]  }
0x31: {  	[smem:$0x3FAE] =	sst s10  }
0x32: {  	s10 =	sld [smem:$0x3FAC];
	_ =	sdelay $0x3  }
0x33: {  	p0 =	seq.s32 s10, $0x1;
	s10 =	sld [smem:$0x3FAE];
	_ =	sdelay $0x3  }
0x34: {  	[smem:$0x3FAE] =	sst s10  }
0x35: {  	s10 =	sld [smem:$0x3FAD];
	_ =	sdelay $0x3  }
0x36: {  	p1 =	seq.s32 s10, $0x1;
	s10 =	sld [smem:$0x3FAE];
	_ =	sdelay $0x3  }
0x37: {  	[smem:$0x3FAE] =	sst s10  }
0x38: {  	s10 =	sld [smem:$0x3FAF]  }
0x39: {  	_ = 	snop;
	(pc) =	sbr.ind lr, $3  }
0x3a: {  	_ = 	snop  }
0x3b: {  	_ = 	snop  }
0x3c: {  	p2 =	seq.s32 s10, $0x1;
	s10 =	sld [smem:$0x3FAE]  }
0x3d: {  	_ =	shalt  }
0x3e: {  	_ =	shalt  }
0x3f: {  	_ =	shalt  }
0x40: {  	_ =	shalt  }
0x41: {  	_ =	shalt  }
0x42: {  	_ =	shalt  }
0x43: {  	_ =	shalt  }
0x44: {  	_ =	shalt  }
0x45: {  	_ =	shalt  }
0x46: {  	_ =	shalt  }
0x47: {  	_ =	shalt  }
0x48: {  	_ =	shalt  }
0x49: {  	_ =	shalt  }
0x4a: {  	_ =	shalt  }
0x4b: {  	_ =	shalt  }
0x4c: {  	_ =	shalt  }
0x4d: {  	_ =	shalt  }
0x4e: {  	_ =	shalt  }
0x4f: {  	_ =	shalt  }
0x50: {  	_ =	shalt  }
0x51: {  	_ =	shalt  }
0x52: {  	_ =	shalt  }
0x53: {  	_ =	shalt  }
0x54: {  	_ =	shalt  }
0x55: {  	_ =	shalt  }
0x56: {  	_ =	shalt  }
0x57: {  	_ =	shalt  }
0x58: {  	_ =	shalt  }
0x59: {  	_ =	shalt  }
0x5a: {  	_ =	shalt  }
0x5b: {  	_ =	shalt  }
0x5c: {  	_ =	shalt  }
0x5d: {  	_ =	shalt  }
0x5e: {  	_ =	shalt  }
0x5f: {  	_ =	shalt  }
0x60: {  	_ =	shalt  }
0x61: {  	_ =	shalt  }
0x62: {  	_ =	shalt  }
0x63: {  	_ =	shalt  }
0x64: {  	_ =	shalt  }
0x65: {  	_ =	shalt  }
0x66: {  	_ =	shalt  }
0x67: {  	_ =	shalt  }
0x68: {  	_ =	shalt  }
0x69: {  	_ =	shalt  }
0x6a: {  	_ =	shalt  }
0x6b: {  	_ =	shalt  }
0x6c: {  	_ =	shalt  }
0x6d: {  	_ =	shalt  }
0x6e: {  	_ =	shalt  }
0x6f: {  	_ =	shalt  }
0x70: {  	_ =	shalt  }
0x71: {  	_ =	shalt  }
0x72: {  	_ =	shalt  }
0x73: {  	_ =	shalt  }
0x74: {  	_ =	shalt  }
0x75: {  	_ =	shalt  }
0x76: {  	_ =	shalt  }
0x77: {  	_ =	shalt  }
0x78: {  	_ =	shalt  }
0x79: {  	_ =	shalt  }
0x7a: {  	_ =	shalt  }
0x7b: {  	_ =	shalt  }
0x7c: {  	_ =	shalt  }
0x7d: {  	_ =	shalt  }
0x7e: {  	_ =	shalt  }
0x7f: {  	_ =	shalt  }
0x80: {  	_ =	shalt  }
0x81: {  	_ =	shalt  }
0x82: {  	_ =	shalt  }
0x83: {  	_ =	shalt  }
0x84: {  	_ =	shalt  }
0x85: {  	_ =	shalt  }
0x86: {  	_ =	shalt  }
0x87: {  	_ =	shalt  }
.Lfunc_end0:
.L_simem_size_0:
called_computation.1_lowered:
.L_overlay_start_0:
0x88: {  	s2 =	sld [smem:$0x3FD9]  }
0x89: {  	s3 =	sld [smem:$0x3FFE];
	_ =	sdelay $0x1  }
0x8a: {  	s1 =	srdreg.scid  }
0x8b: {  	s0 =	sand.u32 $0x1, s1  }
0x8c: {  	s16 =	sshll.u32 s0, $0xA;
	s2 =	sadd.s32 s3, s2  }
0x8d: {  	s2 =	sadd.s32 s2, s16  }
0x8e: {  	[smem:$0x3FBA] =	sst s2  }
0x8f: {  	_ = 	snop  }
0x90: {  	(tm) =	ssettm $0x1  }
0x91: {  	s17 =	sld [smem:$0x3FFB];
	_ =	sdelay $0x3  }
0x92: {  	_ =	strace s17  }
0x93: {  	s2 =	sld [smem:$0x3FFC];
	_ =	sdelay $0x3  }
0x94: {  	_ =	strace s2  }
0x95: {  	s2 =	sld [smem:$0x3FFD];
	_ =	sdelay $0x3  }
0x96: {  	_ =	strace s2  }
0x97: {  	_ =	strace $0x8FFFFFFF  }
0x98: {  	s18 =	sld [smem:$0x3FDB];
	_ =	sdelay $0x1  }
0x99: {  	s19 =	simm.s32 $_scs_section_size  }
0x9a: {  	s4 =	simm.s32 $_size__tile_overlayer_lowered;
	s5 =	simm.s32 $_tile_overlayer_lowered  }
0x9b: {  	s22 =	simm.s32 $0x1BFF;
	s21 =	sshll.u32 s5, $0x1;
	s2 =	sadd.s32 s19, s18  }
0x9c: {  	s6 =	simm.s32 $0x0;
	s20 =	sshll.u32 s4, $0x1;
	s4 =	sadd.s32 s21, s2  }
0x9d: {  	[timem:s6], [sflag:s22] =	dma.local [hbm:s4], s20  }
0x9e: {  	_ =	swait.ge [sflag:s22], s20  }
0x9f: {  	s3 =	ssub.s32 $0x0, s20;
	[sflag:s22] =	ssyncset.done $0x0  }
0xa0: {  	[sflag:s22] =	ssyncadd.s32 s3;
	_ =	sdelay $0x1  }
0xa1: {  	s23 =	simm.s32 $0x1B8B  }
0xa2: {  	_ =	swait.ge [sflag:s23], $0x1  }
0xa3: {  	[sflag:s23] =	ssyncset.done $0x0  }
0xa4: {  	s25 =	simm.s32 $0x1B8E;
	s24 =	sld [smem:$0x3FFE];
	[sflag:s23] =	ssyncadd.s32 $0xFFFFFFFF  }
0xa5: {  	s26 =	simm.s32 $execute0_lowered;
	[smem:$0x3FD2] =	sst s25  }
0xa6: {  	s4 =	sshll.u32 s26, $0x1;
	_ =	strace $0x80000049;
	[dreg:$0x1] =	wrdreg $0xFFFFFFFF  }
0xa7: {  	s28 =	simm.s32 $_size_execute0_lowered;
	s2 =	sadd.s32 s2, s4;
	[dreg:$0x0] =	wrdreg $0x0  }
0xa8: {  	s4 =	sshll.u32 s28, $0x1;
	[dreg:$0x2] =	wrdreg s2  }
0xa9: {  	[dreg:$0x3] =	wrdreg s4  }
0xaa: {  	[dreg:$0x4] =	wrdreg $0xC0  }
0xab: {  	_ =	task [dreg:s6], $0x5FFFF  }
0xac: {  	[dreg:$0x1] =	wrdreg $0xFFFFFFFF  }
0xad: {  	[dreg:$0x0] =	wrdreg $0x60  }
0xae: {  	[dreg:$0x2] =	wrdreg s24  }
0xaf: {  	[dreg:$0x3] =	wrdreg $0x42800  }
0xb0: {  	[dreg:$0x4] =	wrdreg $0x9  }
0xb1: {  	_ =	task.clear_ibuf [dreg:s6], $0x5FFFF;
	_ =	strace $0x90000049  }
0xb2: {  	s29 =	simm.s32 $0x9;
	_ =	strace $0x8000004B  }
0xb3: {  	_ =	swait.ge [sflag:s29], $0x1  }
0xb4: {  	[sflag:s29] =	ssyncadd.s32 $0xFFFFFFFF  }
0xb5: {  	_ =	strace $0x9000004B  }
0xb6: {  	_ =	sfence  }
0xb7: {  	s30 =	sld [smem:$0x0];
	_ =	sdelay $0x2  }
0xb8: {  	s31 =	sshll.u32 s1, $0xD;
	s1 =	sshrl.u32 s1, $0x2  }
0xb9: {  	s3 =	sand.u32 $0x4000, s31;
	s1 =	sadd.s32 s1, s30  }
0xba: {  	s0 =	sor.u32 s3, s0;
	s1 =	sshll.u32 s1, $0x11  }
0xbb: {  	s0 =	sor.u32 s1, s0  }
0xbc: {  	s0 =	sadd.s32 $0x8F2B, s0  }
0xbd: {  	[sflag:s0] =	ssyncadd.remote.s32 $0x1  }
0xbe: {  	_ =	sfence.sel $0xFFFF  }
0xbf: {  	[dreg:$0x0] =	wrdreg $0xFFFFFFFF;
	(pc) =	sbr.abs _section_cstart, $3  }
0xc0: {  	[dreg:$0x1] =	wrdreg $0xFFFFFFFF  }
0xc1: {  	_ =	task.clear_ibuf [dreg:s6], $0x2FFFF;
	_ =	strace $0x9FFFFFFF  }
0xc2: {  	(tm) =	ssettm $0x7FFFFFFF  }
0xc3: {  	_ =	shalt  }
tec
execute0_lowered:
.L_overlay_start_1:
0x0: {  	(tag) =	ssettag $0x1  }
0x1: {  	s14 =	stileid.u32  }
0x2: {  	s3 =	srdreg.scid;
	s7 =	smul.u32 $0x1900, s14  }
0x3: {  	s3 =	sand.u32 $0x1, s3;
	s9 =	smul.u32 $0x1F400, s14  }
0x4: {  	s0 =	rddreg [dreg:$0x0];
	s10 =	sor.u32 $0x10, s14;
	s4 =	smul.u32 $0x30D40, s3  }
0x5: {  	s1 =	rddreg [dreg:$0x1];
	s11 =	sor.u32 $0x20, s14;
	s20 =	smul.u32 $0x1F400, s10  }
0x6: {  	s2 =	simm.s32 $0x0;
	s12 =	sor.u32 $0x30, s14;
	s21 =	smul.u32 $0x1F400, s11  }
0x7: {  	[smem:$0x7FF] =	sst s2;
	s13 =	smul.u32 $0x1F400, s12  }
0x8: {  	s6 =	sadd.s32 $0x3600, s0;
	s8 =	sadd.s32 $0x1C600, s0;
	s23 =	smul.u32 $0x7D00, s10  }
0x9: {  	_ =	strace $0x8000004A;
	s3 =	ssub.s32 $0x2, s3;
	s25 =	smul.u32 $0x7D00, s11  }
0xa: {  	s28 =	smul.u32 $0x7D00, s12;
	p0 =	sgt.u32 s12, $0x31;
	s10 =	simm.s32 $0x6  }
0xb: {  	s19 =	sshrl.u32 s3, $0x1;
	s5 =	sadd.s32 s8, s7;
	s9 =	sshrl.u32 s9, $0x2  }
0xc: {  	s0 =	sadd.s32 s4, s0;
	s3 =	ssub.s32 s3, s19;
	s4 =	sadd.s32 s6, s7  }
0xd: {  	s7 =	sor.u32 $0x20, s7;
	s15 =	sadd.s32 s9, s1;
	s9 =	smul.u32 $0x7D00, s14  }
0xe: {  	s30 =	sshrl.u32 s23, $0x3;
	s6 =	sadd.s32 s6, s7;
	[dreg:$0x5] =	wrdreg s15  }
0xf: {  	s31 =	sshrl.u32 s25, $0x3;
	s7 =	sadd.s32 s8, s7;
	[dreg:$0x3] =	wrdreg s6  }
0x10: {  	s12 =	sshrl.u32 s28, $0x3;
	s3 =	smax.u32 s3, $0x1;
	[dreg:$0x4] =	wrdreg s7  }
0x11: {  	s14 =	simm.s32 $0x380;
	s22 =	sadd.s32 $0x1F40, s15;
	[dreg:$0x6] =	wrdreg s3  }
0x12: {  	s8 =	sadd.s32 $0x27F600, s0;
	s24 =	sadd.s32 $0x3E80, s15;
	[dreg:$0x7] =	wrdreg s22  }
0x13: {  	s0 =	sadd.s32 $0x35600, s0;
	s26 =	sadd.s32 $0x5DC0, s15;
	[dreg:$0x8] =	wrdreg s24  }
0x14: {  	s15 =	simm.s32 $0x300;
	s6 =	sshrl.u32 s20, $0x2;
	[dreg:$0x9] =	wrdreg s26  }
0x15: {  	s29 =	sshrl.u32 s9, $0x3;
	s17 =	sadd.s32 s30, s0;
	s18 =	sadd.s32 s31, s0  }
0x16: {  	s20 =	sshrl.u32 s21, $0x2;
	s21 =	sshrl.u32 s13, $0x2;
	s22 =	sadd.s32 s9, s1  }
0x17: {  	s3 =	sadd.s32 s23, s1;
	s23 =	sadd.s32 s25, s1;
	s7 =	simm.s32 $0x400  }
0x18: {  	s13 =	simm.s32 $0x200;
	s9 =	simm.s32 $0x2340;
	[dreg:$0xc] =	wrdreg s17  }
0x19: {  	s16 =	sadd.s32 s6, s1;
	s11 =	sadd.s32 s29, s0;
	[dreg:$0xd] =	wrdreg s18  }
0x1a: {  	s0 =	sadd.s32 @!p0 s12, s0;
	s20 =	sadd.s32 s20, s1;
	s21 =	sadd.s32 s21, s1  }
0x1b: {  	s6 =	sadd.s32 s28, s1;
	s24 =	sshrl.u32 s3, $0x3;
	[dreg:$0xb] =	wrdreg s11  }
0x1c: {  	s25 =	sshrl.u32 s23, $0x3;
	s12 =	simm.s32 $0x100;
	[dreg:$0xe] =	wrdreg s0  }
0x1d: {  	s17 =	simm.s32 $0x7D;
	s18 =	simm.s32 $0x13A0;
	[dreg:$0x11] =	wrdreg s24  }
0x1e: {  	s23 =	simm.s32 $0x32E0;
	s19 =	sadd.s32 $0x1F40, s16;
	[dreg:$0x12] =	wrdreg s25  }
0x1f: {  	s0 =	sshrl.u32 s22, $0x3;
	s26 =	sadd.s32 $0x3E80, s16;
	[dreg:$0xa] =	wrdreg s16  }
0x20: {  	s28 =	sadd.s32 $0x5DC0, s16;
	s29 =	sadd.s32 $0x1F40, s20;
	[dreg:$0xf] =	wrdreg s19  }
0x21: {  	s30 =	sadd.s32 $0x3E80, s20;
	s31 =	sadd.s32 $0x5DC0, s20;
	[dreg:$0x10] =	wrdreg s0  }
0x22: {  	s3 =	sadd.s32 $0x3E80, s21;
	s11 =	simm.s32 $0x5;
	[dreg:$0x14] =	wrdreg s26  }
.Ltmp0:
0x23: {  	s16 =	simm.s32 $0x1;
	[dreg:$0x15] =	wrdreg s28;
	(pc) =	sbr.rel .LBB2_1-.Ltmp0, $4  }
0x24: {  	s22 =	simm.s32 $0x280;
	s24 =	simm.s32 $0x3;
	[dreg:$0x16] =	wrdreg s29  }
0x25: {  	s25 =	simm.s32 $0x180;
	s0 =	sshrl.u32 @!p0 s6, $0x3;
	[dreg:$0x17] =	wrdreg s30  }
0x26: {  	[dreg:$0x18] =	wrdreg s31;
	s6 =	sadd.s32 $0x5DC0, s21;
	s19 =	simm.s32 $0x2  }
0x27: {  	v0 =	vimm.f32 $0.0e+00;
	s26 =	simm.s32 $0x0;
	[dreg:$0x13] =	wrdreg s0;
	s0 =	sadd.s32 $0x1F40, s21  }
.LBB2_6:
0x28: {  	s28 =	stileid.u32;
	[bflag:$0x0] =	sbarrier.arrive $0xFFFF  }
0x29: {  	s28 =	sshll.u32 s28, $0x6;
	s29 =	rddreg [dreg:$0xb]  }
0x2a: {  	s30 =	rddreg [dreg:$0x10];
	s28 =	sor.u32 $0x1C05, s28  }
0x2b: {  	[hbm:s29], [sflag:s28] =	dma.local [spmem:s30], $0xFA0  }
0x2c: {  	_ =	swait.ge [sflag:s11], $0xFA0  }
0x2d: {  	[sflag:s11] =	ssyncset.done $0x0;
	s29 =	rddreg [dreg:$0xc]  }
0x2e: {  	s31 =	rddreg [dreg:$0x11];
	[sflag:s11] =	ssyncadd.s32 $0xFFFFF060  }
0x2f: {  	[hbm:s29], [sflag:s28] =	dma.local [spmem:s31], $0xFA0  }
0x30: {  	_ =	swait.ge [sflag:s11], $0xFA0  }
0x31: {  	[sflag:s11] =	ssyncset.done $0x0;
	s29 =	rddreg [dreg:$0xd]  }
0x32: {  	s31 =	rddreg [dreg:$0x12];
	[sflag:s11] =	ssyncadd.s32 $0xFFFFF060  }
0x33: {  	[hbm:s29], [sflag:s28] =	dma.local [spmem:s31], $0xFA0  }
0x34: {  	_ =	swait.ge [sflag:s11], $0xFA0  }
0x35: {  	[sflag:s11] =	ssyncset.done $0x0;
	s29 =	rddreg [dreg:$0xe]  }
0x36: {  	s30 =	rddreg [dreg:$0x13];
	[sflag:s11] =	ssyncadd.s32 $0xFFFFF060  }
0x37: {  	[hbm:s29], [sflag:s28] =	dma.local @!p0 [spmem:s30], $0xFA0  }
0x38: {  	s28 =	simm.s32 @!p0 $0x5  }
0x39: {  	_ =	swait.ge @!p0 [sflag:s28], $0xFA0  }
0x3a: {  	s26 =	sadd.s32 $0x1, s26;
	s31 =	rddreg [dreg:$0x6]  }
0x3b: {  	p1 =	sne.s32 s26, s31  }
.Ltmp1:
0x3c: {  	_ = 	snop;
	(pc) =	sbr.rel @!p1 .LBB2_7-.Ltmp1, $3  }
0x3d: {  	_ =	sdelay $0x1  }
0x3e: {  	[sflag:s28] =	ssyncset.done @!p0 $0x0  }
0x3f: {  	[sflag:s28] =	ssyncadd.s32 @!p0 $0xFFFFF060  }
.LBB2_1:
0x40: {  	s28 =	simm.s32 $0x80;
	s29 =	simm.s32 $0x0  }
.LBB2_2:
0x41: {  	p1 =	sne.s32 s28, $0x7C80;
	[tilespmem:s29+$0x400] =	vst v0;
	s30 =	smov.u32 s28;
	s28 =	sadd.s32 $0x80, s28  }
.Ltmp2:
0x42: {  	[tilespmem:s29+$0x410] =	vst v0;
	(pc) =	sbr.rel @p1 .LBB2_2-.Ltmp2, $2  }
0x43: {  	_ =	sdelay $0x2  }
0x44: {  	s29 =	sshra.s32 s30, $0x2  }
0x45: {  	[tilespmem:s29+$0x400] =	vst v0  }
0x46: {  	[tilespmem:s29+$0x410] =	vst v0;
	s28 =	rddreg [dreg:$0x5]  }
0x47: {  	[spmem:s28] =	stream.linear.scatter [tilespmem:s7], [sflag:$0x6], $0x1F40, $0x38;
	[tilespmem:$0x1C920] =	vst v63  }
0x48: {  	_ =	swait.ge [sflag:s10], $0x1F40  }
0x49: {  	[sflag:s10] =	ssyncset.done $0x0  }
0x4a: {  	s28 =	rddreg [dreg:$0x7];
	[sflag:s10] =	ssyncadd.s32 $0xFFFFE0C0  }
0x4b: {  	[spmem:s28] =	stream.linear.scatter [tilespmem:s7], [sflag:$0x6], $0x1F40, $0x38;
	[tilespmem:$0x1C920] =	vst v63  }
0x4c: {  	_ =	swait.ge [sflag:s10], $0x1F40  }
0x4d: {  	[sflag:s10] =	ssyncset.done $0x0  }
0x4e: {  	s28 =	rddreg [dreg:$0x8];
	[sflag:s10] =	ssyncadd.s32 $0xFFFFE0C0  }
0x4f: {  	[spmem:s28] =	stream.linear.scatter [tilespmem:s7], [sflag:$0x6], $0x1F40, $0x38;
	[tilespmem:$0x1C920] =	vst v63  }
0x50: {  	_ =	swait.ge [sflag:s10], $0x1F40  }
0x51: {  	[sflag:s10] =	ssyncset.done $0x0  }
0x52: {  	s28 =	rddreg [dreg:$0x9];
	[sflag:s10] =	ssyncadd.s32 $0xFFFFE0C0  }
0x53: {  	[spmem:s28] =	stream.linear.scatter [tilespmem:s7], [sflag:$0x5], $0x1F40, $0x38;
	[tilespmem:$0x1C920] =	vst v63  }
0x54: {  	_ =	swait.ge [sflag:s11], $0x1F40  }
0x55: {  	[sflag:s11] =	ssyncset.done $0x0  }
0x56: {  	s28 =	rddreg [dreg:$0xa];
	[sflag:s11] =	ssyncadd.s32 $0xFFFFE0C0  }
0x57: {  	[spmem:s28] =	stream.linear.scatter [tilespmem:s7], [sflag:$0x6], $0x1F40, $0x38;
	[tilespmem:$0x1C920] =	vst v63  }
0x58: {  	_ =	swait.ge [sflag:s10], $0x1F40  }
0x59: {  	[sflag:s10] =	ssyncset.done $0x0  }
0x5a: {  	s28 =	rddreg [dreg:$0xf];
	[sflag:s10] =	ssyncadd.s32 $0xFFFFE0C0  }
0x5b: {  	[spmem:s28] =	stream.linear.scatter [tilespmem:s7], [sflag:$0x6], $0x1F40, $0x38;
	[tilespmem:$0x1C920] =	vst v63  }
0x5c: {  	_ =	swait.ge [sflag:s10], $0x1F40  }
0x5d: {  	[sflag:s10] =	ssyncset.done $0x0  }
0x5e: {  	s28 =	rddreg [dreg:$0x14];
	[sflag:s10] =	ssyncadd.s32 $0xFFFFE0C0  }
0x5f: {  	[spmem:s28] =	stream.linear.scatter [tilespmem:s7], [sflag:$0x6], $0x1F40, $0x38;
	[tilespmem:$0x1C920] =	vst v63  }
0x60: {  	_ =	swait.ge [sflag:s10], $0x1F40  }
0x61: {  	[sflag:s10] =	ssyncset.done $0x0  }
0x62: {  	s28 =	rddreg [dreg:$0x15];
	[sflag:s10] =	ssyncadd.s32 $0xFFFFE0C0  }
0x63: {  	[spmem:s28] =	stream.linear.scatter [tilespmem:s7], [sflag:$0x5], $0x1F40, $0x38;
	[tilespmem:$0x1C920] =	vst v63  }
0x64: {  	_ =	swait.ge [sflag:s11], $0x1F40  }
0x65: {  	[sflag:s11] =	ssyncset.done $0x0  }
0x66: {  	[sflag:s11] =	ssyncadd.s32 $0xFFFFE0C0  }
0x67: {  	[spmem:s20] =	stream.linear.scatter [tilespmem:s7], [sflag:$0x6], $0x1F40, $0x38;
	[tilespmem:$0x1C920] =	vst v63  }
0x68: {  	_ =	swait.ge [sflag:s10], $0x1F40  }
0x69: {  	[sflag:s10] =	ssyncset.done $0x0  }
0x6a: {  	s28 =	rddreg [dreg:$0x16];
	[sflag:s10] =	ssyncadd.s32 $0xFFFFE0C0  }
0x6b: {  	[spmem:s28] =	stream.linear.scatter [tilespmem:s7], [sflag:$0x6], $0x1F40, $0x38;
	[tilespmem:$0x1C920] =	vst v63  }
0x6c: {  	_ =	swait.ge [sflag:s10], $0x1F40  }
0x6d: {  	[sflag:s10] =	ssyncset.done $0x0  }
0x6e: {  	s28 =	rddreg [dreg:$0x17];
	[sflag:s10] =	ssyncadd.s32 $0xFFFFE0C0  }
0x6f: {  	[spmem:s28] =	stream.linear.scatter [tilespmem:s7], [sflag:$0x6], $0x1F40, $0x38;
	[tilespmem:$0x1C920] =	vst v63  }
0x70: {  	_ =	swait.ge [sflag:s10], $0x1F40  }
0x71: {  	[sflag:s10] =	ssyncset.done $0x0  }
0x72: {  	s28 =	rddreg [dreg:$0x18];
	[sflag:s10] =	ssyncadd.s32 $0xFFFFE0C0  }
0x73: {  	[spmem:s28] =	stream.linear.scatter [tilespmem:s7], [sflag:$0x5], $0x1F40, $0x38;
	[tilespmem:$0x1C920] =	vst v63  }
0x74: {  	_ =	swait.ge [sflag:s11], $0x1F40  }
0x75: {  	[sflag:s11] =	ssyncset.done $0x0  }
0x76: {  	s29 =	simm.s32 @!p0 $0x6;
	s28 =	simm.s32 @!p0 $0x400;
	[sflag:s11] =	ssyncadd.s32 $0xFFFFE0C0  }
0x77: {  	[spmem:s21] =	stream.linear.scatter @!p0 [tilespmem:s28], [sflag:$0x6], $0x1F40, $0x38;
	[tilespmem:$0x1C920] =	vst v63  }
0x78: {  	_ =	swait.ge @!p0 [sflag:s29], $0x1F40  }
0x79: {  	[sflag:s29] =	ssyncset.done @!p0 $0x0  }
0x7a: {  	[sflag:s29] =	ssyncadd.s32 @!p0 $0xFFFFE0C0  }
0x7b: {  	[spmem:s0] =	stream.linear.scatter @!p0 [tilespmem:s28], [sflag:$0x6], $0x1F40, $0x38;
	[tilespmem:$0x1C920] =	vst v63  }
0x7c: {  	_ =	swait.ge @!p0 [sflag:s29], $0x1F40  }
0x7d: {  	[sflag:s29] =	ssyncset.done @!p0 $0x0  }
0x7e: {  	[sflag:s29] =	ssyncadd.s32 @!p0 $0xFFFFE0C0  }
0x7f: {  	[spmem:s3] =	stream.linear.scatter @!p0 [tilespmem:s28], [sflag:$0x6], $0x1F40, $0x38;
	[tilespmem:$0x1C920] =	vst v63  }
0x80: {  	_ =	swait.ge @!p0 [sflag:s29], $0x1F40  }
0x81: {  	[sflag:s29] =	ssyncset.done @!p0 $0x0  }
0x82: {  	[sflag:s29] =	ssyncadd.s32 @!p0 $0xFFFFE0C0  }
0x83: {  	[spmem:s6] =	stream.linear.scatter @!p0 [tilespmem:s28], [sflag:$0x5], $0x1F40, $0x38;
	[tilespmem:$0x1C920] =	vst v63  }
0x84: {  	s28 =	simm.s32 @!p0 $0x5  }
0x85: {  	_ =	swait.ge @!p0 [sflag:s28], $0x1F40  }
0x86: {  	[sflag:s28] =	ssyncset.done @!p0 $0x0  }
0x87: {  	[sflag:s28] =	ssyncadd.s32 @!p0 $0xFFFFE0C0  }
0x88: {  	[bflag:$0x0] =	sbarrier.arrive $0xFFFF  }
0x89: {  	[tilespmem:s2], [sflag:$0x1] =	stream.linear.gather [hbm4b:s4+s2], $0x100, $0x38;
	[tilespmem:$0x1C920] =	vst v63  }
0x8a: {  	_ = 	snop  }
0x8b: {  	[tilespmem:s12], [sflag:$0x1] =	stream.linear.gather [hbm4b:s5+s2], $0x100, $0x38;
	[tilespmem:$0x1C920] =	vst v63  }
0x8c: {  	s28 =	rddreg [dreg:$0x3]  }
0x8d: {  	[tilespmem:s13], [sflag:$0x2] =	stream.linear.gather [hbm4b:s28+s2], $0x100, $0x38;
	[tilespmem:$0x1C920] =	vst v63  }
0x8e: {  	s28 =	rddreg [dreg:$0x4]  }
0x8f: {  	[tilespmem:s15], [sflag:$0x2] =	stream.linear.gather [hbm4b:s28+s2], $0x100, $0x38;
	[tilespmem:$0x1C920] =	vst v63  }
0x90: {  	_ =	swait.ge [sflag:s16], $0x100  }
0x91: {  	[sflag:s16] =	ssyncset.done $0x0  }
0x92: {  	[sflag:s16] =	ssyncadd.s32 $0xFFFFFF00  }
0x93: {  	_ =	swait.ge [sflag:s16], $0x100  }
0x94: {  	[sflag:s16] =	ssyncset.done $0x0  }
0x95: {  	[sflag:s16] =	ssyncadd.s32 $0xFFFFFF00  }
0x96: {  	[tilespmem:s7], [sflag:$0x3] =	stream.indirect.gather [hbm4b:s8+s17], $0x20, s2, s17, $0xb8;
	[tilespmem:$0x1C920] =	vst v63  }
0x97: {  	s28 =	simm.s32 $0x80  }
0x98: {  	[tilespmem:s18], [sflag:$0x3] =	stream.indirect.gather [hbm4b:s8+s17], $0x20, s28, s17, $0xb8;
	[tilespmem:$0x1C920] =	vst v63  }
0x99: {  	s28 =	simm.s32 $0xFFFFE740  }
.LBB2_4:
0x9a: {  	_ =	swait.ge [sflag:s19], $0x100  }
0x9b: {  	[sflag:s19] =	ssyncset.done $0x0  }
0x9c: {  	[sflag:s19] =	ssyncadd.s32 $0xFFFFFF00  }
0x9d: {  	_ =	swait.ge [sflag:s19], $0x100  }
0x9e: {  	[sflag:s19] =	ssyncset.done $0x0  }
0x9f: {  	[sflag:s19] =	ssyncadd.s32 $0xFFFFFF00  }
0xa0: {  	[tilespmem:s9], [sflag:$0x4] =	stream.indirect.gather [hbm4b:s8+s17], $0x20, s13, s17, $0xb8;
	[tilespmem:$0x1C920] =	vst v63  }
0xa1: {  	_ = 	snop  }
0xa2: {  	[tilespmem:s23], [sflag:$0x4] =	stream.indirect.gather [hbm4b:s8+s17], $0x20, s22, s17, $0xb8;
	[tilespmem:$0x1C920] =	vst v63  }
0xa3: {  	_ =	swait.ge [sflag:s24], $0xFA0  }
0xa4: {  	[sflag:s24] =	ssyncset.done $0x0  }
0xa5: {  	[sflag:s24] =	ssyncadd.s32 $0xFFFFF060  }
0xa6: {  	_ =	swait.ge [sflag:s24], $0xFA0  }
0xa7: {  	[sflag:s24] =	ssyncset.done $0x0  }
0xa8: {  	[sflag:s24] =	ssyncadd.s32 $0xFFFFF060  }
0xa9: {  	[spmem:s1] =	stream.indirect.scatter.add.f32 [tilespmem:s7], [sflag:$0x5], $0x20, s12, s17, $0xb8;
	[tilespmem:$0x1C920] =	vst v63  }
0xaa: {  	_ =	swait.ge [sflag:s11], $0xFA0  }
0xab: {  	[sflag:s11] =	ssyncset.done $0x0  }
0xac: {  	[sflag:s11] =	ssyncadd.s32 $0xFFFFF060  }
0xad: {  	[spmem:s1] =	stream.indirect.scatter.add.f32 [tilespmem:s18], [sflag:$0x5], $0x20, s25, s17, $0xb8;
	[tilespmem:$0x1C920] =	vst v63  }
0xae: {  	_ =	swait.ge [sflag:s11], $0xFA0  }
0xaf: {  	p1 =	seq.s32 s28, $0x0;
	[sflag:s11] =	ssyncset.done $0x0  }
0xb0: {  	s29 =	simm.s32 @p1 $0x4;
	[sflag:s11] =	ssyncadd.s32 $0xFFFFF060  }
0xb1: {  	_ =	swait.ge @p1 [sflag:s29], $0xFA0  }
0xb2: {  	[sflag:s29] =	ssyncset.done @p1 $0x0  }
0xb3: {  	[sflag:s29] =	ssyncadd.s32 @p1 $0xFFFFF060  }
0xb4: {  	_ =	swait.ge @p1 [sflag:s29], $0xFA0  }
0xb5: {  	s30 =	sadd.s32 @!p1 s28, s4;
	[sflag:s29] =	ssyncset.done @p1 $0x0  }
0xb6: {  	[sflag:s29] =	ssyncadd.s32 @p1 $0xFFFFF060;
	s29 =	sadd.s32 @!p1 $0x1900, s30;
	s30 =	simm.s32 @!p1 $0x0  }
0xb7: {  	[tilespmem:s30], [sflag:$0x1] =	stream.linear.gather @!p1 [hbm4b:s29+s30], $0x100, $0x38;
	[tilespmem:$0x1C920] =	vst v63  }
0xb8: {  	s29 =	sadd.s32 @!p1 s28, s5  }
0xb9: {  	s31 =	simm.s32 @!p1 $0x100;
	s29 =	sadd.s32 @!p1 $0x1900, s29  }
0xba: {  	[tilespmem:s31], [sflag:$0x1] =	stream.linear.gather @!p1 [hbm4b:s29+s30], $0x100, $0x38;
	[tilespmem:$0x1C920] =	vst v63  }
0xbb: {  	s29 =	simm.s32 @!p1 $0x4  }
0xbc: {  	_ =	swait.ge @!p1 [sflag:s29], $0xFA0  }
0xbd: {  	[sflag:s29] =	ssyncset.done @!p1 $0x0  }
0xbe: {  	[sflag:s29] =	ssyncadd.s32 @!p1 $0xFFFFF060  }
0xbf: {  	_ =	swait.ge @!p1 [sflag:s29], $0xFA0  }
0xc0: {  	[sflag:s29] =	ssyncset.done @!p1 $0x0  }
0xc1: {  	[sflag:s29] =	ssyncadd.s32 @!p1 $0xFFFFF060;
	s29 =	simm.s32 @!p1 $0x1  }
0xc2: {  	_ =	swait.ge @!p1 [sflag:s29], $0x100  }
0xc3: {  	[sflag:s29] =	ssyncset.done @!p1 $0x0  }
0xc4: {  	[sflag:s29] =	ssyncadd.s32 @!p1 $0xFFFFFF00  }
0xc5: {  	_ =	swait.ge @!p1 [sflag:s29], $0x100  }
0xc6: {  	[sflag:s29] =	ssyncset.done @!p1 $0x0  }
0xc7: {  	s31 =	simm.s32 @!p1 $0x400;
	[sflag:s29] =	ssyncadd.s32 @!p1 $0xFFFFFF00;
	s29 =	simm.s32 @!p1 $0x7D  }
0xc8: {  	[tilespmem:s31], [sflag:$0x3] =	stream.indirect.gather @!p1 [hbm4b:s8+s29], $0x20, s30, s29, $0xb8;
	[tilespmem:$0x1C920] =	vst v63  }
0xc9: {  	s30 =	simm.s32 @!p1 $0x80;
	s31 =	simm.s32 @!p1 $0x13A0  }
0xca: {  	[tilespmem:s31], [sflag:$0x3] =	stream.indirect.gather @!p1 [hbm4b:s8+s29], $0x20, s30, s29, $0xb8;
	[tilespmem:$0x1C920] =	vst v63  }
0xcb: {  	_ = 	snop  }
0xcc: {  	[spmem:s1] =	stream.indirect.scatter.add.f32 [tilespmem:s9], [sflag:$0x5], $0x20, s15, s17, $0xb8;
	[tilespmem:$0x1C920] =	vst v63  }
0xcd: {  	_ =	swait.ge [sflag:s11], $0xFA0  }
0xce: {  	[sflag:s11] =	ssyncset.done $0x0  }
.Ltmp3:
0xcf: {  	[sflag:s11] =	ssyncadd.s32 $0xFFFFF060;
	(pc) =	sbr.rel @p1 .LBB2_6-.Ltmp3, $4  }
0xd0: {  	[spmem:s1] =	stream.indirect.scatter.add.f32 [tilespmem:s23], [sflag:$0x5], $0x20, s14, s17, $0xb8;
	[tilespmem:$0x1C920] =	vst v63  }
0xd1: {  	_ =	swait.ge [sflag:s11], $0xFA0  }
0xd2: {  	[sflag:s11] =	ssyncset.done $0x0  }
0xd3: {  	[sflag:s11] =	ssyncadd.s32 $0xFFFFF060  }
.Ltmp4:
0xd4: {  	s29 =	sadd.s32 s28, s4;
	(pc) =	sbr.rel .LBB2_4-.Ltmp4, $4  }
0xd5: {  	s31 =	sadd.s32 s28, s5;
	s29 =	sadd.s32 $0x1920, s29  }
0xd6: {  	[tilespmem:s13], [sflag:$0x2] =	stream.linear.gather [hbm4b:s29+s2], $0x100, $0x38;
	[tilespmem:$0x1C920] =	vst v63  }
0xd7: {  	s28 =	sadd.s32 $0x40, s28;
	s29 =	sadd.s32 $0x1920, s31  }
0xd8: {  	[tilespmem:s15], [sflag:$0x2] =	stream.linear.gather [hbm4b:s29+s2], $0x100, $0x38;
	[tilespmem:$0x1C920] =	vst v63  }
.LBB2_7:
0xd9: {  	_ =	sfence.sel $0x180000  }
0xda: {  	[bflag:$0x0] =	sbarrier.arrive $0xFFFF  }
0xdb: {  	_ =	strace $0x9000004A  }
0xdc: {  	s0 =	stileid.u32;
	[bflag:$0x2] =	sbarrier.arrive $0xFFFF  }
0xdd: {  	p0 =	sne.s32 s0, $0x0;
	s0 =	rddreg [dreg:$0x2]  }
0xde: {  	s0 =	sadd.s32 @!p0 $0x100000, s0  }
0xdf: {  	[sflag:s0] =	ssyncadd.tile.s32 @!p0 $0x1;
	_ =	shalt  }
.Lfunc_end2:
_tile_overlayer_lowered:
.L_overlay_start_2:
0xe0: {  	(tag) =	ssettag $0x2  }
0xe1: {  	s0 =	rddreg [dreg:$0x0];
	s2 =	stileid.u32  }
0xe2: {  	s1 =	rddreg [dreg:$0x1];
	p0 =	sne.s32 s2, $0x0  }
0xe3: {  	s3 =	rddreg [dreg:$0x2];
	[bflag:$0x3] =	sbarrier.arrive $0xFFFF;
	s2 =	simm.s32 @!p0 $0x1C05  }
0xe4: {  	[timem:s3], [sflag:s2] =	dma.local @!p0 [hbm:s0], s1  }
0xe5: {  	s0 =	simm.s32 @!p0 $0x5  }
0xe6: {  	_ =	swait.ge @!p0 [sflag:s0], s1  }
0xe7: {  	s1 =	ssub.s32 @!p0 $0x0, s1;
	[sflag:s0] =	ssyncset.done @!p0 $0x0  }
0xe8: {  	[sflag:s0] =	ssyncadd.s32 @!p0 s1  }
0xe9: {  	[bflag:$0x3] =	sbarrier.arrive $0xFFFF  }
0xea: {  	_ =	shalt  }

// kernel: kernel.15.cloned.1.call-start
scs
__scs_entry_jumppad:
0x0: {  	(pc) =	sbr.rel $0x88, $3  }
0x1: {  	(tag) =	ssettag $0x0;
	lr =	simm.s32 $0x1  }
0x2: {  	[smem:$0x3F93] =	sst lr;
	_ =	strace $0xD0000000  }
0x3: {  	_ = 	snop  }
0x4: {  	_ = 	snop  }
0x5: {  	_ = 	snop  }
0x6: {  	_ = 	snop  }
0x7: {  	_ = 	snop  }
__scs_overlays_trampoline_lowered:
0x8: {  	[smem:$0x3FA2] =	sst s0  }
0x9: {  	[smem:$0x3FA3] =	sst s1  }
0xa: {  	[smem:$0x3FA4] =	sst s2  }
0xb: {  	[smem:$0x3FA5] =	sst s3  }
0xc: {  	[smem:$0x3FA6] =	sst s4  }
0xd: {  	[smem:$0x3FA7] =	sst s5  }
0xe: {  	[smem:$0x3FA8] =	sst s6  }
0xf: {  	[smem:$0x3FA9] =	sst s7  }
0x10: {  	[smem:$0x3FAA] =	sst s8  }
0x11: {  	[smem:$0x3FAB] =	sst s9;
	s0 =	simm.s32 @!p0 $0x0  }
0x12: {  	s1 =	sld [smem:$0x3F91];
	s0 =	simm.s32 @p0 $0x1  }
0x13: {  	[smem:$0x3FAC] =	sst s0;
	s0 =	simm.s32 @!p1 $0x0  }
0x14: {  	s2 =	sld [smem:$0x3F90];
	s0 =	simm.s32 @p1 $0x1  }
0x15: {  	[smem:$0x3FAD] =	sst s0;
	s0 =	simm.s32 @!p2 $0x0  }
0x16: {  	s3 =	sld [smem:$0x3FDB];
	s0 =	simm.s32 @p2 $0x1  }
0x17: {  	s4 =	simm.s32 $0x1BF5;
	[smem:$0x3FAF] =	sst s0  }
0x18: {  	s0 =	sld [smem:$0x3F92];
	_ =	swait.ge [sflag:s4], $0x0  }
0x19: {  	s7 =	sld [smem:$0x3F93]  }
0x1a: {  	s8 =	sadd.s32 $0xFFFFE003, lr  }
0x1b: {  	s9 =	sadd.s32 $0xFFFFFEF7, lr;
	s5 =	simm.s32 $0xFFFFFFFF;
	p2 =	slt.u32 s8, $0xFFFFF086  }
0x1c: {  	p1 =	slt.u32 s9, $0xF7A;
	s5 =	simm.s32 @!p2 $0x0  }
0x1d: {  	s5 =	simm.s32 @p1 $0x1;
	p0 =	seq.s32 s7, s2  }
0x1e: {  	s7 =	smul.u32 @!p0 $0xF7A, s2;
	p2 =	seq.s32 @!p0 s5, $0x0  }
0x1f: {  	s9 =	smul.u32 $0xF7A, s1;
	s8 =	simm.s32 @!p0 $0x1BF5;
	p2 =	por !p2, p0  }
0x20: {  	[sflag:s8] =	ssyncset.s32 @!p0 $0xFFFFF086;
	s6 =	sadd.s32 @!p0 s3, s7;
	s7 =	simm.s32 @!p0 $0x108  }
0x21: {  	s3 =	sadd.s32 s3, s9;
	s6 =	sadd.s32 @!p0 $0x88, s6;
	s7 =	simm.s32 @p2 $0x1082  }
0x22: {  	[simem:s7], [sflag:s8] =	dma.local @!p0 [hbm:s6], $0xF7A  }
0x23: {  	s9 =	sor.u32 $0xD0000000, s2;
	s6 =	simm.s32 $0x108;
	_ =	swait.ge @!p0 [sflag:s8], $0x0  }
0x24: {  	s3 =	sadd.s32 $0x88, s3;
	s6 =	simm.s32 @!p1 $0x1082;
	[sflag:s4] =	ssyncset.s32 $0xFFFFF086  }
0x25: {  	[simem:s6], [sflag:s4] =	dma.local [hbm:s3], $0xF7A  }
0x26: {  	[smem:$0x3F93] =	sst s1;
	(tag) =	ssettag s2;
	_ =	strace s9  }
0x27: {  	s1 =	sld [smem:$0x3FA3]  }
0x28: {  	s2 =	sld [smem:$0x3FA4]  }
0x29: {  	s4 =	sld [smem:$0x3FA6]  }
0x2a: {  	p0 =	seq.s32 s5, $0x0;
	s5 =	sld [smem:$0x3FA7]  }
0x2b: {  	s6 =	sld [smem:$0x3FA8]  }
0x2c: {  	s7 =	sld [smem:$0x3FA9]  }
0x2d: {  	s3 =	simm.s32 $0x108;
	s8 =	sld [smem:$0x3FAA]  }
0x2e: {  	s3 =	simm.s32 @!p0 $0x1082;
	s9 =	sld [smem:$0x3FAB]  }
0x2f: {  	lr =	sadd.s32 s0, s3;
	s0 =	sld [smem:$0x3FA2]  }
0x30: {  	s3 =	sld [smem:$0x3FA5]  }
0x31: {  	[smem:$0x3FAE] =	sst s10  }
0x32: {  	s10 =	sld [smem:$0x3FAC];
	_ =	sdelay $0x3  }
0x33: {  	p0 =	seq.s32 s10, $0x1;
	s10 =	sld [smem:$0x3FAE];
	_ =	sdelay $0x3  }
0x34: {  	[smem:$0x3FAE] =	sst s10  }
0x35: {  	s10 =	sld [smem:$0x3FAD];
	_ =	sdelay $0x3  }
0x36: {  	p1 =	seq.s32 s10, $0x1;
	s10 =	sld [smem:$0x3FAE];
	_ =	sdelay $0x3  }
0x37: {  	[smem:$0x3FAE] =	sst s10  }
0x38: {  	s10 =	sld [smem:$0x3FAF]  }
0x39: {  	_ = 	snop;
	(pc) =	sbr.ind lr, $3  }
0x3a: {  	_ = 	snop  }
0x3b: {  	_ = 	snop  }
0x3c: {  	p2 =	seq.s32 s10, $0x1;
	s10 =	sld [smem:$0x3FAE]  }
0x3d: {  	_ =	shalt  }
0x3e: {  	_ =	shalt  }
0x3f: {  	_ =	shalt  }
0x40: {  	_ =	shalt  }
0x41: {  	_ =	shalt  }
0x42: {  	_ =	shalt  }
0x43: {  	_ =	shalt  }
0x44: {  	_ =	shalt  }
0x45: {  	_ =	shalt  }
0x46: {  	_ =	shalt  }
0x47: {  	_ =	shalt  }
0x48: {  	_ =	shalt  }
0x49: {  	_ =	shalt  }
0x4a: {  	_ =	shalt  }
0x4b: {  	_ =	shalt  }
0x4c: {  	_ =	shalt  }
0x4d: {  	_ =	shalt  }
0x4e: {  	_ =	shalt  }
0x4f: {  	_ =	shalt  }
0x50: {  	_ =	shalt  }
0x51: {  	_ =	shalt  }
0x52: {  	_ =	shalt  }
0x53: {  	_ =	shalt  }
0x54: {  	_ =	shalt  }
0x55: {  	_ =	shalt  }
0x56: {  	_ =	shalt  }
0x57: {  	_ =	shalt  }
0x58: {  	_ =	shalt  }
0x59: {  	_ =	shalt  }
0x5a: {  	_ =	shalt  }
0x5b: {  	_ =	shalt  }
0x5c: {  	_ =	shalt  }
0x5d: {  	_ =	shalt  }
0x5e: {  	_ =	shalt  }
0x5f: {  	_ =	shalt  }
0x60: {  	_ =	shalt  }
0x61: {  	_ =	shalt  }
0x62: {  	_ =	shalt  }
0x63: {  	_ =	shalt  }
0x64: {  	_ =	shalt  }
0x65: {  	_ =	shalt  }
0x66: {  	_ =	shalt  }
0x67: {  	_ =	shalt  }
0x68: {  	_ =	shalt  }
0x69: {  	_ =	shalt  }
0x6a: {  	_ =	shalt  }
0x6b: {  	_ =	shalt  }
0x6c: {  	_ =	shalt  }
0x6d: {  	_ =	shalt  }
0x6e: {  	_ =	shalt  }
0x6f: {  	_ =	shalt  }
0x70: {  	_ =	shalt  }
0x71: {  	_ =	shalt  }
0x72: {  	_ =	shalt  }
0x73: {  	_ =	shalt  }
0x74: {  	_ =	shalt  }
0x75: {  	_ =	shalt  }
0x76: {  	_ =	shalt  }
0x77: {  	_ =	shalt  }
0x78: {  	_ =	shalt  }
0x79: {  	_ =	shalt  }
0x7a: {  	_ =	shalt  }
0x7b: {  	_ =	shalt  }
0x7c: {  	_ =	shalt  }
0x7d: {  	_ =	shalt  }
0x7e: {  	_ =	shalt  }
0x7f: {  	_ =	shalt  }
0x80: {  	_ =	shalt  }
0x81: {  	_ =	shalt  }
0x82: {  	_ =	shalt  }
0x83: {  	_ =	shalt  }
0x84: {  	_ =	shalt  }
0x85: {  	_ =	shalt  }
0x86: {  	_ =	shalt  }
0x87: {  	_ =	shalt  }
.Lfunc_end0:
.L_simem_size_0:
called_computation.2_lowered:
.L_overlay_start_0:
0x88: {  	s2 =	sld [smem:$0x3FD9]  }
0x89: {  	s3 =	sld [smem:$0x3FFE];
	_ =	sdelay $0x1  }
0x8a: {  	s1 =	srdreg.scid  }
0x8b: {  	s0 =	sand.u32 $0x1, s1  }
0x8c: {  	s16 =	sshll.u32 s0, $0xA;
	s2 =	sadd.s32 s3, s2  }
0x8d: {  	s2 =	sadd.s32 s2, s16  }
0x8e: {  	[smem:$0x3FBA] =	sst s2  }
0x8f: {  	_ = 	snop  }
0x90: {  	(tm) =	ssettm $0x1  }
0x91: {  	s17 =	sld [smem:$0x3FFB];
	_ =	sdelay $0x3  }
0x92: {  	_ =	strace s17  }
0x93: {  	s2 =	sld [smem:$0x3FFC];
	_ =	sdelay $0x3  }
0x94: {  	_ =	strace s2  }
0x95: {  	s2 =	sld [smem:$0x3FFD];
	_ =	sdelay $0x3  }
0x96: {  	_ =	strace s2  }
0x97: {  	_ =	strace $0x8FFFFFFF  }
0x98: {  	s18 =	sld [smem:$0x3FDB];
	_ =	sdelay $0x1  }
0x99: {  	s19 =	simm.s32 $_scs_section_size  }
0x9a: {  	s4 =	simm.s32 $_size__tile_overlayer_lowered;
	s5 =	simm.s32 $_tile_overlayer_lowered  }
0x9b: {  	s22 =	simm.s32 $0x1BFF;
	s21 =	sshll.u32 s5, $0x1;
	s2 =	sadd.s32 s19, s18  }
0x9c: {  	s6 =	simm.s32 $0x0;
	s20 =	sshll.u32 s4, $0x1;
	s4 =	sadd.s32 s21, s2  }
0x9d: {  	[timem:s6], [sflag:s22] =	dma.local [hbm:s4], s20  }
0x9e: {  	_ =	swait.ge [sflag:s22], s20  }
0x9f: {  	s3 =	ssub.s32 $0x0, s20;
	[sflag:s22] =	ssyncset.done $0x0  }
0xa0: {  	[sflag:s22] =	ssyncadd.s32 s3;
	_ =	sdelay $0x1  }
0xa1: {  	s23 =	simm.s32 $0x1B8B  }
0xa2: {  	_ =	swait.ge [sflag:s23], $0x1  }
0xa3: {  	[sflag:s23] =	ssyncset.done $0x0  }
0xa4: {  	s25 =	simm.s32 $0x1B8E;
	s24 =	sld [smem:$0x3FFE];
	[sflag:s23] =	ssyncadd.s32 $0xFFFFFFFF  }
0xa5: {  	s26 =	simm.s32 $execute0_lowered;
	[smem:$0x3FD2] =	sst s25  }
0xa6: {  	s4 =	sshll.u32 s26, $0x1;
	_ =	strace $0x8000004C;
	[dreg:$0x1] =	wrdreg $0xFFFFFFFF  }
0xa7: {  	s28 =	simm.s32 $_size_execute0_lowered;
	s2 =	sadd.s32 s2, s4;
	[dreg:$0x0] =	wrdreg $0x0  }
0xa8: {  	s4 =	sshll.u32 s28, $0x1;
	[dreg:$0x2] =	wrdreg s2  }
0xa9: {  	[dreg:$0x3] =	wrdreg s4  }
0xaa: {  	[dreg:$0x4] =	wrdreg $0xC0  }
0xab: {  	_ =	task [dreg:s6], $0x5FFFF  }
0xac: {  	[dreg:$0x1] =	wrdreg $0xFFFFFFFF  }
0xad: {  	[dreg:$0x0] =	wrdreg $0x60  }
0xae: {  	[dreg:$0x2] =	wrdreg s24  }
0xaf: {  	[dreg:$0x3] =	wrdreg $0x42800  }
0xb0: {  	[dreg:$0x4] =	wrdreg $0x9  }
0xb1: {  	_ =	task.clear_ibuf [dreg:s6], $0x5FFFF;
	_ =	strace $0x9000004C  }
0xb2: {  	s29 =	simm.s32 $0x9;
	_ =	strace $0x8000004E  }
0xb3: {  	_ =	swait.ge [sflag:s29], $0x1  }
0xb4: {  	[sflag:s29] =	ssyncadd.s32 $0xFFFFFFFF  }
0xb5: {  	_ =	strace $0x9000004E  }
0xb6: {  	_ =	sfence  }
0xb7: {  	s30 =	sld [smem:$0x0];
	_ =	sdelay $0x2  }
0xb8: {  	s31 =	sshll.u32 s1, $0xD;
	s1 =	sshrl.u32 s1, $0x2  }
0xb9: {  	s3 =	sand.u32 $0x4000, s31;
	s1 =	sadd.s32 s1, s30  }
0xba: {  	s0 =	sor.u32 s3, s0;
	s1 =	sshll.u32 s1, $0x11  }
0xbb: {  	s0 =	sor.u32 s1, s0  }
0xbc: {  	s0 =	sadd.s32 $0x8F2B, s0  }
0xbd: {  	[sflag:s0] =	ssyncadd.remote.s32 $0x1  }
0xbe: {  	_ =	sfence.sel $0xFFFF  }
0xbf: {  	[dreg:$0x0] =	wrdreg $0xFFFFFFFF;
	(pc) =	sbr.abs _section_cstart, $3  }
0xc0: {  	[dreg:$0x1] =	wrdreg $0xFFFFFFFF  }
0xc1: {  	_ =	task.clear_ibuf [dreg:s6], $0x2FFFF;
	_ =	strace $0x9FFFFFFF  }
0xc2: {  	(tm) =	ssettm $0x7FFFFFFF  }
0xc3: {  	_ =	shalt  }
tec
execute0_lowered:
.L_overlay_start_1:
0x0: {  	(tag) =	ssettag $0x1  }
0x1: {  	s14 =	stileid.u32  }
0x2: {  	s3 =	srdreg.scid;
	s7 =	smul.u32 $0x1900, s14  }
0x3: {  	s3 =	sand.u32 $0x1, s3;
	s9 =	smul.u32 $0x1F400, s14  }
0x4: {  	s0 =	rddreg [dreg:$0x0];
	s10 =	sor.u32 $0x10, s14;
	s4 =	smul.u32 $0x30D40, s3  }
0x5: {  	s1 =	rddreg [dreg:$0x1];
	s11 =	sor.u32 $0x20, s14;
	s20 =	smul.u32 $0x1F400, s10  }
0x6: {  	s2 =	simm.s32 $0x0;
	s12 =	sor.u32 $0x30, s14;
	s21 =	smul.u32 $0x1F400, s11  }
0x7: {  	[smem:$0x7FF] =	sst s2;
	s13 =	smul.u32 $0x1F400, s12  }
0x8: {  	s6 =	sadd.s32 $0x3600, s0;
	s8 =	sadd.s32 $0x1C600, s0;
	s23 =	smul.u32 $0x7D00, s10  }
0x9: {  	_ =	strace $0x8000004D;
	s3 =	ssub.s32 $0x2, s3;
	s25 =	smul.u32 $0x7D00, s11  }
0xa: {  	s28 =	smul.u32 $0x7D00, s12;
	p0 =	sgt.u32 s12, $0x31;
	s10 =	simm.s32 $0x6  }
0xb: {  	s19 =	sshrl.u32 s3, $0x1;
	s5 =	sadd.s32 s8, s7;
	s9 =	sshrl.u32 s9, $0x2  }
0xc: {  	s0 =	sadd.s32 s4, s0;
	s3 =	ssub.s32 s3, s19;
	s4 =	sadd.s32 s6, s7  }
0xd: {  	s7 =	sor.u32 $0x20, s7;
	s15 =	sadd.s32 s9, s1;
	s9 =	smul.u32 $0x7D00, s14  }
0xe: {  	s30 =	sshrl.u32 s23, $0x3;
	s6 =	sadd.s32 s6, s7;
	[dreg:$0x5] =	wrdreg s15  }
0xf: {  	s31 =	sshrl.u32 s25, $0x3;
	s7 =	sadd.s32 s8, s7;
	[dreg:$0x3] =	wrdreg s6  }
0x10: {  	s12 =	sshrl.u32 s28, $0x3;
	s3 =	smax.u32 s3, $0x1;
	[dreg:$0x4] =	wrdreg s7  }
0x11: {  	s14 =	simm.s32 $0x380;
	s22 =	sadd.s32 $0x1F40, s15;
	[dreg:$0x6] =	wrdreg s3  }
0x12: {  	s8 =	sadd.s32 $0x1BC000, s0;
	s24 =	sadd.s32 $0x3E80, s15;
	[dreg:$0x7] =	wrdreg s22  }
0x13: {  	s0 =	sadd.s32 $0x35600, s0;
	s26 =	sadd.s32 $0x5DC0, s15;
	[dreg:$0x8] =	wrdreg s24  }
0x14: {  	s15 =	simm.s32 $0x300;
	s6 =	sshrl.u32 s20, $0x2;
	[dreg:$0x9] =	wrdreg s26  }
0x15: {  	s29 =	sshrl.u32 s9, $0x3;
	s17 =	sadd.s32 s30, s0;
	s18 =	sadd.s32 s31, s0  }
0x16: {  	s20 =	sshrl.u32 s21, $0x2;
	s21 =	sshrl.u32 s13, $0x2;
	s22 =	sadd.s32 s9, s1  }
0x17: {  	s3 =	sadd.s32 s23, s1;
	s23 =	sadd.s32 s25, s1;
	s7 =	simm.s32 $0x400  }
0x18: {  	s13 =	simm.s32 $0x200;
	s9 =	simm.s32 $0x2340;
	[dreg:$0xc] =	wrdreg s17  }
0x19: {  	s16 =	sadd.s32 s6, s1;
	s11 =	sadd.s32 s29, s0;
	[dreg:$0xd] =	wrdreg s18  }
0x1a: {  	s0 =	sadd.s32 @!p0 s12, s0;
	s20 =	sadd.s32 s20, s1;
	s21 =	sadd.s32 s21, s1  }
0x1b: {  	s6 =	sadd.s32 s28, s1;
	s24 =	sshrl.u32 s3, $0x3;
	[dreg:$0xb] =	wrdreg s11  }
0x1c: {  	s25 =	sshrl.u32 s23, $0x3;
	s12 =	simm.s32 $0x100;
	[dreg:$0xe] =	wrdreg s0  }
0x1d: {  	s17 =	simm.s32 $0x7D;
	s18 =	simm.s32 $0x13A0;
	[dreg:$0x11] =	wrdreg s24  }
0x1e: {  	s23 =	simm.s32 $0x32E0;
	s19 =	sadd.s32 $0x1F40, s16;
	[dreg:$0x12] =	wrdreg s25  }
0x1f: {  	s0 =	sshrl.u32 s22, $0x3;
	s26 =	sadd.s32 $0x3E80, s16;
	[dreg:$0xa] =	wrdreg s16  }
0x20: {  	s28 =	sadd.s32 $0x5DC0, s16;
	s29 =	sadd.s32 $0x1F40, s20;
	[dreg:$0xf] =	wrdreg s19  }
0x21: {  	s30 =	sadd.s32 $0x3E80, s20;
	s31 =	sadd.s32 $0x5DC0, s20;
	[dreg:$0x10] =	wrdreg s0  }
0x22: {  	s3 =	sadd.s32 $0x3E80, s21;
	s11 =	simm.s32 $0x5;
	[dreg:$0x14] =	wrdreg s26  }
.Ltmp0:
0x23: {  	s16 =	simm.s32 $0x1;
	[dreg:$0x15] =	wrdreg s28;
	(pc) =	sbr.rel .LBB2_1-.Ltmp0, $4  }
0x24: {  	s22 =	simm.s32 $0x280;
	s24 =	simm.s32 $0x3;
	[dreg:$0x16] =	wrdreg s29  }
0x25: {  	s25 =	simm.s32 $0x180;
	s0 =	sshrl.u32 @!p0 s6, $0x3;
	[dreg:$0x17] =	wrdreg s30  }
0x26: {  	[dreg:$0x18] =	wrdreg s31;
	s6 =	sadd.s32 $0x5DC0, s21;
	s19 =	simm.s32 $0x2  }
0x27: {  	v0 =	vimm.f32 $0.0e+00;
	s26 =	simm.s32 $0x0;
	[dreg:$0x13] =	wrdreg s0;
	s0 =	sadd.s32 $0x1F40, s21  }
.LBB2_6:
0x28: {  	s28 =	stileid.u32;
	[bflag:$0x0] =	sbarrier.arrive $0xFFFF  }
0x29: {  	s28 =	sshll.u32 s28, $0x6;
	s29 =	rddreg [dreg:$0xb]  }
0x2a: {  	s30 =	rddreg [dreg:$0x10];
	s28 =	sor.u32 $0x1C05, s28  }
0x2b: {  	[hbm:s29], [sflag:s28] =	dma.local [spmem:s30], $0xFA0  }
0x2c: {  	_ =	swait.ge [sflag:s11], $0xFA0  }
0x2d: {  	[sflag:s11] =	ssyncset.done $0x0;
	s29 =	rddreg [dreg:$0xc]  }
0x2e: {  	s31 =	rddreg [dreg:$0x11];
	[sflag:s11] =	ssyncadd.s32 $0xFFFFF060  }
0x2f: {  	[hbm:s29], [sflag:s28] =	dma.local [spmem:s31], $0xFA0  }
0x30: {  	_ =	swait.ge [sflag:s11], $0xFA0  }
0x31: {  	[sflag:s11] =	ssyncset.done $0x0;
	s29 =	rddreg [dreg:$0xd]  }
0x32: {  	s31 =	rddreg [dreg:$0x12];
	[sflag:s11] =	ssyncadd.s32 $0xFFFFF060  }
0x33: {  	[hbm:s29], [sflag:s28] =	dma.local [spmem:s31], $0xFA0  }
0x34: {  	_ =	swait.ge [sflag:s11], $0xFA0  }
0x35: {  	[sflag:s11] =	ssyncset.done $0x0;
	s29 =	rddreg [dreg:$0xe]  }
0x36: {  	s30 =	rddreg [dreg:$0x13];
	[sflag:s11] =	ssyncadd.s32 $0xFFFFF060  }
0x37: {  	[hbm:s29], [sflag:s28] =	dma.local @!p0 [spmem:s30], $0xFA0  }
0x38: {  	s28 =	simm.s32 @!p0 $0x5  }
0x39: {  	_ =	swait.ge @!p0 [sflag:s28], $0xFA0  }
0x3a: {  	s26 =	sadd.s32 $0x1, s26;
	s31 =	rddreg [dreg:$0x6]  }
0x3b: {  	p1 =	sne.s32 s26, s31  }
.Ltmp1:
0x3c: {  	_ = 	snop;
	(pc) =	sbr.rel @!p1 .LBB2_7-.Ltmp1, $3  }
0x3d: {  	_ =	sdelay $0x1  }
0x3e: {  	[sflag:s28] =	ssyncset.done @!p0 $0x0  }
0x3f: {  	[sflag:s28] =	ssyncadd.s32 @!p0 $0xFFFFF060  }
.LBB2_1:
0x40: {  	s28 =	simm.s32 $0x80;
	s29 =	simm.s32 $0x0  }
.LBB2_2:
0x41: {  	p1 =	sne.s32 s28, $0x7C80;
	[tilespmem:s29+$0x400] =	vst v0;
	s30 =	smov.u32 s28;
	s28 =	sadd.s32 $0x80, s28  }
.Ltmp2:
0x42: {  	[tilespmem:s29+$0x410] =	vst v0;
	(pc) =	sbr.rel @p1 .LBB2_2-.Ltmp2, $2  }
0x43: {  	_ =	sdelay $0x2  }
0x44: {  	s29 =	sshra.s32 s30, $0x2  }
0x45: {  	[tilespmem:s29+$0x400] =	vst v0  }
0x46: {  	[tilespmem:s29+$0x410] =	vst v0;
	s28 =	rddreg [dreg:$0x5]  }
0x47: {  	[spmem:s28] =	stream.linear.scatter [tilespmem:s7], [sflag:$0x6], $0x1F40, $0x38;
	[tilespmem:$0x1C920] =	vst v63  }
0x48: {  	_ =	swait.ge [sflag:s10], $0x1F40  }
0x49: {  	[sflag:s10] =	ssyncset.done $0x0  }
0x4a: {  	s28 =	rddreg [dreg:$0x7];
	[sflag:s10] =	ssyncadd.s32 $0xFFFFE0C0  }
0x4b: {  	[spmem:s28] =	stream.linear.scatter [tilespmem:s7], [sflag:$0x6], $0x1F40, $0x38;
	[tilespmem:$0x1C920] =	vst v63  }
0x4c: {  	_ =	swait.ge [sflag:s10], $0x1F40  }
0x4d: {  	[sflag:s10] =	ssyncset.done $0x0  }
0x4e: {  	s28 =	rddreg [dreg:$0x8];
	[sflag:s10] =	ssyncadd.s32 $0xFFFFE0C0  }
0x4f: {  	[spmem:s28] =	stream.linear.scatter [tilespmem:s7], [sflag:$0x6], $0x1F40, $0x38;
	[tilespmem:$0x1C920] =	vst v63  }
0x50: {  	_ =	swait.ge [sflag:s10], $0x1F40  }
0x51: {  	[sflag:s10] =	ssyncset.done $0x0  }
0x52: {  	s28 =	rddreg [dreg:$0x9];
	[sflag:s10] =	ssyncadd.s32 $0xFFFFE0C0  }
0x53: {  	[spmem:s28] =	stream.linear.scatter [tilespmem:s7], [sflag:$0x5], $0x1F40, $0x38;
	[tilespmem:$0x1C920] =	vst v63  }
0x54: {  	_ =	swait.ge [sflag:s11], $0x1F40  }
0x55: {  	[sflag:s11] =	ssyncset.done $0x0  }
0x56: {  	s28 =	rddreg [dreg:$0xa];
	[sflag:s11] =	ssyncadd.s32 $0xFFFFE0C0  }
0x57: {  	[spmem:s28] =	stream.linear.scatter [tilespmem:s7], [sflag:$0x6], $0x1F40, $0x38;
	[tilespmem:$0x1C920] =	vst v63  }
0x58: {  	_ =	swait.ge [sflag:s10], $0x1F40  }
0x59: {  	[sflag:s10] =	ssyncset.done $0x0  }
0x5a: {  	s28 =	rddreg [dreg:$0xf];
	[sflag:s10] =	ssyncadd.s32 $0xFFFFE0C0  }
0x5b: {  	[spmem:s28] =	stream.linear.scatter [tilespmem:s7], [sflag:$0x6], $0x1F40, $0x38;
	[tilespmem:$0x1C920] =	vst v63  }
0x5c: {  	_ =	swait.ge [sflag:s10], $0x1F40  }
0x5d: {  	[sflag:s10] =	ssyncset.done $0x0  }
0x5e: {  	s28 =	rddreg [dreg:$0x14];
	[sflag:s10] =	ssyncadd.s32 $0xFFFFE0C0  }
0x5f: {  	[spmem:s28] =	stream.linear.scatter [tilespmem:s7], [sflag:$0x6], $0x1F40, $0x38;
	[tilespmem:$0x1C920] =	vst v63  }
0x60: {  	_ =	swait.ge [sflag:s10], $0x1F40  }
0x61: {  	[sflag:s10] =	ssyncset.done $0x0  }
0x62: {  	s28 =	rddreg [dreg:$0x15];
	[sflag:s10] =	ssyncadd.s32 $0xFFFFE0C0  }
0x63: {  	[spmem:s28] =	stream.linear.scatter [tilespmem:s7], [sflag:$0x5], $0x1F40, $0x38;
	[tilespmem:$0x1C920] =	vst v63  }
0x64: {  	_ =	swait.ge [sflag:s11], $0x1F40  }
0x65: {  	[sflag:s11] =	ssyncset.done $0x0  }
0x66: {  	[sflag:s11] =	ssyncadd.s32 $0xFFFFE0C0  }
0x67: {  	[spmem:s20] =	stream.linear.scatter [tilespmem:s7], [sflag:$0x6], $0x1F40, $0x38;
	[tilespmem:$0x1C920] =	vst v63  }
0x68: {  	_ =	swait.ge [sflag:s10], $0x1F40  }
0x69: {  	[sflag:s10] =	ssyncset.done $0x0  }
0x6a: {  	s28 =	rddreg [dreg:$0x16];
	[sflag:s10] =	ssyncadd.s32 $0xFFFFE0C0  }
0x6b: {  	[spmem:s28] =	stream.linear.scatter [tilespmem:s7], [sflag:$0x6], $0x1F40, $0x38;
	[tilespmem:$0x1C920] =	vst v63  }
0x6c: {  	_ =	swait.ge [sflag:s10], $0x1F40  }
0x6d: {  	[sflag:s10] =	ssyncset.done $0x0  }
0x6e: {  	s28 =	rddreg [dreg:$0x17];
	[sflag:s10] =	ssyncadd.s32 $0xFFFFE0C0  }
0x6f: {  	[spmem:s28] =	stream.linear.scatter [tilespmem:s7], [sflag:$0x6], $0x1F40, $0x38;
	[tilespmem:$0x1C920] =	vst v63  }
0x70: {  	_ =	swait.ge [sflag:s10], $0x1F40  }
0x71: {  	[sflag:s10] =	ssyncset.done $0x0  }
0x72: {  	s28 =	rddreg [dreg:$0x18];
	[sflag:s10] =	ssyncadd.s32 $0xFFFFE0C0  }
0x73: {  	[spmem:s28] =	stream.linear.scatter [tilespmem:s7], [sflag:$0x5], $0x1F40, $0x38;
	[tilespmem:$0x1C920] =	vst v63  }
0x74: {  	_ =	swait.ge [sflag:s11], $0x1F40  }
0x75: {  	[sflag:s11] =	ssyncset.done $0x0  }
0x76: {  	s29 =	simm.s32 @!p0 $0x6;
	s28 =	simm.s32 @!p0 $0x400;
	[sflag:s11] =	ssyncadd.s32 $0xFFFFE0C0  }
0x77: {  	[spmem:s21] =	stream.linear.scatter @!p0 [tilespmem:s28], [sflag:$0x6], $0x1F40, $0x38;
	[tilespmem:$0x1C920] =	vst v63  }
0x78: {  	_ =	swait.ge @!p0 [sflag:s29], $0x1F40  }
0x79: {  	[sflag:s29] =	ssyncset.done @!p0 $0x0  }
0x7a: {  	[sflag:s29] =	ssyncadd.s32 @!p0 $0xFFFFE0C0  }
0x7b: {  	[spmem:s0] =	stream.linear.scatter @!p0 [tilespmem:s28], [sflag:$0x6], $0x1F40, $0x38;
	[tilespmem:$0x1C920] =	vst v63  }
0x7c: {  	_ =	swait.ge @!p0 [sflag:s29], $0x1F40  }
0x7d: {  	[sflag:s29] =	ssyncset.done @!p0 $0x0  }
0x7e: {  	[sflag:s29] =	ssyncadd.s32 @!p0 $0xFFFFE0C0  }
0x7f: {  	[spmem:s3] =	stream.linear.scatter @!p0 [tilespmem:s28], [sflag:$0x6], $0x1F40, $0x38;
	[tilespmem:$0x1C920] =	vst v63  }
0x80: {  	_ =	swait.ge @!p0 [sflag:s29], $0x1F40  }
0x81: {  	[sflag:s29] =	ssyncset.done @!p0 $0x0  }
0x82: {  	[sflag:s29] =	ssyncadd.s32 @!p0 $0xFFFFE0C0  }
0x83: {  	[spmem:s6] =	stream.linear.scatter @!p0 [tilespmem:s28], [sflag:$0x5], $0x1F40, $0x38;
	[tilespmem:$0x1C920] =	vst v63  }
0x84: {  	s28 =	simm.s32 @!p0 $0x5  }
0x85: {  	_ =	swait.ge @!p0 [sflag:s28], $0x1F40  }
0x86: {  	[sflag:s28] =	ssyncset.done @!p0 $0x0  }
0x87: {  	[sflag:s28] =	ssyncadd.s32 @!p0 $0xFFFFE0C0  }
0x88: {  	[bflag:$0x0] =	sbarrier.arrive $0xFFFF  }
0x89: {  	[tilespmem:s2], [sflag:$0x1] =	stream.linear.gather [hbm4b:s4+s2], $0x100, $0x38;
	[tilespmem:$0x1C920] =	vst v63  }
0x8a: {  	_ = 	snop  }
0x8b: {  	[tilespmem:s12], [sflag:$0x1] =	stream.linear.gather [hbm4b:s5+s2], $0x100, $0x38;
	[tilespmem:$0x1C920] =	vst v63  }
0x8c: {  	s28 =	rddreg [dreg:$0x3]  }
0x8d: {  	[tilespmem:s13], [sflag:$0x2] =	stream.linear.gather [hbm4b:s28+s2], $0x100, $0x38;
	[tilespmem:$0x1C920] =	vst v63  }
0x8e: {  	s28 =	rddreg [dreg:$0x4]  }
0x8f: {  	[tilespmem:s15], [sflag:$0x2] =	stream.linear.gather [hbm4b:s28+s2], $0x100, $0x38;
	[tilespmem:$0x1C920] =	vst v63  }
0x90: {  	_ =	swait.ge [sflag:s16], $0x100  }
0x91: {  	[sflag:s16] =	ssyncset.done $0x0  }
0x92: {  	[sflag:s16] =	ssyncadd.s32 $0xFFFFFF00  }
0x93: {  	_ =	swait.ge [sflag:s16], $0x100  }
0x94: {  	[sflag:s16] =	ssyncset.done $0x0  }
0x95: {  	[sflag:s16] =	ssyncadd.s32 $0xFFFFFF00  }
0x96: {  	[tilespmem:s7], [sflag:$0x3] =	stream.indirect.gather [hbm4b:s8+s17], $0x20, s2, s17, $0xb8;
	[tilespmem:$0x1C920] =	vst v63  }
0x97: {  	s28 =	simm.s32 $0x80  }
0x98: {  	[tilespmem:s18], [sflag:$0x3] =	stream.indirect.gather [hbm4b:s8+s17], $0x20, s28, s17, $0xb8;
	[tilespmem:$0x1C920] =	vst v63  }
0x99: {  	s28 =	simm.s32 $0xFFFFE740  }
.LBB2_4:
0x9a: {  	_ =	swait.ge [sflag:s19], $0x100  }
0x9b: {  	[sflag:s19] =	ssyncset.done $0x0  }
0x9c: {  	[sflag:s19] =	ssyncadd.s32 $0xFFFFFF00  }
0x9d: {  	_ =	swait.ge [sflag:s19], $0x100  }
0x9e: {  	[sflag:s19] =	ssyncset.done $0x0  }
0x9f: {  	[sflag:s19] =	ssyncadd.s32 $0xFFFFFF00  }
0xa0: {  	[tilespmem:s9], [sflag:$0x4] =	stream.indirect.gather [hbm4b:s8+s17], $0x20, s13, s17, $0xb8;
	[tilespmem:$0x1C920] =	vst v63  }
0xa1: {  	_ = 	snop  }
0xa2: {  	[tilespmem:s23], [sflag:$0x4] =	stream.indirect.gather [hbm4b:s8+s17], $0x20, s22, s17, $0xb8;
	[tilespmem:$0x1C920] =	vst v63  }
0xa3: {  	_ =	swait.ge [sflag:s24], $0xFA0  }
0xa4: {  	[sflag:s24] =	ssyncset.done $0x0  }
0xa5: {  	[sflag:s24] =	ssyncadd.s32 $0xFFFFF060  }
0xa6: {  	_ =	swait.ge [sflag:s24], $0xFA0  }
0xa7: {  	[sflag:s24] =	ssyncset.done $0x0  }
0xa8: {  	[sflag:s24] =	ssyncadd.s32 $0xFFFFF060  }
0xa9: {  	[spmem:s1] =	stream.indirect.scatter.add.f32 [tilespmem:s7], [sflag:$0x5], $0x20, s12, s17, $0xb8;
	[tilespmem:$0x1C920] =	vst v63  }
0xaa: {  	_ =	swait.ge [sflag:s11], $0xFA0  }
0xab: {  	[sflag:s11] =	ssyncset.done $0x0  }
0xac: {  	[sflag:s11] =	ssyncadd.s32 $0xFFFFF060  }
0xad: {  	[spmem:s1] =	stream.indirect.scatter.add.f32 [tilespmem:s18], [sflag:$0x5], $0x20, s25, s17, $0xb8;
	[tilespmem:$0x1C920] =	vst v63  }
0xae: {  	_ =	swait.ge [sflag:s11], $0xFA0  }
0xaf: {  	p1 =	seq.s32 s28, $0x0;
	[sflag:s11] =	ssyncset.done $0x0  }
0xb0: {  	s29 =	simm.s32 @p1 $0x4;
	[sflag:s11] =	ssyncadd.s32 $0xFFFFF060  }
0xb1: {  	_ =	swait.ge @p1 [sflag:s29], $0xFA0  }
0xb2: {  	[sflag:s29] =	ssyncset.done @p1 $0x0  }
0xb3: {  	[sflag:s29] =	ssyncadd.s32 @p1 $0xFFFFF060  }
0xb4: {  	_ =	swait.ge @p1 [sflag:s29], $0xFA0  }
0xb5: {  	s30 =	sadd.s32 @!p1 s28, s4;
	[sflag:s29] =	ssyncset.done @p1 $0x0  }
0xb6: {  	[sflag:s29] =	ssyncadd.s32 @p1 $0xFFFFF060;
	s29 =	sadd.s32 @!p1 $0x1900, s30;
	s30 =	simm.s32 @!p1 $0x0  }
0xb7: {  	[tilespmem:s30], [sflag:$0x1] =	stream.linear.gather @!p1 [hbm4b:s29+s30], $0x100, $0x38;
	[tilespmem:$0x1C920] =	vst v63  }
0xb8: {  	s29 =	sadd.s32 @!p1 s28, s5  }
0xb9: {  	s31 =	simm.s32 @!p1 $0x100;
	s29 =	sadd.s32 @!p1 $0x1900, s29  }
0xba: {  	[tilespmem:s31], [sflag:$0x1] =	stream.linear.gather @!p1 [hbm4b:s29+s30], $0x100, $0x38;
	[tilespmem:$0x1C920] =	vst v63  }
0xbb: {  	s29 =	simm.s32 @!p1 $0x4  }
0xbc: {  	_ =	swait.ge @!p1 [sflag:s29], $0xFA0  }
0xbd: {  	[sflag:s29] =	ssyncset.done @!p1 $0x0  }
0xbe: {  	[sflag:s29] =	ssyncadd.s32 @!p1 $0xFFFFF060  }
0xbf: {  	_ =	swait.ge @!p1 [sflag:s29], $0xFA0  }
0xc0: {  	[sflag:s29] =	ssyncset.done @!p1 $0x0  }
0xc1: {  	[sflag:s29] =	ssyncadd.s32 @!p1 $0xFFFFF060;
	s29 =	simm.s32 @!p1 $0x1  }
0xc2: {  	_ =	swait.ge @!p1 [sflag:s29], $0x100  }
0xc3: {  	[sflag:s29] =	ssyncset.done @!p1 $0x0  }
0xc4: {  	[sflag:s29] =	ssyncadd.s32 @!p1 $0xFFFFFF00  }
0xc5: {  	_ =	swait.ge @!p1 [sflag:s29], $0x100  }
0xc6: {  	[sflag:s29] =	ssyncset.done @!p1 $0x0  }
0xc7: {  	s31 =	simm.s32 @!p1 $0x400;
	[sflag:s29] =	ssyncadd.s32 @!p1 $0xFFFFFF00;
	s29 =	simm.s32 @!p1 $0x7D  }
0xc8: {  	[tilespmem:s31], [sflag:$0x3] =	stream.indirect.gather @!p1 [hbm4b:s8+s29], $0x20, s30, s29, $0xb8;
	[tilespmem:$0x1C920] =	vst v63  }
0xc9: {  	s30 =	simm.s32 @!p1 $0x80;
	s31 =	simm.s32 @!p1 $0x13A0  }
0xca: {  	[tilespmem:s31], [sflag:$0x3] =	stream.indirect.gather @!p1 [hbm4b:s8+s29], $0x20, s30, s29, $0xb8;
	[tilespmem:$0x1C920] =	vst v63  }
0xcb: {  	_ = 	snop  }
0xcc: {  	[spmem:s1] =	stream.indirect.scatter.add.f32 [tilespmem:s9], [sflag:$0x5], $0x20, s15, s17, $0xb8;
	[tilespmem:$0x1C920] =	vst v63  }
0xcd: {  	_ =	swait.ge [sflag:s11], $0xFA0  }
0xce: {  	[sflag:s11] =	ssyncset.done $0x0  }
.Ltmp3:
0xcf: {  	[sflag:s11] =	ssyncadd.s32 $0xFFFFF060;
	(pc) =	sbr.rel @p1 .LBB2_6-.Ltmp3, $4  }
0xd0: {  	[spmem:s1] =	stream.indirect.scatter.add.f32 [tilespmem:s23], [sflag:$0x5], $0x20, s14, s17, $0xb8;
	[tilespmem:$0x1C920] =	vst v63  }
0xd1: {  	_ =	swait.ge [sflag:s11], $0xFA0  }
0xd2: {  	[sflag:s11] =	ssyncset.done $0x0  }
0xd3: {  	[sflag:s11] =	ssyncadd.s32 $0xFFFFF060  }
.Ltmp4:
0xd4: {  	s29 =	sadd.s32 s28, s4;
	(pc) =	sbr.rel .LBB2_4-.Ltmp4, $4  }
0xd5: {  	s31 =	sadd.s32 s28, s5;
	s29 =	sadd.s32 $0x1920, s29  }
0xd6: {  	[tilespmem:s13], [sflag:$0x2] =	stream.linear.gather [hbm4b:s29+s2], $0x100, $0x38;
	[tilespmem:$0x1C920] =	vst v63  }
0xd7: {  	s28 =	sadd.s32 $0x40, s28;
	s29 =	sadd.s32 $0x1920, s31  }
0xd8: {  	[tilespmem:s15], [sflag:$0x2] =	stream.linear.gather [hbm4b:s29+s2], $0x100, $0x38;
	[tilespmem:$0x1C920] =	vst v63  }
.LBB2_7:
0xd9: {  	_ =	sfence.sel $0x180000  }
0xda: {  	[bflag:$0x0] =	sbarrier.arrive $0xFFFF  }
0xdb: {  	_ =	strace $0x9000004D  }
0xdc: {  	s0 =	stileid.u32;
	[bflag:$0x2] =	sbarrier.arrive $0xFFFF  }
0xdd: {  	p0 =	sne.s32 s0, $0x0;
	s0 =	rddreg [dreg:$0x2]  }
0xde: {  	s0 =	sadd.s32 @!p0 $0x100000, s0  }
0xdf: {  	[sflag:s0] =	ssyncadd.tile.s32 @!p0 $0x1;
	_ =	shalt  }
.Lfunc_end2:
_tile_overlayer_lowered:
.L_overlay_start_2:
0xe0: {  	(tag) =	ssettag $0x2  }
0xe1: {  	s0 =	rddreg [dreg:$0x0];
	s2 =	stileid.u32  }
0xe2: {  	s1 =	rddreg [dreg:$0x1];
	p0 =	sne.s32 s2, $0x0  }
0xe3: {  	s3 =	rddreg [dreg:$0x2];
	[bflag:$0x3] =	sbarrier.arrive $0xFFFF;
	s2 =	simm.s32 @!p0 $0x1C05  }
0xe4: {  	[timem:s3], [sflag:s2] =	dma.local @!p0 [hbm:s0], s1  }
0xe5: {  	s0 =	simm.s32 @!p0 $0x5  }
0xe6: {  	_ =	swait.ge @!p0 [sflag:s0], s1  }
0xe7: {  	s1 =	ssub.s32 @!p0 $0x0, s1;
	[sflag:s0] =	ssyncset.done @!p0 $0x0  }
0xe8: {  	[sflag:s0] =	ssyncadd.s32 @!p0 s1  }
0xe9: {  	[bflag:$0x3] =	sbarrier.arrive $0xFFFF  }
0xea: {  	_ =	shalt  }

// kernel: kernel.9.cloned.1.call-start
scs
__scs_entry_jumppad:
0x0: {  	(pc) =	sbr.rel $0x88, $3  }
0x1: {  	(tag) =	ssettag $0x0;
	lr =	simm.s32 $0x1  }
0x2: {  	[smem:$0x3F93] =	sst lr;
	_ =	strace $0xD0000000  }
0x3: {  	_ = 	snop  }
0x4: {  	_ = 	snop  }
0x5: {  	_ = 	snop  }
0x6: {  	_ = 	snop  }
0x7: {  	_ = 	snop  }
__scs_overlays_trampoline_lowered:
0x8: {  	[smem:$0x3FA2] =	sst s0  }
0x9: {  	[smem:$0x3FA3] =	sst s1  }
0xa: {  	[smem:$0x3FA4] =	sst s2  }
0xb: {  	[smem:$0x3FA5] =	sst s3  }
0xc: {  	[smem:$0x3FA6] =	sst s4  }
0xd: {  	[smem:$0x3FA7] =	sst s5  }
0xe: {  	[smem:$0x3FA8] =	sst s6  }
0xf: {  	[smem:$0x3FA9] =	sst s7  }
0x10: {  	[smem:$0x3FAA] =	sst s8  }
0x11: {  	[smem:$0x3FAB] =	sst s9;
	s0 =	simm.s32 @!p0 $0x0  }
0x12: {  	s1 =	sld [smem:$0x3F91];
	s0 =	simm.s32 @p0 $0x1  }
0x13: {  	[smem:$0x3FAC] =	sst s0;
	s0 =	simm.s32 @!p1 $0x0  }
0x14: {  	s2 =	sld [smem:$0x3F90];
	s0 =	simm.s32 @p1 $0x1  }
0x15: {  	[smem:$0x3FAD] =	sst s0;
	s0 =	simm.s32 @!p2 $0x0  }
0x16: {  	s3 =	sld [smem:$0x3FDB];
	s0 =	simm.s32 @p2 $0x1  }
0x17: {  	s4 =	simm.s32 $0x1BF5;
	[smem:$0x3FAF] =	sst s0  }
0x18: {  	s0 =	sld [smem:$0x3F92];
	_ =	swait.ge [sflag:s4], $0x0  }
0x19: {  	s7 =	sld [smem:$0x3F93]  }
0x1a: {  	s8 =	sadd.s32 $0xFFFFE003, lr  }
0x1b: {  	s9 =	sadd.s32 $0xFFFFFEF7, lr;
	s5 =	simm.s32 $0xFFFFFFFF;
	p2 =	slt.u32 s8, $0xFFFFF086  }
0x1c: {  	p1 =	slt.u32 s9, $0xF7A;
	s5 =	simm.s32 @!p2 $0x0  }
0x1d: {  	s5 =	simm.s32 @p1 $0x1;
	p0 =	seq.s32 s7, s2  }
0x1e: {  	s7 =	smul.u32 @!p0 $0xF7A, s2;
	p2 =	seq.s32 @!p0 s5, $0x0  }
0x1f: {  	s9 =	smul.u32 $0xF7A, s1;
	s8 =	simm.s32 @!p0 $0x1BF5;
	p2 =	por !p2, p0  }
0x20: {  	[sflag:s8] =	ssyncset.s32 @!p0 $0xFFFFF086;
	s6 =	sadd.s32 @!p0 s3, s7;
	s7 =	simm.s32 @!p0 $0x108  }
0x21: {  	s3 =	sadd.s32 s3, s9;
	s6 =	sadd.s32 @!p0 $0x88, s6;
	s7 =	simm.s32 @p2 $0x1082  }
0x22: {  	[simem:s7], [sflag:s8] =	dma.local @!p0 [hbm:s6], $0xF7A  }
0x23: {  	s9 =	sor.u32 $0xD0000000, s2;
	s6 =	simm.s32 $0x108;
	_ =	swait.ge @!p0 [sflag:s8], $0x0  }
0x24: {  	s3 =	sadd.s32 $0x88, s3;
	s6 =	simm.s32 @!p1 $0x1082;
	[sflag:s4] =	ssyncset.s32 $0xFFFFF086  }
0x25: {  	[simem:s6], [sflag:s4] =	dma.local [hbm:s3], $0xF7A  }
0x26: {  	[smem:$0x3F93] =	sst s1;
	(tag) =	ssettag s2;
	_ =	strace s9  }
0x27: {  	s1 =	sld [smem:$0x3FA3]  }
0x28: {  	s2 =	sld [smem:$0x3FA4]  }
0x29: {  	s4 =	sld [smem:$0x3FA6]  }
0x2a: {  	p0 =	seq.s32 s5, $0x0;
	s5 =	sld [smem:$0x3FA7]  }
0x2b: {  	s6 =	sld [smem:$0x3FA8]  }
0x2c: {  	s7 =	sld [smem:$0x3FA9]  }
0x2d: {  	s3 =	simm.s32 $0x108;
	s8 =	sld [smem:$0x3FAA]  }
0x2e: {  	s3 =	simm.s32 @!p0 $0x1082;
	s9 =	sld [smem:$0x3FAB]  }
0x2f: {  	lr =	sadd.s32 s0, s3;
	s0 =	sld [smem:$0x3FA2]  }
0x30: {  	s3 =	sld [smem:$0x3FA5]  }
0x31: {  	[smem:$0x3FAE] =	sst s10  }
0x32: {  	s10 =	sld [smem:$0x3FAC];
	_ =	sdelay $0x3  }
0x33: {  	p0 =	seq.s32 s10, $0x1;
	s10 =	sld [smem:$0x3FAE];
	_ =	sdelay $0x3  }
0x34: {  	[smem:$0x3FAE] =	sst s10  }
0x35: {  	s10 =	sld [smem:$0x3FAD];
	_ =	sdelay $0x3  }
0x36: {  	p1 =	seq.s32 s10, $0x1;
	s10 =	sld [smem:$0x3FAE];
	_ =	sdelay $0x3  }
0x37: {  	[smem:$0x3FAE] =	sst s10  }
0x38: {  	s10 =	sld [smem:$0x3FAF]  }
0x39: {  	_ = 	snop;
	(pc) =	sbr.ind lr, $3  }
0x3a: {  	_ = 	snop  }
0x3b: {  	_ = 	snop  }
0x3c: {  	p2 =	seq.s32 s10, $0x1;
	s10 =	sld [smem:$0x3FAE]  }
0x3d: {  	_ =	shalt  }
0x3e: {  	_ =	shalt  }
0x3f: {  	_ =	shalt  }
0x40: {  	_ =	shalt  }
0x41: {  	_ =	shalt  }
0x42: {  	_ =	shalt  }
0x43: {  	_ =	shalt  }
0x44: {  	_ =	shalt  }
0x45: {  	_ =	shalt  }
0x46: {  	_ =	shalt  }
0x47: {  	_ =	shalt  }
0x48: {  	_ =	shalt  }
0x49: {  	_ =	shalt  }
0x4a: {  	_ =	shalt  }
0x4b: {  	_ =	shalt  }
0x4c: {  	_ =	shalt  }
0x4d: {  	_ =	shalt  }
0x4e: {  	_ =	shalt  }
0x4f: {  	_ =	shalt  }
0x50: {  	_ =	shalt  }
0x51: {  	_ =	shalt  }
0x52: {  	_ =	shalt  }
0x53: {  	_ =	shalt  }
0x54: {  	_ =	shalt  }
0x55: {  	_ =	shalt  }
0x56: {  	_ =	shalt  }
0x57: {  	_ =	shalt  }
0x58: {  	_ =	shalt  }
0x59: {  	_ =	shalt  }
0x5a: {  	_ =	shalt  }
0x5b: {  	_ =	shalt  }
0x5c: {  	_ =	shalt  }
0x5d: {  	_ =	shalt  }
0x5e: {  	_ =	shalt  }
0x5f: {  	_ =	shalt  }
0x60: {  	_ =	shalt  }
0x61: {  	_ =	shalt  }
0x62: {  	_ =	shalt  }
0x63: {  	_ =	shalt  }
0x64: {  	_ =	shalt  }
0x65: {  	_ =	shalt  }
0x66: {  	_ =	shalt  }
0x67: {  	_ =	shalt  }
0x68: {  	_ =	shalt  }
0x69: {  	_ =	shalt  }
0x6a: {  	_ =	shalt  }
0x6b: {  	_ =	shalt  }
0x6c: {  	_ =	shalt  }
0x6d: {  	_ =	shalt  }
0x6e: {  	_ =	shalt  }
0x6f: {  	_ =	shalt  }
0x70: {  	_ =	shalt  }
0x71: {  	_ =	shalt  }
0x72: {  	_ =	shalt  }
0x73: {  	_ =	shalt  }
0x74: {  	_ =	shalt  }
0x75: {  	_ =	shalt  }
0x76: {  	_ =	shalt  }
0x77: {  	_ =	shalt  }
0x78: {  	_ =	shalt  }
0x79: {  	_ =	shalt  }
0x7a: {  	_ =	shalt  }
0x7b: {  	_ =	shalt  }
0x7c: {  	_ =	shalt  }
0x7d: {  	_ =	shalt  }
0x7e: {  	_ =	shalt  }
0x7f: {  	_ =	shalt  }
0x80: {  	_ =	shalt  }
0x81: {  	_ =	shalt  }
0x82: {  	_ =	shalt  }
0x83: {  	_ =	shalt  }
0x84: {  	_ =	shalt  }
0x85: {  	_ =	shalt  }
0x86: {  	_ =	shalt  }
0x87: {  	_ =	shalt  }
.Lfunc_end0:
.L_simem_size_0:
called_computation_lowered:
.L_overlay_start_0:
0x88: {  	s2 =	sld [smem:$0x3FD9]  }
0x89: {  	s3 =	sld [smem:$0x3FFE];
	_ =	sdelay $0x1  }
0x8a: {  	s1 =	srdreg.scid  }
0x8b: {  	s0 =	sand.u32 $0x1, s1  }
0x8c: {  	s16 =	sshll.u32 s0, $0xA;
	s2 =	sadd.s32 s3, s2  }
0x8d: {  	s2 =	sadd.s32 s2, s16  }
0x8e: {  	[smem:$0x3FBA] =	sst s2  }
0x8f: {  	_ = 	snop  }
0x90: {  	(tm) =	ssettm $0x1  }
0x91: {  	s17 =	sld [smem:$0x3FFB];
	_ =	sdelay $0x3  }
0x92: {  	_ =	strace s17  }
0x93: {  	s2 =	sld [smem:$0x3FFC];
	_ =	sdelay $0x3  }
0x94: {  	_ =	strace s2  }
0x95: {  	s2 =	sld [smem:$0x3FFD];
	_ =	sdelay $0x3  }
0x96: {  	_ =	strace s2  }
0x97: {  	_ =	strace $0x8FFFFFFF  }
0x98: {  	s18 =	sld [smem:$0x3FDB];
	_ =	sdelay $0x1  }
0x99: {  	s19 =	simm.s32 $_scs_section_size  }
0x9a: {  	s4 =	simm.s32 $_size__tile_overlayer_lowered;
	s5 =	simm.s32 $_tile_overlayer_lowered  }
0x9b: {  	s22 =	simm.s32 $0x1BFF;
	s21 =	sshll.u32 s5, $0x1;
	s2 =	sadd.s32 s19, s18  }
0x9c: {  	s6 =	simm.s32 $0x0;
	s20 =	sshll.u32 s4, $0x1;
	s4 =	sadd.s32 s21, s2  }
0x9d: {  	[timem:s6], [sflag:s22] =	dma.local [hbm:s4], s20  }
0x9e: {  	_ =	swait.ge [sflag:s22], s20  }
0x9f: {  	s3 =	ssub.s32 $0x0, s20;
	[sflag:s22] =	ssyncset.done $0x0  }
0xa0: {  	[sflag:s22] =	ssyncadd.s32 s3;
	_ =	sdelay $0x1  }
0xa1: {  	s23 =	simm.s32 $0x1B8B  }
0xa2: {  	_ =	swait.ge [sflag:s23], $0x1  }
0xa3: {  	[sflag:s23] =	ssyncset.done $0x0  }
0xa4: {  	s25 =	simm.s32 $0x1B8E;
	s24 =	sld [smem:$0x3FFE];
	[sflag:s23] =	ssyncadd.s32 $0xFFFFFFFF  }
0xa5: {  	s26 =	simm.s32 $execute0_lowered;
	[smem:$0x3FD2] =	sst s25  }
0xa6: {  	s4 =	sshll.u32 s26, $0x1;
	_ =	strace $0x80000046;
	[dreg:$0x1] =	wrdreg $0xFFFFFFFF  }
0xa7: {  	s28 =	simm.s32 $_size_execute0_lowered;
	s2 =	sadd.s32 s2, s4;
	[dreg:$0x0] =	wrdreg $0x0  }
0xa8: {  	s4 =	sshll.u32 s28, $0x1;
	[dreg:$0x2] =	wrdreg s2  }
0xa9: {  	[dreg:$0x3] =	wrdreg s4  }
0xaa: {  	[dreg:$0x4] =	wrdreg $0xC0  }
0xab: {  	_ =	task [dreg:s6], $0x5FFFF  }
0xac: {  	[dreg:$0x1] =	wrdreg $0xFFFFFFFF  }
0xad: {  	[dreg:$0x0] =	wrdreg $0x60  }
0xae: {  	[dreg:$0x2] =	wrdreg s24  }
0xaf: {  	[dreg:$0x3] =	wrdreg $0x42800  }
0xb0: {  	[dreg:$0x4] =	wrdreg $0x9  }
0xb1: {  	_ =	task.clear_ibuf [dreg:s6], $0x5FFFF;
	_ =	strace $0x90000046  }
0xb2: {  	s29 =	simm.s32 $0x9;
	_ =	strace $0x80000048  }
0xb3: {  	_ =	swait.ge [sflag:s29], $0x1  }
0xb4: {  	[sflag:s29] =	ssyncadd.s32 $0xFFFFFFFF  }
0xb5: {  	_ =	strace $0x90000048  }
0xb6: {  	_ =	sfence  }
0xb7: {  	s30 =	sld [smem:$0x0];
	_ =	sdelay $0x2  }
0xb8: {  	s31 =	sshll.u32 s1, $0xD;
	s1 =	sshrl.u32 s1, $0x2  }
0xb9: {  	s3 =	sand.u32 $0x4000, s31;
	s1 =	sadd.s32 s1, s30  }
0xba: {  	s0 =	sor.u32 s3, s0;
	s1 =	sshll.u32 s1, $0x11  }
0xbb: {  	s0 =	sor.u32 s1, s0  }
0xbc: {  	s0 =	sadd.s32 $0x8F2B, s0  }
0xbd: {  	[sflag:s0] =	ssyncadd.remote.s32 $0x1  }
0xbe: {  	_ =	sfence.sel $0xFFFF  }
0xbf: {  	[dreg:$0x0] =	wrdreg $0xFFFFFFFF;
	(pc) =	sbr.abs _section_cstart, $3  }
0xc0: {  	[dreg:$0x1] =	wrdreg $0xFFFFFFFF  }
0xc1: {  	_ =	task.clear_ibuf [dreg:s6], $0x2FFFF;
	_ =	strace $0x9FFFFFFF  }
0xc2: {  	(tm) =	ssettm $0x7FFFFFFF  }
0xc3: {  	_ =	shalt  }
tec
execute0_lowered:
.L_overlay_start_1:
0x0: {  	(tag) =	ssettag $0x1  }
0x1: {  	s14 =	stileid.u32  }
0x2: {  	s3 =	srdreg.scid;
	s7 =	smul.u32 $0x1900, s14  }
0x3: {  	s3 =	sand.u32 $0x1, s3;
	s9 =	smul.u32 $0x1F400, s14  }
0x4: {  	s0 =	rddreg [dreg:$0x0];
	s10 =	sor.u32 $0x10, s14;
	s4 =	smul.u32 $0x30D40, s3  }
0x5: {  	s1 =	rddreg [dreg:$0x1];
	s11 =	sor.u32 $0x20, s14;
	s20 =	smul.u32 $0x1F400, s10  }
0x6: {  	s2 =	simm.s32 $0x0;
	s12 =	sor.u32 $0x30, s14;
	s21 =	smul.u32 $0x1F400, s11  }
0x7: {  	[smem:$0x7FF] =	sst s2;
	s13 =	smul.u32 $0x1F400, s12  }
0x8: {  	s6 =	sadd.s32 $0x3600, s0;
	s8 =	sadd.s32 $0x1C600, s0;
	s23 =	smul.u32 $0x7D00, s10  }
0x9: {  	_ =	strace $0x80000047;
	s3 =	ssub.s32 $0x2, s3;
	s25 =	smul.u32 $0x7D00, s11  }
0xa: {  	s28 =	smul.u32 $0x7D00, s12;
	p0 =	sgt.u32 s12, $0x31;
	s10 =	simm.s32 $0x6  }
0xb: {  	s19 =	sshrl.u32 s3, $0x1;
	s5 =	sadd.s32 s8, s7;
	s9 =	sshrl.u32 s9, $0x2  }
0xc: {  	s0 =	sadd.s32 s4, s0;
	s3 =	ssub.s32 s3, s19;
	s4 =	sadd.s32 s6, s7  }
0xd: {  	s7 =	sor.u32 $0x20, s7;
	s15 =	sadd.s32 s9, s1;
	s9 =	smul.u32 $0x7D00, s14  }
0xe: {  	s30 =	sshrl.u32 s23, $0x3;
	s6 =	sadd.s32 s6, s7;
	[dreg:$0x5] =	wrdreg s15  }
0xf: {  	s31 =	sshrl.u32 s25, $0x3;
	s7 =	sadd.s32 s8, s7;
	[dreg:$0x3] =	wrdreg s6  }
0x10: {  	s12 =	sshrl.u32 s28, $0x3;
	s3 =	smax.u32 s3, $0x1;
	[dreg:$0x4] =	wrdreg s7  }
0x11: {  	s14 =	simm.s32 $0x380;
	s22 =	sadd.s32 $0x1F40, s15;
	[dreg:$0x6] =	wrdreg s3  }
0x12: {  	s8 =	sadd.s32 $0x35600, s0;
	s24 =	sadd.s32 $0x3E80, s15;
	[dreg:$0x7] =	wrdreg s22  }
0x13: {  	s0 =	sadd.s32 $0x97200, s0;
	s26 =	sadd.s32 $0x5DC0, s15;
	[dreg:$0x8] =	wrdreg s24  }
0x14: {  	s15 =	simm.s32 $0x300;
	s6 =	sshrl.u32 s20, $0x2;
	[dreg:$0x9] =	wrdreg s26  }
0x15: {  	s29 =	sshrl.u32 s9, $0x3;
	s17 =	sadd.s32 s30, s0;
	s18 =	sadd.s32 s31, s0  }
0x16: {  	s20 =	sshrl.u32 s21, $0x2;
	s21 =	sshrl.u32 s13, $0x2;
	s22 =	sadd.s32 s9, s1  }
0x17: {  	s3 =	sadd.s32 s23, s1;
	s23 =	sadd.s32 s25, s1;
	s7 =	simm.s32 $0x400  }
0x18: {  	s13 =	simm.s32 $0x200;
	s9 =	simm.s32 $0x2340;
	[dreg:$0xc] =	wrdreg s17  }
0x19: {  	s16 =	sadd.s32 s6, s1;
	s11 =	sadd.s32 s29, s0;
	[dreg:$0xd] =	wrdreg s18  }
0x1a: {  	s0 =	sadd.s32 @!p0 s12, s0;
	s20 =	sadd.s32 s20, s1;
	s21 =	sadd.s32 s21, s1  }
0x1b: {  	s6 =	sadd.s32 s28, s1;
	s24 =	sshrl.u32 s3, $0x3;
	[dreg:$0xb] =	wrdreg s11  }
0x1c: {  	s25 =	sshrl.u32 s23, $0x3;
	s12 =	simm.s32 $0x100;
	[dreg:$0xe] =	wrdreg s0  }
0x1d: {  	s17 =	simm.s32 $0x7D;
	s18 =	simm.s32 $0x13A0;
	[dreg:$0x11] =	wrdreg s24  }
0x1e: {  	s23 =	simm.s32 $0x32E0;
	s19 =	sadd.s32 $0x1F40, s16;
	[dreg:$0x12] =	wrdreg s25  }
0x1f: {  	s0 =	sshrl.u32 s22, $0x3;
	s26 =	sadd.s32 $0x3E80, s16;
	[dreg:$0xa] =	wrdreg s16  }
0x20: {  	s28 =	sadd.s32 $0x5DC0, s16;
	s29 =	sadd.s32 $0x1F40, s20;
	[dreg:$0xf] =	wrdreg s19  }
0x21: {  	s30 =	sadd.s32 $0x3E80, s20;
	s31 =	sadd.s32 $0x5DC0, s20;
	[dreg:$0x10] =	wrdreg s0  }
0x22: {  	s3 =	sadd.s32 $0x3E80, s21;
	s11 =	simm.s32 $0x5;
	[dreg:$0x14] =	wrdreg s26  }
.Ltmp0:
0x23: {  	s16 =	simm.s32 $0x1;
	[dreg:$0x15] =	wrdreg s28;
	(pc) =	sbr.rel .LBB2_1-.Ltmp0, $4  }
0x24: {  	s22 =	simm.s32 $0x280;
	s24 =	simm.s32 $0x3;
	[dreg:$0x16] =	wrdreg s29  }
0x25: {  	s25 =	simm.s32 $0x180;
	s0 =	sshrl.u32 @!p0 s6, $0x3;
	[dreg:$0x17] =	wrdreg s30  }
0x26: {  	[dreg:$0x18] =	wrdreg s31;
	s6 =	sadd.s32 $0x5DC0, s21;
	s19 =	simm.s32 $0x2  }
0x27: {  	v0 =	vimm.f32 $0.0e+00;
	s26 =	simm.s32 $0x0;
	[dreg:$0x13] =	wrdreg s0;
	s0 =	sadd.s32 $0x1F40, s21  }
.LBB2_6:
0x28: {  	s28 =	stileid.u32;
	[bflag:$0x0] =	sbarrier.arrive $0xFFFF  }
0x29: {  	s28 =	sshll.u32 s28, $0x6;
	s29 =	rddreg [dreg:$0xb]  }
0x2a: {  	s30 =	rddreg [dreg:$0x10];
	s28 =	sor.u32 $0x1C05, s28  }
0x2b: {  	[hbm:s29], [sflag:s28] =	dma.local [spmem:s30], $0xFA0  }
0x2c: {  	_ =	swait.ge [sflag:s11], $0xFA0  }
0x2d: {  	[sflag:s11] =	ssyncset.done $0x0;
	s29 =	rddreg [dreg:$0xc]  }
0x2e: {  	s31 =	rddreg [dreg:$0x11];
	[sflag:s11] =	ssyncadd.s32 $0xFFFFF060  }
0x2f: {  	[hbm:s29], [sflag:s28] =	dma.local [spmem:s31], $0xFA0  }
0x30: {  	_ =	swait.ge [sflag:s11], $0xFA0  }
0x31: {  	[sflag:s11] =	ssyncset.done $0x0;
	s29 =	rddreg [dreg:$0xd]  }
0x32: {  	s31 =	rddreg [dreg:$0x12];
	[sflag:s11] =	ssyncadd.s32 $0xFFFFF060  }
0x33: {  	[hbm:s29], [sflag:s28] =	dma.local [spmem:s31], $0xFA0  }
0x34: {  	_ =	swait.ge [sflag:s11], $0xFA0  }
0x35: {  	[sflag:s11] =	ssyncset.done $0x0;
	s29 =	rddreg [dreg:$0xe]  }
0x36: {  	s30 =	rddreg [dreg:$0x13];
	[sflag:s11] =	ssyncadd.s32 $0xFFFFF060  }
0x37: {  	[hbm:s29], [sflag:s28] =	dma.local @!p0 [spmem:s30], $0xFA0  }
0x38: {  	s28 =	simm.s32 @!p0 $0x5  }
0x39: {  	_ =	swait.ge @!p0 [sflag:s28], $0xFA0  }
0x3a: {  	s26 =	sadd.s32 $0x1, s26;
	s31 =	rddreg [dreg:$0x6]  }
0x3b: {  	p1 =	sne.s32 s26, s31  }
.Ltmp1:
0x3c: {  	_ = 	snop;
	(pc) =	sbr.rel @!p1 .LBB2_7-.Ltmp1, $3  }
0x3d: {  	_ =	sdelay $0x1  }
0x3e: {  	[sflag:s28] =	ssyncset.done @!p0 $0x0  }
0x3f: {  	[sflag:s28] =	ssyncadd.s32 @!p0 $0xFFFFF060  }
.LBB2_1:
0x40: {  	s28 =	simm.s32 $0x80;
	s29 =	simm.s32 $0x0  }
.LBB2_2:
0x41: {  	p1 =	sne.s32 s28, $0x7C80;
	[tilespmem:s29+$0x400] =	vst v0;
	s30 =	smov.u32 s28;
	s28 =	sadd.s32 $0x80, s28  }
.Ltmp2:
0x42: {  	[tilespmem:s29+$0x410] =	vst v0;
	(pc) =	sbr.rel @p1 .LBB2_2-.Ltmp2, $2  }
0x43: {  	_ =	sdelay $0x2  }
0x44: {  	s29 =	sshra.s32 s30, $0x2  }
0x45: {  	[tilespmem:s29+$0x400] =	vst v0  }
0x46: {  	[tilespmem:s29+$0x410] =	vst v0;
	s28 =	rddreg [dreg:$0x5]  }
0x47: {  	[spmem:s28] =	stream.linear.scatter [tilespmem:s7], [sflag:$0x6], $0x1F40, $0x38;
	[tilespmem:$0x1C920] =	vst v63  }
0x48: {  	_ =	swait.ge [sflag:s10], $0x1F40  }
0x49: {  	[sflag:s10] =	ssyncset.done $0x0  }
0x4a: {  	s28 =	rddreg [dreg:$0x7];
	[sflag:s10] =	ssyncadd.s32 $0xFFFFE0C0  }
0x4b: {  	[spmem:s28] =	stream.linear.scatter [tilespmem:s7], [sflag:$0x6], $0x1F40, $0x38;
	[tilespmem:$0x1C920] =	vst v63  }
0x4c: {  	_ =	swait.ge [sflag:s10], $0x1F40  }
0x4d: {  	[sflag:s10] =	ssyncset.done $0x0  }
0x4e: {  	s28 =	rddreg [dreg:$0x8];
	[sflag:s10] =	ssyncadd.s32 $0xFFFFE0C0  }
0x4f: {  	[spmem:s28] =	stream.linear.scatter [tilespmem:s7], [sflag:$0x6], $0x1F40, $0x38;
	[tilespmem:$0x1C920] =	vst v63  }
0x50: {  	_ =	swait.ge [sflag:s10], $0x1F40  }
0x51: {  	[sflag:s10] =	ssyncset.done $0x0  }
0x52: {  	s28 =	rddreg [dreg:$0x9];
	[sflag:s10] =	ssyncadd.s32 $0xFFFFE0C0  }
0x53: {  	[spmem:s28] =	stream.linear.scatter [tilespmem:s7], [sflag:$0x5], $0x1F40, $0x38;
	[tilespmem:$0x1C920] =	vst v63  }
0x54: {  	_ =	swait.ge [sflag:s11], $0x1F40  }
0x55: {  	[sflag:s11] =	ssyncset.done $0x0  }
0x56: {  	s28 =	rddreg [dreg:$0xa];
	[sflag:s11] =	ssyncadd.s32 $0xFFFFE0C0  }
0x57: {  	[spmem:s28] =	stream.linear.scatter [tilespmem:s7], [sflag:$0x6], $0x1F40, $0x38;
	[tilespmem:$0x1C920] =	vst v63  }
0x58: {  	_ =	swait.ge [sflag:s10], $0x1F40  }
0x59: {  	[sflag:s10] =	ssyncset.done $0x0  }
0x5a: {  	s28 =	rddreg [dreg:$0xf];
	[sflag:s10] =	ssyncadd.s32 $0xFFFFE0C0  }
0x5b: {  	[spmem:s28] =	stream.linear.scatter [tilespmem:s7], [sflag:$0x6], $0x1F40, $0x38;
	[tilespmem:$0x1C920] =	vst v63  }
0x5c: {  	_ =	swait.ge [sflag:s10], $0x1F40  }
0x5d: {  	[sflag:s10] =	ssyncset.done $0x0  }
0x5e: {  	s28 =	rddreg [dreg:$0x14];
	[sflag:s10] =	ssyncadd.s32 $0xFFFFE0C0  }
0x5f: {  	[spmem:s28] =	stream.linear.scatter [tilespmem:s7], [sflag:$0x6], $0x1F40, $0x38;
	[tilespmem:$0x1C920] =	vst v63  }
0x60: {  	_ =	swait.ge [sflag:s10], $0x1F40  }
0x61: {  	[sflag:s10] =	ssyncset.done $0x0  }
0x62: {  	s28 =	rddreg [dreg:$0x15];
	[sflag:s10] =	ssyncadd.s32 $0xFFFFE0C0  }
0x63: {  	[spmem:s28] =	stream.linear.scatter [tilespmem:s7], [sflag:$0x5], $0x1F40, $0x38;
	[tilespmem:$0x1C920] =	vst v63  }
0x64: {  	_ =	swait.ge [sflag:s11], $0x1F40  }
0x65: {  	[sflag:s11] =	ssyncset.done $0x0  }
0x66: {  	[sflag:s11] =	ssyncadd.s32 $0xFFFFE0C0  }
0x67: {  	[spmem:s20] =	stream.linear.scatter [tilespmem:s7], [sflag:$0x6], $0x1F40, $0x38;
	[tilespmem:$0x1C920] =	vst v63  }
0x68: {  	_ =	swait.ge [sflag:s10], $0x1F40  }
0x69: {  	[sflag:s10] =	ssyncset.done $0x0  }
0x6a: {  	s28 =	rddreg [dreg:$0x16];
	[sflag:s10] =	ssyncadd.s32 $0xFFFFE0C0  }
0x6b: {  	[spmem:s28] =	stream.linear.scatter [tilespmem:s7], [sflag:$0x6], $0x1F40, $0x38;
	[tilespmem:$0x1C920] =	vst v63  }
0x6c: {  	_ =	swait.ge [sflag:s10], $0x1F40  }
0x6d: {  	[sflag:s10] =	ssyncset.done $0x0  }
0x6e: {  	s28 =	rddreg [dreg:$0x17];
	[sflag:s10] =	ssyncadd.s32 $0xFFFFE0C0  }
0x6f: {  	[spmem:s28] =	stream.linear.scatter [tilespmem:s7], [sflag:$0x6], $0x1F40, $0x38;
	[tilespmem:$0x1C920] =	vst v63  }
0x70: {  	_ =	swait.ge [sflag:s10], $0x1F40  }
0x71: {  	[sflag:s10] =	ssyncset.done $0x0  }
0x72: {  	s28 =	rddreg [dreg:$0x18];
	[sflag:s10] =	ssyncadd.s32 $0xFFFFE0C0  }
0x73: {  	[spmem:s28] =	stream.linear.scatter [tilespmem:s7], [sflag:$0x5], $0x1F40, $0x38;
	[tilespmem:$0x1C920] =	vst v63  }
0x74: {  	_ =	swait.ge [sflag:s11], $0x1F40  }
0x75: {  	[sflag:s11] =	ssyncset.done $0x0  }
0x76: {  	s29 =	simm.s32 @!p0 $0x6;
	s28 =	simm.s32 @!p0 $0x400;
	[sflag:s11] =	ssyncadd.s32 $0xFFFFE0C0  }
0x77: {  	[spmem:s21] =	stream.linear.scatter @!p0 [tilespmem:s28], [sflag:$0x6], $0x1F40, $0x38;
	[tilespmem:$0x1C920] =	vst v63  }
0x78: {  	_ =	swait.ge @!p0 [sflag:s29], $0x1F40  }
0x79: {  	[sflag:s29] =	ssyncset.done @!p0 $0x0  }
0x7a: {  	[sflag:s29] =	ssyncadd.s32 @!p0 $0xFFFFE0C0  }
0x7b: {  	[spmem:s0] =	stream.linear.scatter @!p0 [tilespmem:s28], [sflag:$0x6], $0x1F40, $0x38;
	[tilespmem:$0x1C920] =	vst v63  }
0x7c: {  	_ =	swait.ge @!p0 [sflag:s29], $0x1F40  }
0x7d: {  	[sflag:s29] =	ssyncset.done @!p0 $0x0  }
0x7e: {  	[sflag:s29] =	ssyncadd.s32 @!p0 $0xFFFFE0C0  }
0x7f: {  	[spmem:s3] =	stream.linear.scatter @!p0 [tilespmem:s28], [sflag:$0x6], $0x1F40, $0x38;
	[tilespmem:$0x1C920] =	vst v63  }
0x80: {  	_ =	swait.ge @!p0 [sflag:s29], $0x1F40  }
0x81: {  	[sflag:s29] =	ssyncset.done @!p0 $0x0  }
0x82: {  	[sflag:s29] =	ssyncadd.s32 @!p0 $0xFFFFE0C0  }
0x83: {  	[spmem:s6] =	stream.linear.scatter @!p0 [tilespmem:s28], [sflag:$0x5], $0x1F40, $0x38;
	[tilespmem:$0x1C920] =	vst v63  }
0x84: {  	s28 =	simm.s32 @!p0 $0x5  }
0x85: {  	_ =	swait.ge @!p0 [sflag:s28], $0x1F40  }
0x86: {  	[sflag:s28] =	ssyncset.done @!p0 $0x0  }
0x87: {  	[sflag:s28] =	ssyncadd.s32 @!p0 $0xFFFFE0C0  }
0x88: {  	[bflag:$0x0] =	sbarrier.arrive $0xFFFF  }
0x89: {  	[tilespmem:s2], [sflag:$0x1] =	stream.linear.gather [hbm4b:s4+s2], $0x100, $0x38;
	[tilespmem:$0x1C920] =	vst v63  }
0x8a: {  	_ = 	snop  }
0x8b: {  	[tilespmem:s12], [sflag:$0x1] =	stream.linear.gather [hbm4b:s5+s2], $0x100, $0x38;
	[tilespmem:$0x1C920] =	vst v63  }
0x8c: {  	s28 =	rddreg [dreg:$0x3]  }
0x8d: {  	[tilespmem:s13], [sflag:$0x2] =	stream.linear.gather [hbm4b:s28+s2], $0x100, $0x38;
	[tilespmem:$0x1C920] =	vst v63  }
0x8e: {  	s28 =	rddreg [dreg:$0x4]  }
0x8f: {  	[tilespmem:s15], [sflag:$0x2] =	stream.linear.gather [hbm4b:s28+s2], $0x100, $0x38;
	[tilespmem:$0x1C920] =	vst v63  }
0x90: {  	_ =	swait.ge [sflag:s16], $0x100  }
0x91: {  	[sflag:s16] =	ssyncset.done $0x0  }
0x92: {  	[sflag:s16] =	ssyncadd.s32 $0xFFFFFF00  }
0x93: {  	_ =	swait.ge [sflag:s16], $0x100  }
0x94: {  	[sflag:s16] =	ssyncset.done $0x0  }
0x95: {  	[sflag:s16] =	ssyncadd.s32 $0xFFFFFF00  }
0x96: {  	[tilespmem:s7], [sflag:$0x3] =	stream.indirect.gather [hbm4b:s8+s17], $0x20, s2, s17, $0xb8;
	[tilespmem:$0x1C920] =	vst v63  }
0x97: {  	s28 =	simm.s32 $0x80  }
0x98: {  	[tilespmem:s18], [sflag:$0x3] =	stream.indirect.gather [hbm4b:s8+s17], $0x20, s28, s17, $0xb8;
	[tilespmem:$0x1C920] =	vst v63  }
0x99: {  	s28 =	simm.s32 $0xFFFFE740  }
.LBB2_4:
0x9a: {  	_ =	swait.ge [sflag:s19], $0x100  }
0x9b: {  	[sflag:s19] =	ssyncset.done $0x0  }
0x9c: {  	[sflag:s19] =	ssyncadd.s32 $0xFFFFFF00  }
0x9d: {  	_ =	swait.ge [sflag:s19], $0x100  }
0x9e: {  	[sflag:s19] =	ssyncset.done $0x0  }
0x9f: {  	[sflag:s19] =	ssyncadd.s32 $0xFFFFFF00  }
0xa0: {  	[tilespmem:s9], [sflag:$0x4] =	stream.indirect.gather [hbm4b:s8+s17], $0x20, s13, s17, $0xb8;
	[tilespmem:$0x1C920] =	vst v63  }
0xa1: {  	_ = 	snop  }
0xa2: {  	[tilespmem:s23], [sflag:$0x4] =	stream.indirect.gather [hbm4b:s8+s17], $0x20, s22, s17, $0xb8;
	[tilespmem:$0x1C920] =	vst v63  }
0xa3: {  	_ =	swait.ge [sflag:s24], $0xFA0  }
0xa4: {  	[sflag:s24] =	ssyncset.done $0x0  }
0xa5: {  	[sflag:s24] =	ssyncadd.s32 $0xFFFFF060  }
0xa6: {  	_ =	swait.ge [sflag:s24], $0xFA0  }
0xa7: {  	[sflag:s24] =	ssyncset.done $0x0  }
0xa8: {  	[sflag:s24] =	ssyncadd.s32 $0xFFFFF060  }
0xa9: {  	[spmem:s1] =	stream.indirect.scatter.add.f32 [tilespmem:s7], [sflag:$0x5], $0x20, s12, s17, $0xb8;
	[tilespmem:$0x1C920] =	vst v63  }
0xaa: {  	_ =	swait.ge [sflag:s11], $0xFA0  }
0xab: {  	[sflag:s11] =	ssyncset.done $0x0  }
0xac: {  	[sflag:s11] =	ssyncadd.s32 $0xFFFFF060  }
0xad: {  	[spmem:s1] =	stream.indirect.scatter.add.f32 [tilespmem:s18], [sflag:$0x5], $0x20, s25, s17, $0xb8;
	[tilespmem:$0x1C920] =	vst v63  }
0xae: {  	_ =	swait.ge [sflag:s11], $0xFA0  }
0xaf: {  	p1 =	seq.s32 s28, $0x0;
	[sflag:s11] =	ssyncset.done $0x0  }
0xb0: {  	s29 =	simm.s32 @p1 $0x4;
	[sflag:s11] =	ssyncadd.s32 $0xFFFFF060  }
0xb1: {  	_ =	swait.ge @p1 [sflag:s29], $0xFA0  }
0xb2: {  	[sflag:s29] =	ssyncset.done @p1 $0x0  }
0xb3: {  	[sflag:s29] =	ssyncadd.s32 @p1 $0xFFFFF060  }
0xb4: {  	_ =	swait.ge @p1 [sflag:s29], $0xFA0  }
0xb5: {  	s30 =	sadd.s32 @!p1 s28, s4;
	[sflag:s29] =	ssyncset.done @p1 $0x0  }
0xb6: {  	[sflag:s29] =	ssyncadd.s32 @p1 $0xFFFFF060;
	s29 =	sadd.s32 @!p1 $0x1900, s30;
	s30 =	simm.s32 @!p1 $0x0  }
0xb7: {  	[tilespmem:s30], [sflag:$0x1] =	stream.linear.gather @!p1 [hbm4b:s29+s30], $0x100, $0x38;
	[tilespmem:$0x1C920] =	vst v63  }
0xb8: {  	s29 =	sadd.s32 @!p1 s28, s5  }
0xb9: {  	s31 =	simm.s32 @!p1 $0x100;
	s29 =	sadd.s32 @!p1 $0x1900, s29  }
0xba: {  	[tilespmem:s31], [sflag:$0x1] =	stream.linear.gather @!p1 [hbm4b:s29+s30], $0x100, $0x38;
	[tilespmem:$0x1C920] =	vst v63  }
0xbb: {  	s29 =	simm.s32 @!p1 $0x4  }
0xbc: {  	_ =	swait.ge @!p1 [sflag:s29], $0xFA0  }
0xbd: {  	[sflag:s29] =	ssyncset.done @!p1 $0x0  }
0xbe: {  	[sflag:s29] =	ssyncadd.s32 @!p1 $0xFFFFF060  }
0xbf: {  	_ =	swait.ge @!p1 [sflag:s29], $0xFA0  }
0xc0: {  	[sflag:s29] =	ssyncset.done @!p1 $0x0  }
0xc1: {  	[sflag:s29] =	ssyncadd.s32 @!p1 $0xFFFFF060;
	s29 =	simm.s32 @!p1 $0x1  }
0xc2: {  	_ =	swait.ge @!p1 [sflag:s29], $0x100  }
0xc3: {  	[sflag:s29] =	ssyncset.done @!p1 $0x0  }
0xc4: {  	[sflag:s29] =	ssyncadd.s32 @!p1 $0xFFFFFF00  }
0xc5: {  	_ =	swait.ge @!p1 [sflag:s29], $0x100  }
0xc6: {  	[sflag:s29] =	ssyncset.done @!p1 $0x0  }
0xc7: {  	s31 =	simm.s32 @!p1 $0x400;
	[sflag:s29] =	ssyncadd.s32 @!p1 $0xFFFFFF00;
	s29 =	simm.s32 @!p1 $0x7D  }
0xc8: {  	[tilespmem:s31], [sflag:$0x3] =	stream.indirect.gather @!p1 [hbm4b:s8+s29], $0x20, s30, s29, $0xb8;
	[tilespmem:$0x1C920] =	vst v63  }
0xc9: {  	s30 =	simm.s32 @!p1 $0x80;
	s31 =	simm.s32 @!p1 $0x13A0  }
0xca: {  	[tilespmem:s31], [sflag:$0x3] =	stream.indirect.gather @!p1 [hbm4b:s8+s29], $0x20, s30, s29, $0xb8;
	[tilespmem:$0x1C920] =	vst v63  }
0xcb: {  	_ = 	snop  }
0xcc: {  	[spmem:s1] =	stream.indirect.scatter.add.f32 [tilespmem:s9], [sflag:$0x5], $0x20, s15, s17, $0xb8;
	[tilespmem:$0x1C920] =	vst v63  }
0xcd: {  	_ =	swait.ge [sflag:s11], $0xFA0  }
0xce: {  	[sflag:s11] =	ssyncset.done $0x0  }
.Ltmp3:
0xcf: {  	[sflag:s11] =	ssyncadd.s32 $0xFFFFF060;
	(pc) =	sbr.rel @p1 .LBB2_6-.Ltmp3, $4  }
0xd0: {  	[spmem:s1] =	stream.indirect.scatter.add.f32 [tilespmem:s23], [sflag:$0x5], $0x20, s14, s17, $0xb8;
	[tilespmem:$0x1C920] =	vst v63  }
0xd1: {  	_ =	swait.ge [sflag:s11], $0xFA0  }
0xd2: {  	[sflag:s11] =	ssyncset.done $0x0  }
0xd3: {  	[sflag:s11] =	ssyncadd.s32 $0xFFFFF060  }
.Ltmp4:
0xd4: {  	s29 =	sadd.s32 s28, s4;
	(pc) =	sbr.rel .LBB2_4-.Ltmp4, $4  }
0xd5: {  	s31 =	sadd.s32 s28, s5;
	s29 =	sadd.s32 $0x1920, s29  }
0xd6: {  	[tilespmem:s13], [sflag:$0x2] =	stream.linear.gather [hbm4b:s29+s2], $0x100, $0x38;
	[tilespmem:$0x1C920] =	vst v63  }
0xd7: {  	s28 =	sadd.s32 $0x40, s28;
	s29 =	sadd.s32 $0x1920, s31  }
0xd8: {  	[tilespmem:s15], [sflag:$0x2] =	stream.linear.gather [hbm4b:s29+s2], $0x100, $0x38;
	[tilespmem:$0x1C920] =	vst v63  }
.LBB2_7:
0xd9: {  	_ =	sfence.sel $0x180000  }
0xda: {  	[bflag:$0x0] =	sbarrier.arrive $0xFFFF  }
0xdb: {  	_ =	strace $0x90000047  }
0xdc: {  	s0 =	stileid.u32;
	[bflag:$0x2] =	sbarrier.arrive $0xFFFF  }
0xdd: {  	p0 =	sne.s32 s0, $0x0;
	s0 =	rddreg [dreg:$0x2]  }
0xde: {  	s0 =	sadd.s32 @!p0 $0x100000, s0  }
0xdf: {  	[sflag:s0] =	ssyncadd.tile.s32 @!p0 $0x1;
	_ =	shalt  }
.Lfunc_end2:
_tile_overlayer_lowered:
.L_overlay_start_2:
0xe0: {  	(tag) =	ssettag $0x2  }
0xe1: {  	s0 =	rddreg [dreg:$0x0];
	s2 =	stileid.u32  }
0xe2: {  	s1 =	rddreg [dreg:$0x1];
	p0 =	sne.s32 s2, $0x0  }
0xe3: {  	s3 =	rddreg [dreg:$0x2];
	[bflag:$0x3] =	sbarrier.arrive $0xFFFF;
	s2 =	simm.s32 @!p0 $0x1C05  }
0xe4: {  	[timem:s3], [sflag:s2] =	dma.local @!p0 [hbm:s0], s1  }
0xe5: {  	s0 =	simm.s32 @!p0 $0x5  }
0xe6: {  	_ =	swait.ge @!p0 [sflag:s0], s1  }
0xe7: {  	s1 =	ssub.s32 @!p0 $0x0, s1;
	[sflag:s0] =	ssyncset.done @!p0 $0x0  }
0xe8: {  	[sflag:s0] =	ssyncadd.s32 @!p0 s1  }
0xe9: {  	[bflag:$0x3] =	sbarrier.arrive $0xFFFF  }
0xea: {  	_ =	shalt  }

</sc_bundles>
